<compile_context>
chip_gen: v7x
topology: tpu7x:2x2x1
jax: 0.10.2.dev20260603
libtpu: 0.0.44.dev20260713+nightly
codegen_flags: <defaults>
</compile_context>

<pallas_src>
import jax
import jax.numpy as jnp
from jax import lax
from jax.experimental import pallas as pl
from jax.experimental.pallas import tpu as pltpu, tpu_sc as plsc

BATCH = 4096
NCOL = 16384
GRID_W = 128

NC, NS, NL = 2, 16, 16
NW = NC * NS
NVREG = NCOL // NL
UNROLL = 8
STEPS = NVREG // UNROLL
GROUP = NL // 2
NBUF = 4

SPLIT = 2816
RS = SPLIT // NW
NGROUP = RS // GROUP

TC_ROWS = BATCH - SPLIT
BR = 32
CW = 1024


def _merge(v1, i1, v2, i2):
    take2 = (v2 < v1) | ((v2 == v1) & (i2 < i1))
    return jnp.where(take2, v2, v1), jnp.where(take2, i2, i1)


def _row_argmin(row_ref):
    inf = jnp.full((NL,), jnp.inf, jnp.float32)
    zero = jnp.zeros((NL,), jnp.int32)
    init = (inf,) * UNROLL + (zero,) * UNROLL

    def body(i, carry):
        bv = list(carry[:UNROLL])
        bj = list(carry[UNROLL:])
        for u in range(UNROLL):
            jj = i * UNROLL + u
            v = row_ref[pl.ds(jj * NL, NL)]
            m = v < bv[u]
            bv[u] = jnp.where(m, v, bv[u])
            bj[u] = jnp.where(m, jnp.full((NL,), jj, jnp.int32), bj[u])
        return tuple(bv) + tuple(bj)

    res = lax.fori_loop(0, STEPS, body, init)
    lane = lax.iota(jnp.int32, NL)
    bv, bi = res[0], res[UNROLL] * NL + lane
    for u in range(1, UNROLL):
        bv, bi = _merge(bv, bi, res[u], res[UNROLL + u] * NL + lane)
    minv = jnp.full((NL,), jnp.sort(bv)[0], jnp.float32)
    cand = jnp.where(bv == minv, bi, jnp.full((NL,), NCOL, jnp.int32))
    return jnp.sort(cand)[0]


def _sc_body(d_hbm, out_hbm, buf0, buf1, buf2, buf3, outb,
             sem0, sem1, sem2, sem3):
    wid = lax.axis_index("s") * NC + lax.axis_index("c")
    base = wid * RS
    bufs = (buf0, buf1, buf2, buf3)
    sems = (sem0, sem1, sem2, sem3)
    lane = lax.iota(jnp.int32, NL)

    for s in range(NBUF - 1):
        pltpu.async_copy(d_hbm.at[base + s], bufs[s], sems[s])

    def group(g, carry):
        res = jnp.zeros((NL,), jnp.float32)
        for q in range(GROUP):
            s = q % NBUF
            sn = (q + NBUF - 1) % NBUF
            r = g * GROUP + q
            row = base + r
            pltpu.make_async_copy(d_hbm.at[row], bufs[s], sems[s]).wait()

            @pl.when(r + NBUF - 1 < RS)
            def _():
                pltpu.async_copy(
                    d_hbm.at[row + NBUF - 1], bufs[sn], sems[sn])

            midx = _row_argmin(bufs[s])
            rowf = midx.astype(jnp.float32) * (1.0 / GRID_W)
            colf = (midx & (GRID_W - 1)).astype(jnp.float32)
            res = jnp.where(lane == 2 * q, rowf,
                            jnp.where(lane == 2 * q + 1, colf, res))
        outb[pl.ds(g * NL, NL)] = res
        return carry

    lax.fori_loop(0, NGROUP, group, 0)
    pltpu.sync_copy(outb, out_hbm.at[wid])


def _sc_call(distances):
    mesh = plsc.VectorSubcoreMesh(core_axis_name="c", subcore_axis_name="s")
    f = pl.kernel(
        _sc_body,
        out_type=jax.ShapeDtypeStruct((NW, RS * 2), jnp.float32),
        mesh=mesh,
        compiler_params=pltpu.CompilerParams(needs_layout_passes=False),
        scratch_types=(
            [pltpu.VMEM((NCOL,), jnp.float32)] * NBUF
            + [pltpu.VMEM((RS * 2,), jnp.float32)]
            + [pltpu.SemaphoreType.DMA] * NBUF
        ),
    )
    return f(distances).reshape(SPLIT, 2)


def _tc_body(d_ref, o_ref):
    def chunk(j, carry):
        best, bch = carry
        v = d_ref[:, pl.ds(j * CW, CW)]
        m = v < best
        return (jnp.where(m, v, best),
                jnp.where(m, jnp.full((BR, CW), j, jnp.int32), bch))

    best0 = jnp.full((BR, CW), jnp.inf, jnp.float32)
    bch0 = jnp.zeros((BR, CW), jnp.int32)
    best, bch = lax.fori_loop(0, NCOL // CW, chunk, (best0, bch0))
    colpos = lax.broadcasted_iota(jnp.int32, (BR, CW), 1)
    bidx = bch * CW + colpos
    minv = jnp.min(best, axis=1, keepdims=True)
    cand = jnp.where(best == minv, bidx, NCOL)
    fi = jnp.min(cand, axis=1)
    rowf = fi.astype(jnp.float32) * (1.0 / GRID_W)
    colf = (fi & (GRID_W - 1)).astype(jnp.float32)
    o_ref[...] = jnp.stack([rowf, colf], axis=1)


def _tc_call(distances):
    f = pl.pallas_call(
        _tc_body,
        grid=(TC_ROWS // BR,),
        in_specs=[pl.BlockSpec((BR, NCOL), lambda i: (SPLIT // BR + i, 0))],
        out_specs=pl.BlockSpec((BR, 2), lambda i: (i, 0)),
        out_shape=jax.ShapeDtypeStruct((TC_ROWS, 2), jnp.float32),
    )
    return f(distances)


@jax.jit
def kernel(distances):
    if SPLIT == 0:
        return _tc_call(distances)
    if SPLIT == BATCH:
        return _sc_call(distances)
    sc = _sc_call(distances)
    tc = _tc_call(distances)
    return jnp.concatenate([sc, tc], axis=0)

# --- scband reference (transcript-rebuilt; emitter-appended) ---
"""Pipeline reference for scband-som-83330955477004 (READ-ONLY COPY).

The authoritative reference and input builder live on the scoring server;
editing this copy changes nothing except your own understanding.
"""

import jax, jax.numpy as jnp
import numpy as np

SIZE = (128, 128, 32)
BATCH = 4096

def setup_inputs(seed: int = 0) -> dict:
    key = jax.random.key(seed)
    distances = jax.random.uniform(key, (BATCH, SIZE[0] * SIZE[1]), dtype=jnp.float32)
    return {"distances": distances}

def reference(distances):
    # Faithful translation of SOM.find_bmus:
    #   min_idxs = distances.argmin(-1)
    #   return torch.stack([min_idxs / size[1], min_idxs % size[1]], dim=1)
    min_idxs = jnp.argmin(distances, axis=-1)
    row = (min_idxs / SIZE[1]).astype(jnp.float32)   # true division, as in torch `/`
    col = (min_idxs % SIZE[1]).astype(jnp.float32)
    return jnp.stack([row, col], axis=1)

if __name__ == "__main__":
    import jax
    _d = setup_inputs()
    print(jax.jit(kernel)(*tuple(_d.values())))

</pallas_src>

<mosaic_0001>
#map = affine_map<(d0, d1) -> (0, 0)>
module attributes {stable_mosaic.version = 14 : i64} {
  func.func @_sc_body(%arg0: i32, %arg1: i32, %arg2: memref<4096x16384xf32, #tpu.memory_space<hbm>>, %arg3: memref<32x176xf32, #tpu.memory_space<hbm>>, %arg4: memref<16384xf32, #tpu.memory_space<vmem>>, %arg5: memref<16384xf32, #tpu.memory_space<vmem>>, %arg6: memref<16384xf32, #tpu.memory_space<vmem>>, %arg7: memref<16384xf32, #tpu.memory_space<vmem>>, %arg8: memref<176xf32, #tpu.memory_space<vmem>>, %arg9: memref<!tpu.dma_semaphore, #tpu.memory_space<semaphore_mem>>, %arg10: memref<!tpu.dma_semaphore, #tpu.memory_space<semaphore_mem>>, %arg11: memref<!tpu.dma_semaphore, #tpu.memory_space<semaphore_mem>>, %arg12: memref<!tpu.dma_semaphore, #tpu.memory_space<semaphore_mem>>) attributes {dimension_semantics = [#tpu.dimension_semantics<core_parallel>, #tpu.dimension_semantics<subcore_parallel>], iteration_bounds = array<i64: 2, 16>, scalar_prefetch = 0 : i64, scratch_operands = 9 : i64, tpu.core_type = #tpu.core_type<sc_vector_subcore>, window_params = [{transform_indices = #map}, {transform_indices = #map}]} {
    %mul3A = arith.constant 2 : i32
    %mul3A_0 = arith.muli %arg1, %mul3A : i32
    %add3A = arith.addi %mul3A_0, %arg0 : i32
    %mul3A_1 = arith.constant 88 : i32
    %mul3A_2 = arith.muli %add3A, %mul3A_1 : i32
    %iota3A = tpu.iota {dimensions = array<i32: 0>} : vector<16xi32>
    %add3A_3 = arith.constant 0 : i32
    %add3A_4 = arith.addi %mul3A_2, %add3A_3 : i32
    %dma_start3A = arith.constant 0 : i32
    %dma_start3A_5 = tpu.memref_slice %arg2[%add3A_4, %dma_start3A] : memref<4096x16384xf32, #tpu.memory_space<hbm>> -> memref<1x16384xf32, #tpu.memory_space<hbm>>
    %dma_start3A_6 = tpu.memref_squeeze %dma_start3A_5 : memref<1x16384xf32, #tpu.memory_space<hbm>> -> memref<16384xf32, #tpu.memory_space<hbm>>
    %dma_start3A_7 = arith.constant 0 : i32
    %dma_start3A_8 = tpu.memref_slice %arg2[%add3A_4, %dma_start3A_7] : memref<4096x16384xf32, #tpu.memory_space<hbm>> -> memref<1x16384xf32, #tpu.memory_space<hbm>>
    %dma_start3A_9 = tpu.memref_squeeze %dma_start3A_8 : memref<1x16384xf32, #tpu.memory_space<hbm>> -> memref<16384xf32, #tpu.memory_space<hbm>>
    tpu.enqueue_dma source(%dma_start3A_9 : memref<16384xf32, #tpu.memory_space<hbm>>) target(%arg4 : memref<16384xf32, #tpu.memory_space<vmem>>) target_semaphore(%arg9 : memref<!tpu.dma_semaphore, #tpu.memory_space<semaphore_mem>>)
    %add3A_10 = arith.constant 1 : i32
    %add3A_11 = arith.addi %mul3A_2, %add3A_10 : i32
    %dma_start3A_12 = arith.constant 0 : i32
    %dma_start3A_13 = tpu.memref_slice %arg2[%add3A_11, %dma_start3A_12] : memref<4096x16384xf32, #tpu.memory_space<hbm>> -> memref<1x16384xf32, #tpu.memory_space<hbm>>
    %dma_start3A_14 = tpu.memref_squeeze %dma_start3A_13 : memref<1x16384xf32, #tpu.memory_space<hbm>> -> memref<16384xf32, #tpu.memory_space<hbm>>
    %dma_start3A_15 = arith.constant 0 : i32
    %dma_start3A_16 = tpu.memref_slice %arg2[%add3A_11, %dma_start3A_15] : memref<4096x16384xf32, #tpu.memory_space<hbm>> -> memref<1x16384xf32, #tpu.memory_space<hbm>>
    %dma_start3A_17 = tpu.memref_squeeze %dma_start3A_16 : memref<1x16384xf32, #tpu.memory_space<hbm>> -> memref<16384xf32, #tpu.memory_space<hbm>>
    tpu.enqueue_dma source(%dma_start3A_17 : memref<16384xf32, #tpu.memory_space<hbm>>) target(%arg5 : memref<16384xf32, #tpu.memory_space<vmem>>) target_semaphore(%arg10 : memref<!tpu.dma_semaphore, #tpu.memory_space<semaphore_mem>>)
    %add3A_18 = arith.constant 2 : i32
    %add3A_19 = arith.addi %mul3A_2, %add3A_18 : i32
    %dma_start3A_20 = arith.constant 0 : i32
    %dma_start3A_21 = tpu.memref_slice %arg2[%add3A_19, %dma_start3A_20] : memref<4096x16384xf32, #tpu.memory_space<hbm>> -> memref<1x16384xf32, #tpu.memory_space<hbm>>
    %dma_start3A_22 = tpu.memref_squeeze %dma_start3A_21 : memref<1x16384xf32, #tpu.memory_space<hbm>> -> memref<16384xf32, #tpu.memory_space<hbm>>
    %dma_start3A_23 = arith.constant 0 : i32
    %dma_start3A_24 = tpu.memref_slice %arg2[%add3A_19, %dma_start3A_23] : memref<4096x16384xf32, #tpu.memory_space<hbm>> -> memref<1x16384xf32, #tpu.memory_space<hbm>>
    %dma_start3A_25 = tpu.memref_squeeze %dma_start3A_24 : memref<1x16384xf32, #tpu.memory_space<hbm>> -> memref<16384xf32, #tpu.memory_space<hbm>>
    tpu.enqueue_dma source(%dma_start3A_25 : memref<16384xf32, #tpu.memory_space<hbm>>) target(%arg6 : memref<16384xf32, #tpu.memory_space<vmem>>) target_semaphore(%arg11 : memref<!tpu.dma_semaphore, #tpu.memory_space<semaphore_mem>>)
    %scan3A = arith.constant 0 : i32
    %scan3A_26 = arith.constant 0 : i32
    %scan3A_27 = arith.constant 11 : i32
    %scan3A_28 = arith.addi %scan3A_26, %scan3A_27 : i32
    %scan3A_29 = arith.constant 1 : i32
    scf.for %scan3A_31 = %scan3A_26 to %scan3A_28 step %scan3A_29  : i32 {
      %broadcast_in_dim3A = arith.constant 0.000000e+00 : f32
      %broadcast_in_dim3A_32 = vector.broadcast %broadcast_in_dim3A : f32 to vector<16xf32>
      %mul3A_33 = arith.constant 8 : i32
      %mul3A_34 = arith.muli %scan3A_31, %mul3A_33 : i32
      %add3A_35 = arith.constant 0 : i32
      %add3A_36 = arith.addi %mul3A_34, %add3A_35 : i32
      %add3A_37 = arith.addi %mul3A_2, %add3A_36 : i32
      %dma_wait3A = arith.constant 0 : i32
      %dma_wait3A_38 = tpu.memref_slice %arg2[%add3A_37, %dma_wait3A] : memref<4096x16384xf32, #tpu.memory_space<hbm>> -> memref<1x16384xf32, #tpu.memory_space<hbm>>
      %dma_wait3A_39 = tpu.memref_squeeze %dma_wait3A_38 : memref<1x16384xf32, #tpu.memory_space<hbm>> -> memref<16384xf32, #tpu.memory_space<hbm>>
      %dma_wait3A_40 = arith.constant 0 : i32
      %dma_wait3A_41 = tpu.memref_slice %arg2[%add3A_37, %dma_wait3A_40] : memref<4096x16384xf32, #tpu.memory_space<hbm>> -> memref<1x16384xf32, #tpu.memory_space<hbm>>
      %dma_wait3A_42 = tpu.memref_squeeze %dma_wait3A_41 : memref<1x16384xf32, #tpu.memory_space<hbm>> -> memref<16384xf32, #tpu.memory_space<hbm>>
      tpu.wait_dma2 semaphore(%arg9 : memref<!tpu.dma_semaphore, #tpu.memory_space<semaphore_mem>>) src(%dma_wait3A_42 : memref<16384xf32, #tpu.memory_space<hbm>>) dst(%arg4 : memref<16384xf32, #tpu.memory_space<vmem>>)
      %add3A_43 = arith.constant 4 : i32
      %add3A_44 = arith.addi %add3A_36, %add3A_43 : i32
      %sub3A = arith.constant 1 : i32
      %sub3A_45 = arith.subi %add3A_44, %sub3A : i32
      %lt3A = arith.constant 88 : i32
      %lt3A_46 = arith.cmpi slt, %sub3A_45, %lt3A : i32
      %convert_element_type3A = arith.extui %lt3A_46 : i1 to i32
      %cond3A = arith.constant 0 : i32
      %cond3A_47 = arith.cmpi ne, %convert_element_type3A, %cond3A : i32
      scf.if %cond3A_47 {
        %add3A_1184 = arith.constant 4 : i32
        %add3A_1185 = arith.addi %add3A_37, %add3A_1184 : i32
        %sub3A_1186 = arith.constant 1 : i32
        %sub3A_1187 = arith.subi %add3A_1185, %sub3A_1186 : i32
        %dma_start3A_1188 = arith.constant 0 : i32
        %dma_start3A_1189 = tpu.memref_slice %arg2[%sub3A_1187, %dma_start3A_1188] : memref<4096x16384xf32, #tpu.memory_space<hbm>> -> memref<1x16384xf32, #tpu.memory_space<hbm>>
        %dma_start3A_1190 = tpu.memref_squeeze %dma_start3A_1189 : memref<1x16384xf32, #tpu.memory_space<hbm>> -> memref<16384xf32, #tpu.memory_space<hbm>>
        %dma_start3A_1191 = arith.constant 0 : i32
        %dma_start3A_1192 = tpu.memref_slice %arg2[%sub3A_1187, %dma_start3A_1191] : memref<4096x16384xf32, #tpu.memory_space<hbm>> -> memref<1x16384xf32, #tpu.memory_space<hbm>>
        %dma_start3A_1193 = tpu.memref_squeeze %dma_start3A_1192 : memref<1x16384xf32, #tpu.memory_space<hbm>> -> memref<16384xf32, #tpu.memory_space<hbm>>
        tpu.enqueue_dma source(%dma_start3A_1193 : memref<16384xf32, #tpu.memory_space<hbm>>) target(%arg7 : memref<16384xf32, #tpu.memory_space<vmem>>) target_semaphore(%arg12 : memref<!tpu.dma_semaphore, #tpu.memory_space<semaphore_mem>>)
      } else {
      }
      %broadcast_in_dim3A_48 = arith.constant 0x7F800000 : f32
      %broadcast_in_dim3A_49 = vector.broadcast %broadcast_in_dim3A_48 : f32 to vector<16xf32>
      %broadcast_in_dim3A_50 = arith.constant 0 : i32
      %broadcast_in_dim3A_51 = vector.broadcast %broadcast_in_dim3A_50 : i32 to vector<16xi32>
      %scan3A_52 = arith.constant 0 : i32
      %scan3A_53 = arith.constant 128 : i32
      %scan3A_54 = arith.addi %scan3A_52, %scan3A_53 : i32
      %scan3A_55 = arith.constant 1 : i32
      %scan3A_56:16 = scf.for %scan3A_1184 = %scan3A_52 to %scan3A_54 step %scan3A_55 iter_args(%scan3A_1185 = %broadcast_in_dim3A_49, %scan3A_1186 = %broadcast_in_dim3A_49, %scan3A_1187 = %broadcast_in_dim3A_49, %scan3A_1188 = %broadcast_in_dim3A_49, %scan3A_1189 = %broadcast_in_dim3A_49, %scan3A_1190 = %broadcast_in_dim3A_49, %scan3A_1191 = %broadcast_in_dim3A_49, %scan3A_1192 = %broadcast_in_dim3A_49, %scan3A_1193 = %broadcast_in_dim3A_51, %scan3A_1194 = %broadcast_in_dim3A_51, %scan3A_1195 = %broadcast_in_dim3A_51, %scan3A_1196 = %broadcast_in_dim3A_51, %scan3A_1197 = %broadcast_in_dim3A_51, %scan3A_1198 = %broadcast_in_dim3A_51, %scan3A_1199 = %broadcast_in_dim3A_51, %scan3A_1200 = %broadcast_in_dim3A_51) -> (vector<16xf32>, vector<16xf32>, vector<16xf32>, vector<16xf32>, vector<16xf32>, vector<16xf32>, vector<16xf32>, vector<16xf32>, vector<16xi32>, vector<16xi32>, vector<16xi32>, vector<16xi32>, vector<16xi32>, vector<16xi32>, vector<16xi32>, vector<16xi32>)  : i32 {
        %mul3A_1201 = arith.constant 8 : i32
        %mul3A_1202 = arith.muli %scan3A_1184, %mul3A_1201 : i32
        %add3A_1203 = arith.constant 0 : i32
        %add3A_1204 = arith.addi %mul3A_1202, %add3A_1203 : i32
        %mul3A_1205 = arith.constant 16 : i32
        %mul3A_1206 = arith.muli %add3A_1204, %mul3A_1205 : i32
        %get3A = arith.index_cast %mul3A_1206 : i32 to index
        %get3A_1207 = tpu.vector_load %arg4[%get3A] {strides = array<i32>} : memref<16384xf32, #tpu.memory_space<vmem>>, vector<16xf32>,
        %lt3A_1208 = arith.cmpf olt, %get3A_1207, %scan3A_1185 : vector<16xf32>
        %select_n3A_1209 = arith.select %lt3A_1208, %get3A_1207, %scan3A_1185 : vector<16xi1>, vector<16xf32>
        %broadcast_in_dim3A_1210 = vector.broadcast %add3A_1204 : i32 to vector<16xi32>
        %select_n3A_1211 = arith.select %lt3A_1208, %broadcast_in_dim3A_1210, %scan3A_1193 : vector<16xi1>, vector<16xi32>
        %mul3A_1212 = arith.constant 8 : i32
        %mul3A_1213 = arith.muli %scan3A_1184, %mul3A_1212 : i32
        %add3A_1214 = arith.constant 1 : i32
        %add3A_1215 = arith.addi %mul3A_1213, %add3A_1214 : i32
        %mul3A_1216 = arith.constant 16 : i32
        %mul3A_1217 = arith.muli %add3A_1215, %mul3A_1216 : i32
        %get3A_1218 = arith.index_cast %mul3A_1217 : i32 to index
        %get3A_1219 = tpu.vector_load %arg4[%get3A_1218] {strides = array<i32>} : memref<16384xf32, #tpu.memory_space<vmem>>, vector<16xf32>,
        %lt3A_1220 = arith.cmpf olt, %get3A_1219, %scan3A_1186 : vector<16xf32>
        %select_n3A_1221 = arith.select %lt3A_1220, %get3A_1219, %scan3A_1186 : vector<16xi1>, vector<16xf32>
        %broadcast_in_dim3A_1222 = vector.broadcast %add3A_1215 : i32 to vector<16xi32>
        %select_n3A_1223 = arith.select %lt3A_1220, %broadcast_in_dim3A_1222, %scan3A_1194 : vector<16xi1>, vector<16xi32>
        %mul3A_1224 = arith.constant 8 : i32
        %mul3A_1225 = arith.muli %scan3A_1184, %mul3A_1224 : i32
        %add3A_1226 = arith.constant 2 : i32
        %add3A_1227 = arith.addi %mul3A_1225, %add3A_1226 : i32
        %mul3A_1228 = arith.constant 16 : i32
        %mul3A_1229 = arith.muli %add3A_1227, %mul3A_1228 : i32
        %get3A_1230 = arith.index_cast %mul3A_1229 : i32 to index
        %get3A_1231 = tpu.vector_load %arg4[%get3A_1230] {strides = array<i32>} : memref<16384xf32, #tpu.memory_space<vmem>>, vector<16xf32>,
        %lt3A_1232 = arith.cmpf olt, %get3A_1231, %scan3A_1187 : vector<16xf32>
        %select_n3A_1233 = arith.select %lt3A_1232, %get3A_1231, %scan3A_1187 : vector<16xi1>, vector<16xf32>
        %broadcast_in_dim3A_1234 = vector.broadcast %add3A_1227 : i32 to vector<16xi32>
        %select_n3A_1235 = arith.select %lt3A_1232, %broadcast_in_dim3A_1234, %scan3A_1195 : vector<16xi1>, vector<16xi32>
        %mul3A_1236 = arith.constant 8 : i32
        %mul3A_1237 = arith.muli %scan3A_1184, %mul3A_1236 : i32
        %add3A_1238 = arith.constant 3 : i32
        %add3A_1239 = arith.addi %mul3A_1237, %add3A_1238 : i32
        %mul3A_1240 = arith.constant 16 : i32
        %mul3A_1241 = arith.muli %add3A_1239, %mul3A_1240 : i32
        %get3A_1242 = arith.index_cast %mul3A_1241 : i32 to index
        %get3A_1243 = tpu.vector_load %arg4[%get3A_1242] {strides = array<i32>} : memref<16384xf32, #tpu.memory_space<vmem>>, vector<16xf32>,
        %lt3A_1244 = arith.cmpf olt, %get3A_1243, %scan3A_1188 : vector<16xf32>
        %select_n3A_1245 = arith.select %lt3A_1244, %get3A_1243, %scan3A_1188 : vector<16xi1>, vector<16xf32>
        %broadcast_in_dim3A_1246 = vector.broadcast %add3A_1239 : i32 to vector<16xi32>
        %select_n3A_1247 = arith.select %lt3A_1244, %broadcast_in_dim3A_1246, %scan3A_1196 : vector<16xi1>, vector<16xi32>
        %mul3A_1248 = arith.constant 8 : i32
        %mul3A_1249 = arith.muli %scan3A_1184, %mul3A_1248 : i32
        %add3A_1250 = arith.constant 4 : i32
        %add3A_1251 = arith.addi %mul3A_1249, %add3A_1250 : i32
        %mul3A_1252 = arith.constant 16 : i32
        %mul3A_1253 = arith.muli %add3A_1251, %mul3A_1252 : i32
        %get3A_1254 = arith.index_cast %mul3A_1253 : i32 to index
        %get3A_1255 = tpu.vector_load %arg4[%get3A_1254] {strides = array<i32>} : memref<16384xf32, #tpu.memory_space<vmem>>, vector<16xf32>,
        %lt3A_1256 = arith.cmpf olt, %get3A_1255, %scan3A_1189 : vector<16xf32>
        %select_n3A_1257 = arith.select %lt3A_1256, %get3A_1255, %scan3A_1189 : vector<16xi1>, vector<16xf32>
        %broadcast_in_dim3A_1258 = vector.broadcast %add3A_1251 : i32 to vector<16xi32>
        %select_n3A_1259 = arith.select %lt3A_1256, %broadcast_in_dim3A_1258, %scan3A_1197 : vector<16xi1>, vector<16xi32>
        %mul3A_1260 = arith.constant 8 : i32
        %mul3A_1261 = arith.muli %scan3A_1184, %mul3A_1260 : i32
        %add3A_1262 = arith.constant 5 : i32
        %add3A_1263 = arith.addi %mul3A_1261, %add3A_1262 : i32
        %mul3A_1264 = arith.constant 16 : i32
        %mul3A_1265 = arith.muli %add3A_1263, %mul3A_1264 : i32
        %get3A_1266 = arith.index_cast %mul3A_1265 : i32 to index
        %get3A_1267 = tpu.vector_load %arg4[%get3A_1266] {strides = array<i32>} : memref<16384xf32, #tpu.memory_space<vmem>>, vector<16xf32>,
        %lt3A_1268 = arith.cmpf olt, %get3A_1267, %scan3A_1190 : vector<16xf32>
        %select_n3A_1269 = arith.select %lt3A_1268, %get3A_1267, %scan3A_1190 : vector<16xi1>, vector<16xf32>
        %broadcast_in_dim3A_1270 = vector.broadcast %add3A_1263 : i32 to vector<16xi32>
        %select_n3A_1271 = arith.select %lt3A_1268, %broadcast_in_dim3A_1270, %scan3A_1198 : vector<16xi1>, vector<16xi32>
        %mul3A_1272 = arith.constant 8 : i32
        %mul3A_1273 = arith.muli %scan3A_1184, %mul3A_1272 : i32
        %add3A_1274 = arith.constant 6 : i32
        %add3A_1275 = arith.addi %mul3A_1273, %add3A_1274 : i32
        %mul3A_1276 = arith.constant 16 : i32
        %mul3A_1277 = arith.muli %add3A_1275, %mul3A_1276 : i32
        %get3A_1278 = arith.index_cast %mul3A_1277 : i32 to index
        %get3A_1279 = tpu.vector_load %arg4[%get3A_1278] {strides = array<i32>} : memref<16384xf32, #tpu.memory_space<vmem>>, vector<16xf32>,
        %lt3A_1280 = arith.cmpf olt, %get3A_1279, %scan3A_1191 : vector<16xf32>
        %select_n3A_1281 = arith.select %lt3A_1280, %get3A_1279, %scan3A_1191 : vector<16xi1>, vector<16xf32>
        %broadcast_in_dim3A_1282 = vector.broadcast %add3A_1275 : i32 to vector<16xi32>
        %select_n3A_1283 = arith.select %lt3A_1280, %broadcast_in_dim3A_1282, %scan3A_1199 : vector<16xi1>, vector<16xi32>
        %mul3A_1284 = arith.constant 8 : i32
        %mul3A_1285 = arith.muli %scan3A_1184, %mul3A_1284 : i32
        %add3A_1286 = arith.constant 7 : i32
        %add3A_1287 = arith.addi %mul3A_1285, %add3A_1286 : i32
        %mul3A_1288 = arith.constant 16 : i32
        %mul3A_1289 = arith.muli %add3A_1287, %mul3A_1288 : i32
        %get3A_1290 = arith.index_cast %mul3A_1289 : i32 to index
        %get3A_1291 = tpu.vector_load %arg4[%get3A_1290] {strides = array<i32>} : memref<16384xf32, #tpu.memory_space<vmem>>, vector<16xf32>,
        %lt3A_1292 = arith.cmpf olt, %get3A_1291, %scan3A_1192 : vector<16xf32>
        %select_n3A_1293 = arith.select %lt3A_1292, %get3A_1291, %scan3A_1192 : vector<16xi1>, vector<16xf32>
        %broadcast_in_dim3A_1294 = vector.broadcast %add3A_1287 : i32 to vector<16xi32>
        %select_n3A_1295 = arith.select %lt3A_1292, %broadcast_in_dim3A_1294, %scan3A_1200 : vector<16xi1>, vector<16xi32>
        scf.yield %select_n3A_1209, %select_n3A_1221, %select_n3A_1233, %select_n3A_1245, %select_n3A_1257, %select_n3A_1269, %select_n3A_1281, %select_n3A_1293, %select_n3A_1211, %select_n3A_1223, %select_n3A_1235, %select_n3A_1247, %select_n3A_1259, %select_n3A_1271, %select_n3A_1283, %select_n3A_1295 : vector<16xf32>, vector<16xf32>, vector<16xf32>, vector<16xf32>, vector<16xf32>, vector<16xf32>, vector<16xf32>, vector<16xf32>, vector<16xi32>, vector<16xi32>, vector<16xi32>, vector<16xi32>, vector<16xi32>, vector<16xi32>, vector<16xi32>, vector<16xi32>
      }
      %scan3A_57 = arith.constant 128 : i32
      %iota3A_58 = tpu.iota {dimensions = array<i32: 0>} : vector<16xi32>
      %mul3A_59 = arith.constant 16 : i32
      %mul3A_60 = vector.broadcast %mul3A_59 : i32 to vector<16xi32>
      %mul3A_61 = arith.muli %scan3A_56#8, %mul3A_60 : vector<16xi32>
      %add3A_62 = arith.addi %mul3A_61, %iota3A_58 : vector<16xi32>
      %mul3A_63 = arith.constant 16 : i32
      %mul3A_64 = vector.broadcast %mul3A_63 : i32 to vector<16xi32>
      %mul3A_65 = arith.muli %scan3A_56#9, %mul3A_64 : vector<16xi32>
      %add3A_66 = arith.addi %mul3A_65, %iota3A_58 : vector<16xi32>
      %lt3A_67 = arith.cmpf olt, %scan3A_56#1, %scan3A_56#0 : vector<16xf32>
      %eq3A = arith.cmpf oeq, %scan3A_56#1, %scan3A_56#0 : vector<16xf32>
      %lt3A_68 = arith.cmpi slt, %add3A_66, %add3A_62 : vector<16xi32>
      %and3A = arith.andi %eq3A, %lt3A_68 : vector<16xi1>
      %or3A = arith.ori %lt3A_67, %and3A : vector<16xi1>
      %select_n3A = arith.select %or3A, %scan3A_56#1, %scan3A_56#0 : vector<16xi1>, vector<16xf32>
      %select_n3A_69 = arith.select %or3A, %add3A_66, %add3A_62 : vector<16xi1>, vector<16xi32>
      %mul3A_70 = arith.constant 16 : i32
      %mul3A_71 = vector.broadcast %mul3A_70 : i32 to vector<16xi32>
      %mul3A_72 = arith.muli %scan3A_56#10, %mul3A_71 : vector<16xi32>
      %add3A_73 = arith.addi %mul3A_72, %iota3A_58 : vector<16xi32>
      %lt3A_74 = arith.cmpf olt, %scan3A_56#2, %select_n3A : vector<16xf32>
      %eq3A_75 = arith.cmpf oeq, %scan3A_56#2, %select_n3A : vector<16xf32>
      %lt3A_76 = arith.cmpi slt, %add3A_73, %select_n3A_69 : vector<16xi32>
      %and3A_77 = arith.andi %eq3A_75, %lt3A_76 : vector<16xi1>
      %or3A_78 = arith.ori %lt3A_74, %and3A_77 : vector<16xi1>
      %select_n3A_79 = arith.select %or3A_78, %scan3A_56#2, %select_n3A : vector<16xi1>, vector<16xf32>
      %select_n3A_80 = arith.select %or3A_78, %add3A_73, %select_n3A_69 : vector<16xi1>, vector<16xi32>
      %mul3A_81 = arith.constant 16 : i32
      %mul3A_82 = vector.broadcast %mul3A_81 : i32 to vector<16xi32>
      %mul3A_83 = arith.muli %scan3A_56#11, %mul3A_82 : vector<16xi32>
      %add3A_84 = arith.addi %mul3A_83, %iota3A_58 : vector<16xi32>
      %lt3A_85 = arith.cmpf olt, %scan3A_56#3, %select_n3A_79 : vector<16xf32>
      %eq3A_86 = arith.cmpf oeq, %scan3A_56#3, %select_n3A_79 : vector<16xf32>
      %lt3A_87 = arith.cmpi slt, %add3A_84, %select_n3A_80 : vector<16xi32>
      %and3A_88 = arith.andi %eq3A_86, %lt3A_87 : vector<16xi1>
      %or3A_89 = arith.ori %lt3A_85, %and3A_88 : vector<16xi1>
      %select_n3A_90 = arith.select %or3A_89, %scan3A_56#3, %select_n3A_79 : vector<16xi1>, vector<16xf32>
      %select_n3A_91 = arith.select %or3A_89, %add3A_84, %select_n3A_80 : vector<16xi1>, vector<16xi32>
      %mul3A_92 = arith.constant 16 : i32
      %mul3A_93 = vector.broadcast %mul3A_92 : i32 to vector<16xi32>
      %mul3A_94 = arith.muli %scan3A_56#12, %mul3A_93 : vector<16xi32>
      %add3A_95 = arith.addi %mul3A_94, %iota3A_58 : vector<16xi32>
      %lt3A_96 = arith.cmpf olt, %scan3A_56#4, %select_n3A_90 : vector<16xf32>
      %eq3A_97 = arith.cmpf oeq, %scan3A_56#4, %select_n3A_90 : vector<16xf32>
      %lt3A_98 = arith.cmpi slt, %add3A_95, %select_n3A_91 : vector<16xi32>
      %and3A_99 = arith.andi %eq3A_97, %lt3A_98 : vector<16xi1>
      %or3A_100 = arith.ori %lt3A_96, %and3A_99 : vector<16xi1>
      %select_n3A_101 = arith.select %or3A_100, %scan3A_56#4, %select_n3A_90 : vector<16xi1>, vector<16xf32>
      %select_n3A_102 = arith.select %or3A_100, %add3A_95, %select_n3A_91 : vector<16xi1>, vector<16xi32>
      %mul3A_103 = arith.constant 16 : i32
      %mul3A_104 = vector.broadcast %mul3A_103 : i32 to vector<16xi32>
      %mul3A_105 = arith.muli %scan3A_56#13, %mul3A_104 : vector<16xi32>
      %add3A_106 = arith.addi %mul3A_105, %iota3A_58 : vector<16xi32>
      %lt3A_107 = arith.cmpf olt, %scan3A_56#5, %select_n3A_101 : vector<16xf32>
      %eq3A_108 = arith.cmpf oeq, %scan3A_56#5, %select_n3A_101 : vector<16xf32>
      %lt3A_109 = arith.cmpi slt, %add3A_106, %select_n3A_102 : vector<16xi32>
      %and3A_110 = arith.andi %eq3A_108, %lt3A_109 : vector<16xi1>
      %or3A_111 = arith.ori %lt3A_107, %and3A_110 : vector<16xi1>
      %select_n3A_112 = arith.select %or3A_111, %scan3A_56#5, %select_n3A_101 : vector<16xi1>, vector<16xf32>
      %select_n3A_113 = arith.select %or3A_111, %add3A_106, %select_n3A_102 : vector<16xi1>, vector<16xi32>
      %mul3A_114 = arith.constant 16 : i32
      %mul3A_115 = vector.broadcast %mul3A_114 : i32 to vector<16xi32>
      %mul3A_116 = arith.muli %scan3A_56#14, %mul3A_115 : vector<16xi32>
      %add3A_117 = arith.addi %mul3A_116, %iota3A_58 : vector<16xi32>
      %lt3A_118 = arith.cmpf olt, %scan3A_56#6, %select_n3A_112 : vector<16xf32>
      %eq3A_119 = arith.cmpf oeq, %scan3A_56#6, %select_n3A_112 : vector<16xf32>
      %lt3A_120 = arith.cmpi slt, %add3A_117, %select_n3A_113 : vector<16xi32>
      %and3A_121 = arith.andi %eq3A_119, %lt3A_120 : vector<16xi1>
      %or3A_122 = arith.ori %lt3A_118, %and3A_121 : vector<16xi1>
      %select_n3A_123 = arith.select %or3A_122, %scan3A_56#6, %select_n3A_112 : vector<16xi1>, vector<16xf32>
      %select_n3A_124 = arith.select %or3A_122, %add3A_117, %select_n3A_113 : vector<16xi1>, vector<16xi32>
      %mul3A_125 = arith.constant 16 : i32
      %mul3A_126 = vector.broadcast %mul3A_125 : i32 to vector<16xi32>
      %mul3A_127 = arith.muli %scan3A_56#15, %mul3A_126 : vector<16xi32>
      %add3A_128 = arith.addi %mul3A_127, %iota3A_58 : vector<16xi32>
      %lt3A_129 = arith.cmpf olt, %scan3A_56#7, %select_n3A_123 : vector<16xf32>
      %eq3A_130 = arith.cmpf oeq, %scan3A_56#7, %select_n3A_123 : vector<16xf32>
      %lt3A_131 = arith.cmpi slt, %add3A_128, %select_n3A_124 : vector<16xi32>
      %and3A_132 = arith.andi %eq3A_130, %lt3A_131 : vector<16xi1>
      %or3A_133 = arith.ori %lt3A_129, %and3A_132 : vector<16xi1>
      %select_n3A_134 = arith.select %or3A_133, %scan3A_56#7, %select_n3A_123 : vector<16xi1>, vector<16xf32>
      %select_n3A_135 = arith.select %or3A_133, %add3A_128, %select_n3A_124 : vector<16xi1>, vector<16xi32>
      %sort3A = arith.constant dense<true> : vector<16xi1>
      %sort3A_136, %sort3A_137, %sort3A_138 = tpu.sort %select_n3A_134, %select_n3A_134 masked %sort3A : (vector<16xf32>, vector<16xf32>, vector<16xi1>) -> (vector<16xi1>, vector<16xf32>, vector<16xf32>)
      %slice3A = vector.extract_strided_slice %sort3A_137 {offsets = [0], sizes = [1], strides = [1]} : vector<16xf32> to vector<1xf32>
      %squeeze3A = vector.extract %slice3A[0] : f32 from vector<1xf32>
      %broadcast_in_dim3A_139 = vector.broadcast %squeeze3A : f32 to vector<16xf32>
      %eq3A_140 = arith.cmpf oeq, %select_n3A_134, %broadcast_in_dim3A_139 : vector<16xf32>
      %broadcast_in_dim3A_141 = arith.constant 16384 : i32
      %broadcast_in_dim3A_142 = vector.broadcast %broadcast_in_dim3A_141 : i32 to vector<16xi32>
      %select_n3A_143 = arith.select %eq3A_140, %select_n3A_135, %broadcast_in_dim3A_142 : vector<16xi1>, vector<16xi32>
      %sort3A_144 = arith.constant dense<true> : vector<16xi1>
      %sort3A_145, %sort3A_146, %sort3A_147 = tpu.sort %select_n3A_143, %select_n3A_143 masked %sort3A_144 : (vector<16xi32>, vector<16xi32>, vector<16xi1>) -> (vector<16xi1>, vector<16xi32>, vector<16xi32>)
      %slice3A_148 = vector.extract_strided_slice %sort3A_146 {offsets = [0], sizes = [1], strides = [1]} : vector<16xi32> to vector<1xi32>
      %squeeze3A_149 = vector.extract %slice3A_148[0] : i32 from vector<1xi32>
      %convert_element_type3A_150 = arith.sitofp %squeeze3A_149 : i32 to f32
      %mul3A_151 = arith.constant 7.812500e-03 : f32
      %mul3A_152 = arith.mulf %convert_element_type3A_150, %mul3A_151 : f32
      %and3A_153 = arith.constant 127 : i32
      %and3A_154 = arith.andi %squeeze3A_149, %and3A_153 : i32
      %convert_element_type3A_155 = arith.sitofp %and3A_154 : i32 to f32
      %eq3A_156 = arith.constant 0 : i32
      %eq3A_157 = vector.broadcast %eq3A_156 : i32 to vector<16xi32>
      %eq3A_158 = arith.cmpi eq, %iota3A, %eq3A_157 : vector<16xi32>
      %eq3A_159 = arith.constant 1 : i32
      %eq3A_160 = vector.broadcast %eq3A_159 : i32 to vector<16xi32>
      %eq3A_161 = arith.cmpi eq, %iota3A, %eq3A_160 : vector<16xi32>
      %broadcast_in_dim3A_162 = vector.broadcast %convert_element_type3A_155 : f32 to vector<16xf32>
      %select_n3A_163 = arith.select %eq3A_161, %broadcast_in_dim3A_162, %broadcast_in_dim3A_32 : vector<16xi1>, vector<16xf32>
      %broadcast_in_dim3A_164 = vector.broadcast %mul3A_152 : f32 to vector<16xf32>
      %select_n3A_165 = arith.select %eq3A_158, %broadcast_in_dim3A_164, %select_n3A_163 : vector<16xi1>, vector<16xf32>
      %mul3A_166 = arith.constant 8 : i32
      %mul3A_167 = arith.muli %scan3A_31, %mul3A_166 : i32
      %add3A_168 = arith.constant 1 : i32
      %add3A_169 = arith.addi %mul3A_167, %add3A_168 : i32
      %add3A_170 = arith.addi %mul3A_2, %add3A_169 : i32
      %dma_wait3A_171 = arith.constant 0 : i32
      %dma_wait3A_172 = tpu.memref_slice %arg2[%add3A_170, %dma_wait3A_171] : memref<4096x16384xf32, #tpu.memory_space<hbm>> -> memref<1x16384xf32, #tpu.memory_space<hbm>>
      %dma_wait3A_173 = tpu.memref_squeeze %dma_wait3A_172 : memref<1x16384xf32, #tpu.memory_space<hbm>> -> memref<16384xf32, #tpu.memory_space<hbm>>
      %dma_wait3A_174 = arith.constant 0 : i32
      %dma_wait3A_175 = tpu.memref_slice %arg2[%add3A_170, %dma_wait3A_174] : memref<4096x16384xf32, #tpu.memory_space<hbm>> -> memref<1x16384xf32, #tpu.memory_space<hbm>>
      %dma_wait3A_176 = tpu.memref_squeeze %dma_wait3A_175 : memref<1x16384xf32, #tpu.memory_space<hbm>> -> memref<16384xf32, #tpu.memory_space<hbm>>
      tpu.wait_dma2 semaphore(%arg10 : memref<!tpu.dma_semaphore, #tpu.memory_space<semaphore_mem>>) src(%dma_wait3A_176 : memref<16384xf32, #tpu.memory_space<hbm>>) dst(%arg5 : memref<16384xf32, #tpu.memory_space<vmem>>)
      %add3A_177 = arith.constant 4 : i32
      %add3A_178 = arith.addi %add3A_169, %add3A_177 : i32
      %sub3A_179 = arith.constant 1 : i32
      %sub3A_180 = arith.subi %add3A_178, %sub3A_179 : i32
      %lt3A_181 = arith.constant 88 : i32
      %lt3A_182 = arith.cmpi slt, %sub3A_180, %lt3A_181 : i32
      %convert_element_type3A_183 = arith.extui %lt3A_182 : i1 to i32
      %cond3A_184 = arith.constant 0 : i32
      %cond3A_185 = arith.cmpi ne, %convert_element_type3A_183, %cond3A_184 : i32
      scf.if %cond3A_185 {
        %add3A_1184 = arith.constant 4 : i32
        %add3A_1185 = arith.addi %add3A_170, %add3A_1184 : i32
        %sub3A_1186 = arith.constant 1 : i32
        %sub3A_1187 = arith.subi %add3A_1185, %sub3A_1186 : i32
        %dma_start3A_1188 = arith.constant 0 : i32
        %dma_start3A_1189 = tpu.memref_slice %arg2[%sub3A_1187, %dma_start3A_1188] : memref<4096x16384xf32, #tpu.memory_space<hbm>> -> memref<1x16384xf32, #tpu.memory_space<hbm>>
        %dma_start3A_1190 = tpu.memref_squeeze %dma_start3A_1189 : memref<1x16384xf32, #tpu.memory_space<hbm>> -> memref<16384xf32, #tpu.memory_space<hbm>>
        %dma_start3A_1191 = arith.constant 0 : i32
        %dma_start3A_1192 = tpu.memref_slice %arg2[%sub3A_1187, %dma_start3A_1191] : memref<4096x16384xf32, #tpu.memory_space<hbm>> -> memref<1x16384xf32, #tpu.memory_space<hbm>>
        %dma_start3A_1193 = tpu.memref_squeeze %dma_start3A_1192 : memref<1x16384xf32, #tpu.memory_space<hbm>> -> memref<16384xf32, #tpu.memory_space<hbm>>
        tpu.enqueue_dma source(%dma_start3A_1193 : memref<16384xf32, #tpu.memory_space<hbm>>) target(%arg4 : memref<16384xf32, #tpu.memory_space<vmem>>) target_semaphore(%arg9 : memref<!tpu.dma_semaphore, #tpu.memory_space<semaphore_mem>>)
      } else {
      }
      %broadcast_in_dim3A_186 = arith.constant 0x7F800000 : f32
      %broadcast_in_dim3A_187 = vector.broadcast %broadcast_in_dim3A_186 : f32 to vector<16xf32>
      %broadcast_in_dim3A_188 = arith.constant 0 : i32
      %broadcast_in_dim3A_189 = vector.broadcast %broadcast_in_dim3A_188 : i32 to vector<16xi32>
      %scan3A_190 = arith.constant 0 : i32
      %scan3A_191 = arith.constant 128 : i32
      %scan3A_192 = arith.addi %scan3A_190, %scan3A_191 : i32
      %scan3A_193 = arith.constant 1 : i32
      %scan3A_194:16 = scf.for %scan3A_1184 = %scan3A_190 to %scan3A_192 step %scan3A_193 iter_args(%scan3A_1185 = %broadcast_in_dim3A_187, %scan3A_1186 = %broadcast_in_dim3A_187, %scan3A_1187 = %broadcast_in_dim3A_187, %scan3A_1188 = %broadcast_in_dim3A_187, %scan3A_1189 = %broadcast_in_dim3A_187, %scan3A_1190 = %broadcast_in_dim3A_187, %scan3A_1191 = %broadcast_in_dim3A_187, %scan3A_1192 = %broadcast_in_dim3A_187, %scan3A_1193 = %broadcast_in_dim3A_189, %scan3A_1194 = %broadcast_in_dim3A_189, %scan3A_1195 = %broadcast_in_dim3A_189, %scan3A_1196 = %broadcast_in_dim3A_189, %scan3A_1197 = %broadcast_in_dim3A_189, %scan3A_1198 = %broadcast_in_dim3A_189, %scan3A_1199 = %broadcast_in_dim3A_189, %scan3A_1200 = %broadcast_in_dim3A_189) -> (vector<16xf32>, vector<16xf32>, vector<16xf32>, vector<16xf32>, vector<16xf32>, vector<16xf32>, vector<16xf32>, vector<16xf32>, vector<16xi32>, vector<16xi32>, vector<16xi32>, vector<16xi32>, vector<16xi32>, vector<16xi32>, vector<16xi32>, vector<16xi32>)  : i32 {
        %mul3A_1201 = arith.constant 8 : i32
        %mul3A_1202 = arith.muli %scan3A_1184, %mul3A_1201 : i32
        %add3A_1203 = arith.constant 0 : i32
        %add3A_1204 = arith.addi %mul3A_1202, %add3A_1203 : i32
        %mul3A_1205 = arith.constant 16 : i32
        %mul3A_1206 = arith.muli %add3A_1204, %mul3A_1205 : i32
        %get3A = arith.index_cast %mul3A_1206 : i32 to index
        %get3A_1207 = tpu.vector_load %arg5[%get3A] {strides = array<i32>} : memref<16384xf32, #tpu.memory_space<vmem>>, vector<16xf32>,
        %lt3A_1208 = arith.cmpf olt, %get3A_1207, %scan3A_1185 : vector<16xf32>
        %select_n3A_1209 = arith.select %lt3A_1208, %get3A_1207, %scan3A_1185 : vector<16xi1>, vector<16xf32>
        %broadcast_in_dim3A_1210 = vector.broadcast %add3A_1204 : i32 to vector<16xi32>
        %select_n3A_1211 = arith.select %lt3A_1208, %broadcast_in_dim3A_1210, %scan3A_1193 : vector<16xi1>, vector<16xi32>
        %mul3A_1212 = arith.constant 8 : i32
        %mul3A_1213 = arith.muli %scan3A_1184, %mul3A_1212 : i32
        %add3A_1214 = arith.constant 1 : i32
        %add3A_1215 = arith.addi %mul3A_1213, %add3A_1214 : i32
        %mul3A_1216 = arith.constant 16 : i32
        %mul3A_1217 = arith.muli %add3A_1215, %mul3A_1216 : i32
        %get3A_1218 = arith.index_cast %mul3A_1217 : i32 to index
        %get3A_1219 = tpu.vector_load %arg5[%get3A_1218] {strides = array<i32>} : memref<16384xf32, #tpu.memory_space<vmem>>, vector<16xf32>,
        %lt3A_1220 = arith.cmpf olt, %get3A_1219, %scan3A_1186 : vector<16xf32>
        %select_n3A_1221 = arith.select %lt3A_1220, %get3A_1219, %scan3A_1186 : vector<16xi1>, vector<16xf32>
        %broadcast_in_dim3A_1222 = vector.broadcast %add3A_1215 : i32 to vector<16xi32>
        %select_n3A_1223 = arith.select %lt3A_1220, %broadcast_in_dim3A_1222, %scan3A_1194 : vector<16xi1>, vector<16xi32>
        %mul3A_1224 = arith.constant 8 : i32
        %mul3A_1225 = arith.muli %scan3A_1184, %mul3A_1224 : i32
        %add3A_1226 = arith.constant 2 : i32
        %add3A_1227 = arith.addi %mul3A_1225, %add3A_1226 : i32
        %mul3A_1228 = arith.constant 16 : i32
        %mul3A_1229 = arith.muli %add3A_1227, %mul3A_1228 : i32
        %get3A_1230 = arith.index_cast %mul3A_1229 : i32 to index
        %get3A_1231 = tpu.vector_load %arg5[%get3A_1230] {strides = array<i32>} : memref<16384xf32, #tpu.memory_space<vmem>>, vector<16xf32>,
        %lt3A_1232 = arith.cmpf olt, %get3A_1231, %scan3A_1187 : vector<16xf32>
        %select_n3A_1233 = arith.select %lt3A_1232, %get3A_1231, %scan3A_1187 : vector<16xi1>, vector<16xf32>
        %broadcast_in_dim3A_1234 = vector.broadcast %add3A_1227 : i32 to vector<16xi32>
        %select_n3A_1235 = arith.select %lt3A_1232, %broadcast_in_dim3A_1234, %scan3A_1195 : vector<16xi1>, vector<16xi32>
        %mul3A_1236 = arith.constant 8 : i32
        %mul3A_1237 = arith.muli %scan3A_1184, %mul3A_1236 : i32
        %add3A_1238 = arith.constant 3 : i32
        %add3A_1239 = arith.addi %mul3A_1237, %add3A_1238 : i32
        %mul3A_1240 = arith.constant 16 : i32
        %mul3A_1241 = arith.muli %add3A_1239, %mul3A_1240 : i32
        %get3A_1242 = arith.index_cast %mul3A_1241 : i32 to index
        %get3A_1243 = tpu.vector_load %arg5[%get3A_1242] {strides = array<i32>} : memref<16384xf32, #tpu.memory_space<vmem>>, vector<16xf32>,
        %lt3A_1244 = arith.cmpf olt, %get3A_1243, %scan3A_1188 : vector<16xf32>
        %select_n3A_1245 = arith.select %lt3A_1244, %get3A_1243, %scan3A_1188 : vector<16xi1>, vector<16xf32>
        %broadcast_in_dim3A_1246 = vector.broadcast %add3A_1239 : i32 to vector<16xi32>
        %select_n3A_1247 = arith.select %lt3A_1244, %broadcast_in_dim3A_1246, %scan3A_1196 : vector<16xi1>, vector<16xi32>
        %mul3A_1248 = arith.constant 8 : i32
        %mul3A_1249 = arith.muli %scan3A_1184, %mul3A_1248 : i32
        %add3A_1250 = arith.constant 4 : i32
        %add3A_1251 = arith.addi %mul3A_1249, %add3A_1250 : i32
        %mul3A_1252 = arith.constant 16 : i32
        %mul3A_1253 = arith.muli %add3A_1251, %mul3A_1252 : i32
        %get3A_1254 = arith.index_cast %mul3A_1253 : i32 to index
        %get3A_1255 = tpu.vector_load %arg5[%get3A_1254] {strides = array<i32>} : memref<16384xf32, #tpu.memory_space<vmem>>, vector<16xf32>,
        %lt3A_1256 = arith.cmpf olt, %get3A_1255, %scan3A_1189 : vector<16xf32>
        %select_n3A_1257 = arith.select %lt3A_1256, %get3A_1255, %scan3A_1189 : vector<16xi1>, vector<16xf32>
        %broadcast_in_dim3A_1258 = vector.broadcast %add3A_1251 : i32 to vector<16xi32>
        %select_n3A_1259 = arith.select %lt3A_1256, %broadcast_in_dim3A_1258, %scan3A_1197 : vector<16xi1>, vector<16xi32>
        %mul3A_1260 = arith.constant 8 : i32
        %mul3A_1261 = arith.muli %scan3A_1184, %mul3A_1260 : i32
        %add3A_1262 = arith.constant 5 : i32
        %add3A_1263 = arith.addi %mul3A_1261, %add3A_1262 : i32
        %mul3A_1264 = arith.constant 16 : i32
        %mul3A_1265 = arith.muli %add3A_1263, %mul3A_1264 : i32
        %get3A_1266 = arith.index_cast %mul3A_1265 : i32 to index
        %get3A_1267 = tpu.vector_load %arg5[%get3A_1266] {strides = array<i32>} : memref<16384xf32, #tpu.memory_space<vmem>>, vector<16xf32>,
        %lt3A_1268 = arith.cmpf olt, %get3A_1267, %scan3A_1190 : vector<16xf32>
        %select_n3A_1269 = arith.select %lt3A_1268, %get3A_1267, %scan3A_1190 : vector<16xi1>, vector<16xf32>
        %broadcast_in_dim3A_1270 = vector.broadcast %add3A_1263 : i32 to vector<16xi32>
        %select_n3A_1271 = arith.select %lt3A_1268, %broadcast_in_dim3A_1270, %scan3A_1198 : vector<16xi1>, vector<16xi32>
        %mul3A_1272 = arith.constant 8 : i32
        %mul3A_1273 = arith.muli %scan3A_1184, %mul3A_1272 : i32
        %add3A_1274 = arith.constant 6 : i32
        %add3A_1275 = arith.addi %mul3A_1273, %add3A_1274 : i32
        %mul3A_1276 = arith.constant 16 : i32
        %mul3A_1277 = arith.muli %add3A_1275, %mul3A_1276 : i32
        %get3A_1278 = arith.index_cast %mul3A_1277 : i32 to index
        %get3A_1279 = tpu.vector_load %arg5[%get3A_1278] {strides = array<i32>} : memref<16384xf32, #tpu.memory_space<vmem>>, vector<16xf32>,
        %lt3A_1280 = arith.cmpf olt, %get3A_1279, %scan3A_1191 : vector<16xf32>
        %select_n3A_1281 = arith.select %lt3A_1280, %get3A_1279, %scan3A_1191 : vector<16xi1>, vector<16xf32>
        %broadcast_in_dim3A_1282 = vector.broadcast %add3A_1275 : i32 to vector<16xi32>
        %select_n3A_1283 = arith.select %lt3A_1280, %broadcast_in_dim3A_1282, %scan3A_1199 : vector<16xi1>, vector<16xi32>
        %mul3A_1284 = arith.constant 8 : i32
        %mul3A_1285 = arith.muli %scan3A_1184, %mul3A_1284 : i32
        %add3A_1286 = arith.constant 7 : i32
        %add3A_1287 = arith.addi %mul3A_1285, %add3A_1286 : i32
        %mul3A_1288 = arith.constant 16 : i32
        %mul3A_1289 = arith.muli %add3A_1287, %mul3A_1288 : i32
        %get3A_1290 = arith.index_cast %mul3A_1289 : i32 to index
        %get3A_1291 = tpu.vector_load %arg5[%get3A_1290] {strides = array<i32>} : memref<16384xf32, #tpu.memory_space<vmem>>, vector<16xf32>,
        %lt3A_1292 = arith.cmpf olt, %get3A_1291, %scan3A_1192 : vector<16xf32>
        %select_n3A_1293 = arith.select %lt3A_1292, %get3A_1291, %scan3A_1192 : vector<16xi1>, vector<16xf32>
        %broadcast_in_dim3A_1294 = vector.broadcast %add3A_1287 : i32 to vector<16xi32>
        %select_n3A_1295 = arith.select %lt3A_1292, %broadcast_in_dim3A_1294, %scan3A_1200 : vector<16xi1>, vector<16xi32>
        scf.yield %select_n3A_1209, %select_n3A_1221, %select_n3A_1233, %select_n3A_1245, %select_n3A_1257, %select_n3A_1269, %select_n3A_1281, %select_n3A_1293, %select_n3A_1211, %select_n3A_1223, %select_n3A_1235, %select_n3A_1247, %select_n3A_1259, %select_n3A_1271, %select_n3A_1283, %select_n3A_1295 : vector<16xf32>, vector<16xf32>, vector<16xf32>, vector<16xf32>, vector<16xf32>, vector<16xf32>, vector<16xf32>, vector<16xf32>, vector<16xi32>, vector<16xi32>, vector<16xi32>, vector<16xi32>, vector<16xi32>, vector<16xi32>, vector<16xi32>, vector<16xi32>
      }
      %scan3A_195 = arith.constant 128 : i32
      %iota3A_196 = tpu.iota {dimensions = array<i32: 0>} : vector<16xi32>
      %mul3A_197 = arith.constant 16 : i32
      %mul3A_198 = vector.broadcast %mul3A_197 : i32 to vector<16xi32>
      %mul3A_199 = arith.muli %scan3A_194#8, %mul3A_198 : vector<16xi32>
      %add3A_200 = arith.addi %mul3A_199, %iota3A_196 : vector<16xi32>
      %mul3A_201 = arith.constant 16 : i32
      %mul3A_202 = vector.broadcast %mul3A_201 : i32 to vector<16xi32>
      %mul3A_203 = arith.muli %scan3A_194#9, %mul3A_202 : vector<16xi32>
      %add3A_204 = arith.addi %mul3A_203, %iota3A_196 : vector<16xi32>
      %lt3A_205 = arith.cmpf olt, %scan3A_194#1, %scan3A_194#0 : vector<16xf32>
      %eq3A_206 = arith.cmpf oeq, %scan3A_194#1, %scan3A_194#0 : vector<16xf32>
      %lt3A_207 = arith.cmpi slt, %add3A_204, %add3A_200 : vector<16xi32>
      %and3A_208 = arith.andi %eq3A_206, %lt3A_207 : vector<16xi1>
      %or3A_209 = arith.ori %lt3A_205, %and3A_208 : vector<16xi1>
      %select_n3A_210 = arith.select %or3A_209, %scan3A_194#1, %scan3A_194#0 : vector<16xi1>, vector<16xf32>
      %select_n3A_211 = arith.select %or3A_209, %add3A_204, %add3A_200 : vector<16xi1>, vector<16xi32>
      %mul3A_212 = arith.constant 16 : i32
      %mul3A_213 = vector.broadcast %mul3A_212 : i32 to vector<16xi32>
      %mul3A_214 = arith.muli %scan3A_194#10, %mul3A_213 : vector<16xi32>
      %add3A_215 = arith.addi %mul3A_214, %iota3A_196 : vector<16xi32>
      %lt3A_216 = arith.cmpf olt, %scan3A_194#2, %select_n3A_210 : vector<16xf32>
      %eq3A_217 = arith.cmpf oeq, %scan3A_194#2, %select_n3A_210 : vector<16xf32>
      %lt3A_218 = arith.cmpi slt, %add3A_215, %select_n3A_211 : vector<16xi32>
      %and3A_219 = arith.andi %eq3A_217, %lt3A_218 : vector<16xi1>
      %or3A_220 = arith.ori %lt3A_216, %and3A_219 : vector<16xi1>
      %select_n3A_221 = arith.select %or3A_220, %scan3A_194#2, %select_n3A_210 : vector<16xi1>, vector<16xf32>
      %select_n3A_222 = arith.select %or3A_220, %add3A_215, %select_n3A_211 : vector<16xi1>, vector<16xi32>
      %mul3A_223 = arith.constant 16 : i32
      %mul3A_224 = vector.broadcast %mul3A_223 : i32 to vector<16xi32>
      %mul3A_225 = arith.muli %scan3A_194#11, %mul3A_224 : vector<16xi32>
      %add3A_226 = arith.addi %mul3A_225, %iota3A_196 : vector<16xi32>
      %lt3A_227 = arith.cmpf olt, %scan3A_194#3, %select_n3A_221 : vector<16xf32>
      %eq3A_228 = arith.cmpf oeq, %scan3A_194#3, %select_n3A_221 : vector<16xf32>
      %lt3A_229 = arith.cmpi slt, %add3A_226, %select_n3A_222 : vector<16xi32>
      %and3A_230 = arith.andi %eq3A_228, %lt3A_229 : vector<16xi1>
      %or3A_231 = arith.ori %lt3A_227, %and3A_230 : vector<16xi1>
      %select_n3A_232 = arith.select %or3A_231, %scan3A_194#3, %select_n3A_221 : vector<16xi1>, vector<16xf32>
      %select_n3A_233 = arith.select %or3A_231, %add3A_226, %select_n3A_222 : vector<16xi1>, vector<16xi32>
      %mul3A_234 = arith.constant 16 : i32
      %mul3A_235 = vector.broadcast %mul3A_234 : i32 to vector<16xi32>
      %mul3A_236 = arith.muli %scan3A_194#12, %mul3A_235 : vector<16xi32>
      %add3A_237 = arith.addi %mul3A_236, %iota3A_196 : vector<16xi32>
      %lt3A_238 = arith.cmpf olt, %scan3A_194#4, %select_n3A_232 : vector<16xf32>
      %eq3A_239 = arith.cmpf oeq, %scan3A_194#4, %select_n3A_232 : vector<16xf32>
      %lt3A_240 = arith.cmpi slt, %add3A_237, %select_n3A_233 : vector<16xi32>
      %and3A_241 = arith.andi %eq3A_239, %lt3A_240 : vector<16xi1>
      %or3A_242 = arith.ori %lt3A_238, %and3A_241 : vector<16xi1>
      %select_n3A_243 = arith.select %or3A_242, %scan3A_194#4, %select_n3A_232 : vector<16xi1>, vector<16xf32>
      %select_n3A_244 = arith.select %or3A_242, %add3A_237, %select_n3A_233 : vector<16xi1>, vector<16xi32>
      %mul3A_245 = arith.constant 16 : i32
      %mul3A_246 = vector.broadcast %mul3A_245 : i32 to vector<16xi32>
      %mul3A_247 = arith.muli %scan3A_194#13, %mul3A_246 : vector<16xi32>
      %add3A_248 = arith.addi %mul3A_247, %iota3A_196 : vector<16xi32>
      %lt3A_249 = arith.cmpf olt, %scan3A_194#5, %select_n3A_243 : vector<16xf32>
      %eq3A_250 = arith.cmpf oeq, %scan3A_194#5, %select_n3A_243 : vector<16xf32>
      %lt3A_251 = arith.cmpi slt, %add3A_248, %select_n3A_244 : vector<16xi32>
      %and3A_252 = arith.andi %eq3A_250, %lt3A_251 : vector<16xi1>
      %or3A_253 = arith.ori %lt3A_249, %and3A_252 : vector<16xi1>
      %select_n3A_254 = arith.select %or3A_253, %scan3A_194#5, %select_n3A_243 : vector<16xi1>, vector<16xf32>
      %select_n3A_255 = arith.select %or3A_253, %add3A_248, %select_n3A_244 : vector<16xi1>, vector<16xi32>
      %mul3A_256 = arith.constant 16 : i32
      %mul3A_257 = vector.broadcast %mul3A_256 : i32 to vector<16xi32>
      %mul3A_258 = arith.muli %scan3A_194#14, %mul3A_257 : vector<16xi32>
      %add3A_259 = arith.addi %mul3A_258, %iota3A_196 : vector<16xi32>
      %lt3A_260 = arith.cmpf olt, %scan3A_194#6, %select_n3A_254 : vector<16xf32>
      %eq3A_261 = arith.cmpf oeq, %scan3A_194#6, %select_n3A_254 : vector<16xf32>
      %lt3A_262 = arith.cmpi slt, %add3A_259, %select_n3A_255 : vector<16xi32>
      %and3A_263 = arith.andi %eq3A_261, %lt3A_262 : vector<16xi1>
      %or3A_264 = arith.ori %lt3A_260, %and3A_263 : vector<16xi1>
      %select_n3A_265 = arith.select %or3A_264, %scan3A_194#6, %select_n3A_254 : vector<16xi1>, vector<16xf32>
      %select_n3A_266 = arith.select %or3A_264, %add3A_259, %select_n3A_255 : vector<16xi1>, vector<16xi32>
      %mul3A_267 = arith.constant 16 : i32
      %mul3A_268 = vector.broadcast %mul3A_267 : i32 to vector<16xi32>
      %mul3A_269 = arith.muli %scan3A_194#15, %mul3A_268 : vector<16xi32>
      %add3A_270 = arith.addi %mul3A_269, %iota3A_196 : vector<16xi32>
      %lt3A_271 = arith.cmpf olt, %scan3A_194#7, %select_n3A_265 : vector<16xf32>
      %eq3A_272 = arith.cmpf oeq, %scan3A_194#7, %select_n3A_265 : vector<16xf32>
      %lt3A_273 = arith.cmpi slt, %add3A_270, %select_n3A_266 : vector<16xi32>
      %and3A_274 = arith.andi %eq3A_272, %lt3A_273 : vector<16xi1>
      %or3A_275 = arith.ori %lt3A_271, %and3A_274 : vector<16xi1>
      %select_n3A_276 = arith.select %or3A_275, %scan3A_194#7, %select_n3A_265 : vector<16xi1>, vector<16xf32>
      %select_n3A_277 = arith.select %or3A_275, %add3A_270, %select_n3A_266 : vector<16xi1>, vector<16xi32>
      %sort3A_278 = arith.constant dense<true> : vector<16xi1>
      %sort3A_279, %sort3A_280, %sort3A_281 = tpu.sort %select_n3A_276, %select_n3A_276 masked %sort3A_278 : (vector<16xf32>, vector<16xf32>, vector<16xi1>) -> (vector<16xi1>, vector<16xf32>, vector<16xf32>)
      %slice3A_282 = vector.extract_strided_slice %sort3A_280 {offsets = [0], sizes = [1], strides = [1]} : vector<16xf32> to vector<1xf32>
      %squeeze3A_283 = vector.extract %slice3A_282[0] : f32 from vector<1xf32>
      %broadcast_in_dim3A_284 = vector.broadcast %squeeze3A_283 : f32 to vector<16xf32>
      %eq3A_285 = arith.cmpf oeq, %select_n3A_276, %broadcast_in_dim3A_284 : vector<16xf32>
      %broadcast_in_dim3A_286 = arith.constant 16384 : i32
      %broadcast_in_dim3A_287 = vector.broadcast %broadcast_in_dim3A_286 : i32 to vector<16xi32>
      %select_n3A_288 = arith.select %eq3A_285, %select_n3A_277, %broadcast_in_dim3A_287 : vector<16xi1>, vector<16xi32>
      %sort3A_289 = arith.constant dense<true> : vector<16xi1>
      %sort3A_290, %sort3A_291, %sort3A_292 = tpu.sort %select_n3A_288, %select_n3A_288 masked %sort3A_289 : (vector<16xi32>, vector<16xi32>, vector<16xi1>) -> (vector<16xi1>, vector<16xi32>, vector<16xi32>)
      %slice3A_293 = vector.extract_strided_slice %sort3A_291 {offsets = [0], sizes = [1], strides = [1]} : vector<16xi32> to vector<1xi32>
      %squeeze3A_294 = vector.extract %slice3A_293[0] : i32 from vector<1xi32>
      %convert_element_type3A_295 = arith.sitofp %squeeze3A_294 : i32 to f32
      %mul3A_296 = arith.constant 7.812500e-03 : f32
      %mul3A_297 = arith.mulf %convert_element_type3A_295, %mul3A_296 : f32
      %and3A_298 = arith.constant 127 : i32
      %and3A_299 = arith.andi %squeeze3A_294, %and3A_298 : i32
      %convert_element_type3A_300 = arith.sitofp %and3A_299 : i32 to f32
      %eq3A_301 = arith.constant 2 : i32
      %eq3A_302 = vector.broadcast %eq3A_301 : i32 to vector<16xi32>
      %eq3A_303 = arith.cmpi eq, %iota3A, %eq3A_302 : vector<16xi32>
      %eq3A_304 = arith.constant 3 : i32
      %eq3A_305 = vector.broadcast %eq3A_304 : i32 to vector<16xi32>
      %eq3A_306 = arith.cmpi eq, %iota3A, %eq3A_305 : vector<16xi32>
      %broadcast_in_dim3A_307 = vector.broadcast %convert_element_type3A_300 : f32 to vector<16xf32>
      %select_n3A_308 = arith.select %eq3A_306, %broadcast_in_dim3A_307, %select_n3A_165 : vector<16xi1>, vector<16xf32>
      %broadcast_in_dim3A_309 = vector.broadcast %mul3A_297 : f32 to vector<16xf32>
      %select_n3A_310 = arith.select %eq3A_303, %broadcast_in_dim3A_309, %select_n3A_308 : vector<16xi1>, vector<16xf32>
      %mul3A_311 = arith.constant 8 : i32
      %mul3A_312 = arith.muli %scan3A_31, %mul3A_311 : i32
      %add3A_313 = arith.constant 2 : i32
      %add3A_314 = arith.addi %mul3A_312, %add3A_313 : i32
      %add3A_315 = arith.addi %mul3A_2, %add3A_314 : i32
      %dma_wait3A_316 = arith.constant 0 : i32
      %dma_wait3A_317 = tpu.memref_slice %arg2[%add3A_315, %dma_wait3A_316] : memref<4096x16384xf32, #tpu.memory_space<hbm>> -> memref<1x16384xf32, #tpu.memory_space<hbm>>
      %dma_wait3A_318 = tpu.memref_squeeze %dma_wait3A_317 : memref<1x16384xf32, #tpu.memory_space<hbm>> -> memref<16384xf32, #tpu.memory_space<hbm>>
      %dma_wait3A_319 = arith.constant 0 : i32
      %dma_wait3A_320 = tpu.memref_slice %arg2[%add3A_315, %dma_wait3A_319] : memref<4096x16384xf32, #tpu.memory_space<hbm>> -> memref<1x16384xf32, #tpu.memory_space<hbm>>
      %dma_wait3A_321 = tpu.memref_squeeze %dma_wait3A_320 : memref<1x16384xf32, #tpu.memory_space<hbm>> -> memref<16384xf32, #tpu.memory_space<hbm>>
      tpu.wait_dma2 semaphore(%arg11 : memref<!tpu.dma_semaphore, #tpu.memory_space<semaphore_mem>>) src(%dma_wait3A_321 : memref<16384xf32, #tpu.memory_space<hbm>>) dst(%arg6 : memref<16384xf32, #tpu.memory_space<vmem>>)
      %add3A_322 = arith.constant 4 : i32
      %add3A_323 = arith.addi %add3A_314, %add3A_322 : i32
      %sub3A_324 = arith.constant 1 : i32
      %sub3A_325 = arith.subi %add3A_323, %sub3A_324 : i32
      %lt3A_326 = arith.constant 88 : i32
      %lt3A_327 = arith.cmpi slt, %sub3A_325, %lt3A_326 : i32
      %convert_element_type3A_328 = arith.extui %lt3A_327 : i1 to i32
      %cond3A_329 = arith.constant 0 : i32
      %cond3A_330 = arith.cmpi ne, %convert_element_type3A_328, %cond3A_329 : i32
      scf.if %cond3A_330 {
        %add3A_1184 = arith.constant 4 : i32
        %add3A_1185 = arith.addi %add3A_315, %add3A_1184 : i32
        %sub3A_1186 = arith.constant 1 : i32
        %sub3A_1187 = arith.subi %add3A_1185, %sub3A_1186 : i32
        %dma_start3A_1188 = arith.constant 0 : i32
        %dma_start3A_1189 = tpu.memref_slice %arg2[%sub3A_1187, %dma_start3A_1188] : memref<4096x16384xf32, #tpu.memory_space<hbm>> -> memref<1x16384xf32, #tpu.memory_space<hbm>>
        %dma_start3A_1190 = tpu.memref_squeeze %dma_start3A_1189 : memref<1x16384xf32, #tpu.memory_space<hbm>> -> memref<16384xf32, #tpu.memory_space<hbm>>
        %dma_start3A_1191 = arith.constant 0 : i32
        %dma_start3A_1192 = tpu.memref_slice %arg2[%sub3A_1187, %dma_start3A_1191] : memref<4096x16384xf32, #tpu.memory_space<hbm>> -> memref<1x16384xf32, #tpu.memory_space<hbm>>
        %dma_start3A_1193 = tpu.memref_squeeze %dma_start3A_1192 : memref<1x16384xf32, #tpu.memory_space<hbm>> -> memref<16384xf32, #tpu.memory_space<hbm>>
        tpu.enqueue_dma source(%dma_start3A_1193 : memref<16384xf32, #tpu.memory_space<hbm>>) target(%arg5 : memref<16384xf32, #tpu.memory_space<vmem>>) target_semaphore(%arg10 : memref<!tpu.dma_semaphore, #tpu.memory_space<semaphore_mem>>)
      } else {
      }
      %broadcast_in_dim3A_331 = arith.constant 0x7F800000 : f32
      %broadcast_in_dim3A_332 = vector.broadcast %broadcast_in_dim3A_331 : f32 to vector<16xf32>
      %broadcast_in_dim3A_333 = arith.constant 0 : i32
      %broadcast_in_dim3A_334 = vector.broadcast %broadcast_in_dim3A_333 : i32 to vector<16xi32>
      %scan3A_335 = arith.constant 0 : i32
      %scan3A_336 = arith.constant 128 : i32
      %scan3A_337 = arith.addi %scan3A_335, %scan3A_336 : i32
      %scan3A_338 = arith.constant 1 : i32
      %scan3A_339:16 = scf.for %scan3A_1184 = %scan3A_335 to %scan3A_337 step %scan3A_338 iter_args(%scan3A_1185 = %broadcast_in_dim3A_332, %scan3A_1186 = %broadcast_in_dim3A_332, %scan3A_1187 = %broadcast_in_dim3A_332, %scan3A_1188 = %broadcast_in_dim3A_332, %scan3A_1189 = %broadcast_in_dim3A_332, %scan3A_1190 = %broadcast_in_dim3A_332, %scan3A_1191 = %broadcast_in_dim3A_332, %scan3A_1192 = %broadcast_in_dim3A_332, %scan3A_1193 = %broadcast_in_dim3A_334, %scan3A_1194 = %broadcast_in_dim3A_334, %scan3A_1195 = %broadcast_in_dim3A_334, %scan3A_1196 = %broadcast_in_dim3A_334, %scan3A_1197 = %broadcast_in_dim3A_334, %scan3A_1198 = %broadcast_in_dim3A_334, %scan3A_1199 = %broadcast_in_dim3A_334, %scan3A_1200 = %broadcast_in_dim3A_334) -> (vector<16xf32>, vector<16xf32>, vector<16xf32>, vector<16xf32>, vector<16xf32>, vector<16xf32>, vector<16xf32>, vector<16xf32>, vector<16xi32>, vector<16xi32>, vector<16xi32>, vector<16xi32>, vector<16xi32>, vector<16xi32>, vector<16xi32>, vector<16xi32>)  : i32 {
        %mul3A_1201 = arith.constant 8 : i32
        %mul3A_1202 = arith.muli %scan3A_1184, %mul3A_1201 : i32
        %add3A_1203 = arith.constant 0 : i32
        %add3A_1204 = arith.addi %mul3A_1202, %add3A_1203 : i32
        %mul3A_1205 = arith.constant 16 : i32
        %mul3A_1206 = arith.muli %add3A_1204, %mul3A_1205 : i32
        %get3A = arith.index_cast %mul3A_1206 : i32 to index
        %get3A_1207 = tpu.vector_load %arg6[%get3A] {strides = array<i32>} : memref<16384xf32, #tpu.memory_space<vmem>>, vector<16xf32>,
        %lt3A_1208 = arith.cmpf olt, %get3A_1207, %scan3A_1185 : vector<16xf32>
        %select_n3A_1209 = arith.select %lt3A_1208, %get3A_1207, %scan3A_1185 : vector<16xi1>, vector<16xf32>
        %broadcast_in_dim3A_1210 = vector.broadcast %add3A_1204 : i32 to vector<16xi32>
        %select_n3A_1211 = arith.select %lt3A_1208, %broadcast_in_dim3A_1210, %scan3A_1193 : vector<16xi1>, vector<16xi32>
        %mul3A_1212 = arith.constant 8 : i32
        %mul3A_1213 = arith.muli %scan3A_1184, %mul3A_1212 : i32
        %add3A_1214 = arith.constant 1 : i32
        %add3A_1215 = arith.addi %mul3A_1213, %add3A_1214 : i32
        %mul3A_1216 = arith.constant 16 : i32
        %mul3A_1217 = arith.muli %add3A_1215, %mul3A_1216 : i32
        %get3A_1218 = arith.index_cast %mul3A_1217 : i32 to index
        %get3A_1219 = tpu.vector_load %arg6[%get3A_1218] {strides = array<i32>} : memref<16384xf32, #tpu.memory_space<vmem>>, vector<16xf32>,
        %lt3A_1220 = arith.cmpf olt, %get3A_1219, %scan3A_1186 : vector<16xf32>
        %select_n3A_1221 = arith.select %lt3A_1220, %get3A_1219, %scan3A_1186 : vector<16xi1>, vector<16xf32>
        %broadcast_in_dim3A_1222 = vector.broadcast %add3A_1215 : i32 to vector<16xi32>
        %select_n3A_1223 = arith.select %lt3A_1220, %broadcast_in_dim3A_1222, %scan3A_1194 : vector<16xi1>, vector<16xi32>
        %mul3A_1224 = arith.constant 8 : i32
        %mul3A_1225 = arith.muli %scan3A_1184, %mul3A_1224 : i32
        %add3A_1226 = arith.constant 2 : i32
        %add3A_1227 = arith.addi %mul3A_1225, %add3A_1226 : i32
        %mul3A_1228 = arith.constant 16 : i32
        %mul3A_1229 = arith.muli %add3A_1227, %mul3A_1228 : i32
        %get3A_1230 = arith.index_cast %mul3A_1229 : i32 to index
        %get3A_1231 = tpu.vector_load %arg6[%get3A_1230] {strides = array<i32>} : memref<16384xf32, #tpu.memory_space<vmem>>, vector<16xf32>,
        %lt3A_1232 = arith.cmpf olt, %get3A_1231, %scan3A_1187 : vector<16xf32>
        %select_n3A_1233 = arith.select %lt3A_1232, %get3A_1231, %scan3A_1187 : vector<16xi1>, vector<16xf32>
        %broadcast_in_dim3A_1234 = vector.broadcast %add3A_1227 : i32 to vector<16xi32>
        %select_n3A_1235 = arith.select %lt3A_1232, %broadcast_in_dim3A_1234, %scan3A_1195 : vector<16xi1>, vector<16xi32>
        %mul3A_1236 = arith.constant 8 : i32
        %mul3A_1237 = arith.muli %scan3A_1184, %mul3A_1236 : i32
        %add3A_1238 = arith.constant 3 : i32
        %add3A_1239 = arith.addi %mul3A_1237, %add3A_1238 : i32
        %mul3A_1240 = arith.constant 16 : i32
        %mul3A_1241 = arith.muli %add3A_1239, %mul3A_1240 : i32
        %get3A_1242 = arith.index_cast %mul3A_1241 : i32 to index
        %get3A_1243 = tpu.vector_load %arg6[%get3A_1242] {strides = array<i32>} : memref<16384xf32, #tpu.memory_space<vmem>>, vector<16xf32>,
        %lt3A_1244 = arith.cmpf olt, %get3A_1243, %scan3A_1188 : vector<16xf32>
        %select_n3A_1245 = arith.select %lt3A_1244, %get3A_1243, %scan3A_1188 : vector<16xi1>, vector<16xf32>
        %broadcast_in_dim3A_1246 = vector.broadcast %add3A_1239 : i32 to vector<16xi32>
        %select_n3A_1247 = arith.select %lt3A_1244, %broadcast_in_dim3A_1246, %scan3A_1196 : vector<16xi1>, vector<16xi32>
        %mul3A_1248 = arith.constant 8 : i32
        %mul3A_1249 = arith.muli %scan3A_1184, %mul3A_1248 : i32
        %add3A_1250 = arith.constant 4 : i32
        %add3A_1251 = arith.addi %mul3A_1249, %add3A_1250 : i32
        %mul3A_1252 = arith.constant 16 : i32
        %mul3A_1253 = arith.muli %add3A_1251, %mul3A_1252 : i32
        %get3A_1254 = arith.index_cast %mul3A_1253 : i32 to index
        %get3A_1255 = tpu.vector_load %arg6[%get3A_1254] {strides = array<i32>} : memref<16384xf32, #tpu.memory_space<vmem>>, vector<16xf32>,
        %lt3A_1256 = arith.cmpf olt, %get3A_1255, %scan3A_1189 : vector<16xf32>
        %select_n3A_1257 = arith.select %lt3A_1256, %get3A_1255, %scan3A_1189 : vector<16xi1>, vector<16xf32>
        %broadcast_in_dim3A_1258 = vector.broadcast %add3A_1251 : i32 to vector<16xi32>
        %select_n3A_1259 = arith.select %lt3A_1256, %broadcast_in_dim3A_1258, %scan3A_1197 : vector<16xi1>, vector<16xi32>
        %mul3A_1260 = arith.constant 8 : i32
        %mul3A_1261 = arith.muli %scan3A_1184, %mul3A_1260 : i32
        %add3A_1262 = arith.constant 5 : i32
        %add3A_1263 = arith.addi %mul3A_1261, %add3A_1262 : i32
        %mul3A_1264 = arith.constant 16 : i32
        %mul3A_1265 = arith.muli %add3A_1263, %mul3A_1264 : i32
        %get3A_1266 = arith.index_cast %mul3A_1265 : i32 to index
        %get3A_1267 = tpu.vector_load %arg6[%get3A_1266] {strides = array<i32>} : memref<16384xf32, #tpu.memory_space<vmem>>, vector<16xf32>,
        %lt3A_1268 = arith.cmpf olt, %get3A_1267, %scan3A_1190 : vector<16xf32>
        %select_n3A_1269 = arith.select %lt3A_1268, %get3A_1267, %scan3A_1190 : vector<16xi1>, vector<16xf32>
        %broadcast_in_dim3A_1270 = vector.broadcast %add3A_1263 : i32 to vector<16xi32>
        %select_n3A_1271 = arith.select %lt3A_1268, %broadcast_in_dim3A_1270, %scan3A_1198 : vector<16xi1>, vector<16xi32>
        %mul3A_1272 = arith.constant 8 : i32
        %mul3A_1273 = arith.muli %scan3A_1184, %mul3A_1272 : i32
        %add3A_1274 = arith.constant 6 : i32
        %add3A_1275 = arith.addi %mul3A_1273, %add3A_1274 : i32
        %mul3A_1276 = arith.constant 16 : i32
        %mul3A_1277 = arith.muli %add3A_1275, %mul3A_1276 : i32
        %get3A_1278 = arith.index_cast %mul3A_1277 : i32 to index
        %get3A_1279 = tpu.vector_load %arg6[%get3A_1278] {strides = array<i32>} : memref<16384xf32, #tpu.memory_space<vmem>>, vector<16xf32>,
        %lt3A_1280 = arith.cmpf olt, %get3A_1279, %scan3A_1191 : vector<16xf32>
        %select_n3A_1281 = arith.select %lt3A_1280, %get3A_1279, %scan3A_1191 : vector<16xi1>, vector<16xf32>
        %broadcast_in_dim3A_1282 = vector.broadcast %add3A_1275 : i32 to vector<16xi32>
        %select_n3A_1283 = arith.select %lt3A_1280, %broadcast_in_dim3A_1282, %scan3A_1199 : vector<16xi1>, vector<16xi32>
        %mul3A_1284 = arith.constant 8 : i32
        %mul3A_1285 = arith.muli %scan3A_1184, %mul3A_1284 : i32
        %add3A_1286 = arith.constant 7 : i32
        %add3A_1287 = arith.addi %mul3A_1285, %add3A_1286 : i32
        %mul3A_1288 = arith.constant 16 : i32
        %mul3A_1289 = arith.muli %add3A_1287, %mul3A_1288 : i32
        %get3A_1290 = arith.index_cast %mul3A_1289 : i32 to index
        %get3A_1291 = tpu.vector_load %arg6[%get3A_1290] {strides = array<i32>} : memref<16384xf32, #tpu.memory_space<vmem>>, vector<16xf32>,
        %lt3A_1292 = arith.cmpf olt, %get3A_1291, %scan3A_1192 : vector<16xf32>
        %select_n3A_1293 = arith.select %lt3A_1292, %get3A_1291, %scan3A_1192 : vector<16xi1>, vector<16xf32>
        %broadcast_in_dim3A_1294 = vector.broadcast %add3A_1287 : i32 to vector<16xi32>
        %select_n3A_1295 = arith.select %lt3A_1292, %broadcast_in_dim3A_1294, %scan3A_1200 : vector<16xi1>, vector<16xi32>
        scf.yield %select_n3A_1209, %select_n3A_1221, %select_n3A_1233, %select_n3A_1245, %select_n3A_1257, %select_n3A_1269, %select_n3A_1281, %select_n3A_1293, %select_n3A_1211, %select_n3A_1223, %select_n3A_1235, %select_n3A_1247, %select_n3A_1259, %select_n3A_1271, %select_n3A_1283, %select_n3A_1295 : vector<16xf32>, vector<16xf32>, vector<16xf32>, vector<16xf32>, vector<16xf32>, vector<16xf32>, vector<16xf32>, vector<16xf32>, vector<16xi32>, vector<16xi32>, vector<16xi32>, vector<16xi32>, vector<16xi32>, vector<16xi32>, vector<16xi32>, vector<16xi32>
      }
      %scan3A_340 = arith.constant 128 : i32
      %iota3A_341 = tpu.iota {dimensions = array<i32: 0>} : vector<16xi32>
      %mul3A_342 = arith.constant 16 : i32
      %mul3A_343 = vector.broadcast %mul3A_342 : i32 to vector<16xi32>
      %mul3A_344 = arith.muli %scan3A_339#8, %mul3A_343 : vector<16xi32>
      %add3A_345 = arith.addi %mul3A_344, %iota3A_341 : vector<16xi32>
      %mul3A_346 = arith.constant 16 : i32
      %mul3A_347 = vector.broadcast %mul3A_346 : i32 to vector<16xi32>
      %mul3A_348 = arith.muli %scan3A_339#9, %mul3A_347 : vector<16xi32>
      %add3A_349 = arith.addi %mul3A_348, %iota3A_341 : vector<16xi32>
      %lt3A_350 = arith.cmpf olt, %scan3A_339#1, %scan3A_339#0 : vector<16xf32>
      %eq3A_351 = arith.cmpf oeq, %scan3A_339#1, %scan3A_339#0 : vector<16xf32>
      %lt3A_352 = arith.cmpi slt, %add3A_349, %add3A_345 : vector<16xi32>
      %and3A_353 = arith.andi %eq3A_351, %lt3A_352 : vector<16xi1>
      %or3A_354 = arith.ori %lt3A_350, %and3A_353 : vector<16xi1>
      %select_n3A_355 = arith.select %or3A_354, %scan3A_339#1, %scan3A_339#0 : vector<16xi1>, vector<16xf32>
      %select_n3A_356 = arith.select %or3A_354, %add3A_349, %add3A_345 : vector<16xi1>, vector<16xi32>
      %mul3A_357 = arith.constant 16 : i32
      %mul3A_358 = vector.broadcast %mul3A_357 : i32 to vector<16xi32>
      %mul3A_359 = arith.muli %scan3A_339#10, %mul3A_358 : vector<16xi32>
      %add3A_360 = arith.addi %mul3A_359, %iota3A_341 : vector<16xi32>
      %lt3A_361 = arith.cmpf olt, %scan3A_339#2, %select_n3A_355 : vector<16xf32>
      %eq3A_362 = arith.cmpf oeq, %scan3A_339#2, %select_n3A_355 : vector<16xf32>
      %lt3A_363 = arith.cmpi slt, %add3A_360, %select_n3A_356 : vector<16xi32>
      %and3A_364 = arith.andi %eq3A_362, %lt3A_363 : vector<16xi1>
      %or3A_365 = arith.ori %lt3A_361, %and3A_364 : vector<16xi1>
      %select_n3A_366 = arith.select %or3A_365, %scan3A_339#2, %select_n3A_355 : vector<16xi1>, vector<16xf32>
      %select_n3A_367 = arith.select %or3A_365, %add3A_360, %select_n3A_356 : vector<16xi1>, vector<16xi32>
      %mul3A_368 = arith.constant 16 : i32
      %mul3A_369 = vector.broadcast %mul3A_368 : i32 to vector<16xi32>
      %mul3A_370 = arith.muli %scan3A_339#11, %mul3A_369 : vector<16xi32>
      %add3A_371 = arith.addi %mul3A_370, %iota3A_341 : vector<16xi32>
      %lt3A_372 = arith.cmpf olt, %scan3A_339#3, %select_n3A_366 : vector<16xf32>
      %eq3A_373 = arith.cmpf oeq, %scan3A_339#3, %select_n3A_366 : vector<16xf32>
      %lt3A_374 = arith.cmpi slt, %add3A_371, %select_n3A_367 : vector<16xi32>
      %and3A_375 = arith.andi %eq3A_373, %lt3A_374 : vector<16xi1>
      %or3A_376 = arith.ori %lt3A_372, %and3A_375 : vector<16xi1>
      %select_n3A_377 = arith.select %or3A_376, %scan3A_339#3, %select_n3A_366 : vector<16xi1>, vector<16xf32>
      %select_n3A_378 = arith.select %or3A_376, %add3A_371, %select_n3A_367 : vector<16xi1>, vector<16xi32>
      %mul3A_379 = arith.constant 16 : i32
      %mul3A_380 = vector.broadcast %mul3A_379 : i32 to vector<16xi32>
      %mul3A_381 = arith.muli %scan3A_339#12, %mul3A_380 : vector<16xi32>
      %add3A_382 = arith.addi %mul3A_381, %iota3A_341 : vector<16xi32>
      %lt3A_383 = arith.cmpf olt, %scan3A_339#4, %select_n3A_377 : vector<16xf32>
      %eq3A_384 = arith.cmpf oeq, %scan3A_339#4, %select_n3A_377 : vector<16xf32>
      %lt3A_385 = arith.cmpi slt, %add3A_382, %select_n3A_378 : vector<16xi32>
      %and3A_386 = arith.andi %eq3A_384, %lt3A_385 : vector<16xi1>
      %or3A_387 = arith.ori %lt3A_383, %and3A_386 : vector<16xi1>
      %select_n3A_388 = arith.select %or3A_387, %scan3A_339#4, %select_n3A_377 : vector<16xi1>, vector<16xf32>
      %select_n3A_389 = arith.select %or3A_387, %add3A_382, %select_n3A_378 : vector<16xi1>, vector<16xi32>
      %mul3A_390 = arith.constant 16 : i32
      %mul3A_391 = vector.broadcast %mul3A_390 : i32 to vector<16xi32>
      %mul3A_392 = arith.muli %scan3A_339#13, %mul3A_391 : vector<16xi32>
      %add3A_393 = arith.addi %mul3A_392, %iota3A_341 : vector<16xi32>
      %lt3A_394 = arith.cmpf olt, %scan3A_339#5, %select_n3A_388 : vector<16xf32>
      %eq3A_395 = arith.cmpf oeq, %scan3A_339#5, %select_n3A_388 : vector<16xf32>
      %lt3A_396 = arith.cmpi slt, %add3A_393, %select_n3A_389 : vector<16xi32>
      %and3A_397 = arith.andi %eq3A_395, %lt3A_396 : vector<16xi1>
      %or3A_398 = arith.ori %lt3A_394, %and3A_397 : vector<16xi1>
      %select_n3A_399 = arith.select %or3A_398, %scan3A_339#5, %select_n3A_388 : vector<16xi1>, vector<16xf32>
      %select_n3A_400 = arith.select %or3A_398, %add3A_393, %select_n3A_389 : vector<16xi1>, vector<16xi32>
      %mul3A_401 = arith.constant 16 : i32
      %mul3A_402 = vector.broadcast %mul3A_401 : i32 to vector<16xi32>
      %mul3A_403 = arith.muli %scan3A_339#14, %mul3A_402 : vector<16xi32>
      %add3A_404 = arith.addi %mul3A_403, %iota3A_341 : vector<16xi32>
      %lt3A_405 = arith.cmpf olt, %scan3A_339#6, %select_n3A_399 : vector<16xf32>
      %eq3A_406 = arith.cmpf oeq, %scan3A_339#6, %select_n3A_399 : vector<16xf32>
      %lt3A_407 = arith.cmpi slt, %add3A_404, %select_n3A_400 : vector<16xi32>
      %and3A_408 = arith.andi %eq3A_406, %lt3A_407 : vector<16xi1>
      %or3A_409 = arith.ori %lt3A_405, %and3A_408 : vector<16xi1>
      %select_n3A_410 = arith.select %or3A_409, %scan3A_339#6, %select_n3A_399 : vector<16xi1>, vector<16xf32>
      %select_n3A_411 = arith.select %or3A_409, %add3A_404, %select_n3A_400 : vector<16xi1>, vector<16xi32>
      %mul3A_412 = arith.constant 16 : i32
      %mul3A_413 = vector.broadcast %mul3A_412 : i32 to vector<16xi32>
      %mul3A_414 = arith.muli %scan3A_339#15, %mul3A_413 : vector<16xi32>
      %add3A_415 = arith.addi %mul3A_414, %iota3A_341 : vector<16xi32>
      %lt3A_416 = arith.cmpf olt, %scan3A_339#7, %select_n3A_410 : vector<16xf32>
      %eq3A_417 = arith.cmpf oeq, %scan3A_339#7, %select_n3A_410 : vector<16xf32>
      %lt3A_418 = arith.cmpi slt, %add3A_415, %select_n3A_411 : vector<16xi32>
      %and3A_419 = arith.andi %eq3A_417, %lt3A_418 : vector<16xi1>
      %or3A_420 = arith.ori %lt3A_416, %and3A_419 : vector<16xi1>
      %select_n3A_421 = arith.select %or3A_420, %scan3A_339#7, %select_n3A_410 : vector<16xi1>, vector<16xf32>
      %select_n3A_422 = arith.select %or3A_420, %add3A_415, %select_n3A_411 : vector<16xi1>, vector<16xi32>
      %sort3A_423 = arith.constant dense<true> : vector<16xi1>
      %sort3A_424, %sort3A_425, %sort3A_426 = tpu.sort %select_n3A_421, %select_n3A_421 masked %sort3A_423 : (vector<16xf32>, vector<16xf32>, vector<16xi1>) -> (vector<16xi1>, vector<16xf32>, vector<16xf32>)
      %slice3A_427 = vector.extract_strided_slice %sort3A_425 {offsets = [0], sizes = [1], strides = [1]} : vector<16xf32> to vector<1xf32>
      %squeeze3A_428 = vector.extract %slice3A_427[0] : f32 from vector<1xf32>
      %broadcast_in_dim3A_429 = vector.broadcast %squeeze3A_428 : f32 to vector<16xf32>
      %eq3A_430 = arith.cmpf oeq, %select_n3A_421, %broadcast_in_dim3A_429 : vector<16xf32>
      %broadcast_in_dim3A_431 = arith.constant 16384 : i32
      %broadcast_in_dim3A_432 = vector.broadcast %broadcast_in_dim3A_431 : i32 to vector<16xi32>
      %select_n3A_433 = arith.select %eq3A_430, %select_n3A_422, %broadcast_in_dim3A_432 : vector<16xi1>, vector<16xi32>
      %sort3A_434 = arith.constant dense<true> : vector<16xi1>
      %sort3A_435, %sort3A_436, %sort3A_437 = tpu.sort %select_n3A_433, %select_n3A_433 masked %sort3A_434 : (vector<16xi32>, vector<16xi32>, vector<16xi1>) -> (vector<16xi1>, vector<16xi32>, vector<16xi32>)
      %slice3A_438 = vector.extract_strided_slice %sort3A_436 {offsets = [0], sizes = [1], strides = [1]} : vector<16xi32> to vector<1xi32>
      %squeeze3A_439 = vector.extract %slice3A_438[0] : i32 from vector<1xi32>
      %convert_element_type3A_440 = arith.sitofp %squeeze3A_439 : i32 to f32
      %mul3A_441 = arith.constant 7.812500e-03 : f32
      %mul3A_442 = arith.mulf %convert_element_type3A_440, %mul3A_441 : f32
      %and3A_443 = arith.constant 127 : i32
      %and3A_444 = arith.andi %squeeze3A_439, %and3A_443 : i32
      %convert_element_type3A_445 = arith.sitofp %and3A_444 : i32 to f32
      %eq3A_446 = arith.constant 4 : i32
      %eq3A_447 = vector.broadcast %eq3A_446 : i32 to vector<16xi32>
      %eq3A_448 = arith.cmpi eq, %iota3A, %eq3A_447 : vector<16xi32>
      %eq3A_449 = arith.constant 5 : i32
      %eq3A_450 = vector.broadcast %eq3A_449 : i32 to vector<16xi32>
      %eq3A_451 = arith.cmpi eq, %iota3A, %eq3A_450 : vector<16xi32>
      %broadcast_in_dim3A_452 = vector.broadcast %convert_element_type3A_445 : f32 to vector<16xf32>
      %select_n3A_453 = arith.select %eq3A_451, %broadcast_in_dim3A_452, %select_n3A_310 : vector<16xi1>, vector<16xf32>
      %broadcast_in_dim3A_454 = vector.broadcast %mul3A_442 : f32 to vector<16xf32>
      %select_n3A_455 = arith.select %eq3A_448, %broadcast_in_dim3A_454, %select_n3A_453 : vector<16xi1>, vector<16xf32>
      %mul3A_456 = arith.constant 8 : i32
      %mul3A_457 = arith.muli %scan3A_31, %mul3A_456 : i32
      %add3A_458 = arith.constant 3 : i32
      %add3A_459 = arith.addi %mul3A_457, %add3A_458 : i32
      %add3A_460 = arith.addi %mul3A_2, %add3A_459 : i32
      %dma_wait3A_461 = arith.constant 0 : i32
      %dma_wait3A_462 = tpu.memref_slice %arg2[%add3A_460, %dma_wait3A_461] : memref<4096x16384xf32, #tpu.memory_space<hbm>> -> memref<1x16384xf32, #tpu.memory_space<hbm>>
      %dma_wait3A_463 = tpu.memref_squeeze %dma_wait3A_462 : memref<1x16384xf32, #tpu.memory_space<hbm>> -> memref<16384xf32, #tpu.memory_space<hbm>>
      %dma_wait3A_464 = arith.constant 0 : i32
      %dma_wait3A_465 = tpu.memref_slice %arg2[%add3A_460, %dma_wait3A_464] : memref<4096x16384xf32, #tpu.memory_space<hbm>> -> memref<1x16384xf32, #tpu.memory_space<hbm>>
      %dma_wait3A_466 = tpu.memref_squeeze %dma_wait3A_465 : memref<1x16384xf32, #tpu.memory_space<hbm>> -> memref<16384xf32, #tpu.memory_space<hbm>>
      tpu.wait_dma2 semaphore(%arg12 : memref<!tpu.dma_semaphore, #tpu.memory_space<semaphore_mem>>) src(%dma_wait3A_466 : memref<16384xf32, #tpu.memory_space<hbm>>) dst(%arg7 : memref<16384xf32, #tpu.memory_space<vmem>>)
      %add3A_467 = arith.constant 4 : i32
      %add3A_468 = arith.addi %add3A_459, %add3A_467 : i32
      %sub3A_469 = arith.constant 1 : i32
      %sub3A_470 = arith.subi %add3A_468, %sub3A_469 : i32
      %lt3A_471 = arith.constant 88 : i32
      %lt3A_472 = arith.cmpi slt, %sub3A_470, %lt3A_471 : i32
      %convert_element_type3A_473 = arith.extui %lt3A_472 : i1 to i32
      %cond3A_474 = arith.constant 0 : i32
      %cond3A_475 = arith.cmpi ne, %convert_element_type3A_473, %cond3A_474 : i32
      scf.if %cond3A_475 {
        %add3A_1184 = arith.constant 4 : i32
        %add3A_1185 = arith.addi %add3A_460, %add3A_1184 : i32
        %sub3A_1186 = arith.constant 1 : i32
        %sub3A_1187 = arith.subi %add3A_1185, %sub3A_1186 : i32
        %dma_start3A_1188 = arith.constant 0 : i32
        %dma_start3A_1189 = tpu.memref_slice %arg2[%sub3A_1187, %dma_start3A_1188] : memref<4096x16384xf32, #tpu.memory_space<hbm>> -> memref<1x16384xf32, #tpu.memory_space<hbm>>
        %dma_start3A_1190 = tpu.memref_squeeze %dma_start3A_1189 : memref<1x16384xf32, #tpu.memory_space<hbm>> -> memref<16384xf32, #tpu.memory_space<hbm>>
        %dma_start3A_1191 = arith.constant 0 : i32
        %dma_start3A_1192 = tpu.memref_slice %arg2[%sub3A_1187, %dma_start3A_1191] : memref<4096x16384xf32, #tpu.memory_space<hbm>> -> memref<1x16384xf32, #tpu.memory_space<hbm>>
        %dma_start3A_1193 = tpu.memref_squeeze %dma_start3A_1192 : memref<1x16384xf32, #tpu.memory_space<hbm>> -> memref<16384xf32, #tpu.memory_space<hbm>>
        tpu.enqueue_dma source(%dma_start3A_1193 : memref<16384xf32, #tpu.memory_space<hbm>>) target(%arg6 : memref<16384xf32, #tpu.memory_space<vmem>>) target_semaphore(%arg11 : memref<!tpu.dma_semaphore, #tpu.memory_space<semaphore_mem>>)
      } else {
      }
      %broadcast_in_dim3A_476 = arith.constant 0x7F800000 : f32
      %broadcast_in_dim3A_477 = vector.broadcast %broadcast_in_dim3A_476 : f32 to vector<16xf32>
      %broadcast_in_dim3A_478 = arith.constant 0 : i32
      %broadcast_in_dim3A_479 = vector.broadcast %broadcast_in_dim3A_478 : i32 to vector<16xi32>
      %scan3A_480 = arith.constant 0 : i32
      %scan3A_481 = arith.constant 128 : i32
      %scan3A_482 = arith.addi %scan3A_480, %scan3A_481 : i32
      %scan3A_483 = arith.constant 1 : i32
      %scan3A_484:16 = scf.for %scan3A_1184 = %scan3A_480 to %scan3A_482 step %scan3A_483 iter_args(%scan3A_1185 = %broadcast_in_dim3A_477, %scan3A_1186 = %broadcast_in_dim3A_477, %scan3A_1187 = %broadcast_in_dim3A_477, %scan3A_1188 = %broadcast_in_dim3A_477, %scan3A_1189 = %broadcast_in_dim3A_477, %scan3A_1190 = %broadcast_in_dim3A_477, %scan3A_1191 = %broadcast_in_dim3A_477, %scan3A_1192 = %broadcast_in_dim3A_477, %scan3A_1193 = %broadcast_in_dim3A_479, %scan3A_1194 = %broadcast_in_dim3A_479, %scan3A_1195 = %broadcast_in_dim3A_479, %scan3A_1196 = %broadcast_in_dim3A_479, %scan3A_1197 = %broadcast_in_dim3A_479, %scan3A_1198 = %broadcast_in_dim3A_479, %scan3A_1199 = %broadcast_in_dim3A_479, %scan3A_1200 = %broadcast_in_dim3A_479) -> (vector<16xf32>, vector<16xf32>, vector<16xf32>, vector<16xf32>, vector<16xf32>, vector<16xf32>, vector<16xf32>, vector<16xf32>, vector<16xi32>, vector<16xi32>, vector<16xi32>, vector<16xi32>, vector<16xi32>, vector<16xi32>, vector<16xi32>, vector<16xi32>)  : i32 {
        %mul3A_1201 = arith.constant 8 : i32
        %mul3A_1202 = arith.muli %scan3A_1184, %mul3A_1201 : i32
        %add3A_1203 = arith.constant 0 : i32
        %add3A_1204 = arith.addi %mul3A_1202, %add3A_1203 : i32
        %mul3A_1205 = arith.constant 16 : i32
        %mul3A_1206 = arith.muli %add3A_1204, %mul3A_1205 : i32
        %get3A = arith.index_cast %mul3A_1206 : i32 to index
        %get3A_1207 = tpu.vector_load %arg7[%get3A] {strides = array<i32>} : memref<16384xf32, #tpu.memory_space<vmem>>, vector<16xf32>,
        %lt3A_1208 = arith.cmpf olt, %get3A_1207, %scan3A_1185 : vector<16xf32>
        %select_n3A_1209 = arith.select %lt3A_1208, %get3A_1207, %scan3A_1185 : vector<16xi1>, vector<16xf32>
        %broadcast_in_dim3A_1210 = vector.broadcast %add3A_1204 : i32 to vector<16xi32>
        %select_n3A_1211 = arith.select %lt3A_1208, %broadcast_in_dim3A_1210, %scan3A_1193 : vector<16xi1>, vector<16xi32>
        %mul3A_1212 = arith.constant 8 : i32
        %mul3A_1213 = arith.muli %scan3A_1184, %mul3A_1212 : i32
        %add3A_1214 = arith.constant 1 : i32
        %add3A_1215 = arith.addi %mul3A_1213, %add3A_1214 : i32
        %mul3A_1216 = arith.constant 16 : i32
        %mul3A_1217 = arith.muli %add3A_1215, %mul3A_1216 : i32
        %get3A_1218 = arith.index_cast %mul3A_1217 : i32 to index
        %get3A_1219 = tpu.vector_load %arg7[%get3A_1218] {strides = array<i32>} : memref<16384xf32, #tpu.memory_space<vmem>>, vector<16xf32>,
        %lt3A_1220 = arith.cmpf olt, %get3A_1219, %scan3A_1186 : vector<16xf32>
        %select_n3A_1221 = arith.select %lt3A_1220, %get3A_1219, %scan3A_1186 : vector<16xi1>, vector<16xf32>
        %broadcast_in_dim3A_1222 = vector.broadcast %add3A_1215 : i32 to vector<16xi32>
        %select_n3A_1223 = arith.select %lt3A_1220, %broadcast_in_dim3A_1222, %scan3A_1194 : vector<16xi1>, vector<16xi32>
        %mul3A_1224 = arith.constant 8 : i32
        %mul3A_1225 = arith.muli %scan3A_1184, %mul3A_1224 : i32
        %add3A_1226 = arith.constant 2 : i32
        %add3A_1227 = arith.addi %mul3A_1225, %add3A_1226 : i32
        %mul3A_1228 = arith.constant 16 : i32
        %mul3A_1229 = arith.muli %add3A_1227, %mul3A_1228 : i32
        %get3A_1230 = arith.index_cast %mul3A_1229 : i32 to index
        %get3A_1231 = tpu.vector_load %arg7[%get3A_1230] {strides = array<i32>} : memref<16384xf32, #tpu.memory_space<vmem>>, vector<16xf32>,
        %lt3A_1232 = arith.cmpf olt, %get3A_1231, %scan3A_1187 : vector<16xf32>
        %select_n3A_1233 = arith.select %lt3A_1232, %get3A_1231, %scan3A_1187 : vector<16xi1>, vector<16xf32>
        %broadcast_in_dim3A_1234 = vector.broadcast %add3A_1227 : i32 to vector<16xi32>
        %select_n3A_1235 = arith.select %lt3A_1232, %broadcast_in_dim3A_1234, %scan3A_1195 : vector<16xi1>, vector<16xi32>
        %mul3A_1236 = arith.constant 8 : i32
        %mul3A_1237 = arith.muli %scan3A_1184, %mul3A_1236 : i32
        %add3A_1238 = arith.constant 3 : i32
        %add3A_1239 = arith.addi %mul3A_1237, %add3A_1238 : i32
        %mul3A_1240 = arith.constant 16 : i32
        %mul3A_1241 = arith.muli %add3A_1239, %mul3A_1240 : i32
        %get3A_1242 = arith.index_cast %mul3A_1241 : i32 to index
        %get3A_1243 = tpu.vector_load %arg7[%get3A_1242] {strides = array<i32>} : memref<16384xf32, #tpu.memory_space<vmem>>, vector<16xf32>,
        %lt3A_1244 = arith.cmpf olt, %get3A_1243, %scan3A_1188 : vector<16xf32>
        %select_n3A_1245 = arith.select %lt3A_1244, %get3A_1243, %scan3A_1188 : vector<16xi1>, vector<16xf32>
        %broadcast_in_dim3A_1246 = vector.broadcast %add3A_1239 : i32 to vector<16xi32>
        %select_n3A_1247 = arith.select %lt3A_1244, %broadcast_in_dim3A_1246, %scan3A_1196 : vector<16xi1>, vector<16xi32>
        %mul3A_1248 = arith.constant 8 : i32
        %mul3A_1249 = arith.muli %scan3A_1184, %mul3A_1248 : i32
        %add3A_1250 = arith.constant 4 : i32
        %add3A_1251 = arith.addi %mul3A_1249, %add3A_1250 : i32
        %mul3A_1252 = arith.constant 16 : i32
        %mul3A_1253 = arith.muli %add3A_1251, %mul3A_1252 : i32
        %get3A_1254 = arith.index_cast %mul3A_1253 : i32 to index
        %get3A_1255 = tpu.vector_load %arg7[%get3A_1254] {strides = array<i32>} : memref<16384xf32, #tpu.memory_space<vmem>>, vector<16xf32>,
        %lt3A_1256 = arith.cmpf olt, %get3A_1255, %scan3A_1189 : vector<16xf32>
        %select_n3A_1257 = arith.select %lt3A_1256, %get3A_1255, %scan3A_1189 : vector<16xi1>, vector<16xf32>
        %broadcast_in_dim3A_1258 = vector.broadcast %add3A_1251 : i32 to vector<16xi32>
        %select_n3A_1259 = arith.select %lt3A_1256, %broadcast_in_dim3A_1258, %scan3A_1197 : vector<16xi1>, vector<16xi32>
        %mul3A_1260 = arith.constant 8 : i32
        %mul3A_1261 = arith.muli %scan3A_1184, %mul3A_1260 : i32
        %add3A_1262 = arith.constant 5 : i32
        %add3A_1263 = arith.addi %mul3A_1261, %add3A_1262 : i32
        %mul3A_1264 = arith.constant 16 : i32
        %mul3A_1265 = arith.muli %add3A_1263, %mul3A_1264 : i32
        %get3A_1266 = arith.index_cast %mul3A_1265 : i32 to index
        %get3A_1267 = tpu.vector_load %arg7[%get3A_1266] {strides = array<i32>} : memref<16384xf32, #tpu.memory_space<vmem>>, vector<16xf32>,
        %lt3A_1268 = arith.cmpf olt, %get3A_1267, %scan3A_1190 : vector<16xf32>
        %select_n3A_1269 = arith.select %lt3A_1268, %get3A_1267, %scan3A_1190 : vector<16xi1>, vector<16xf32>
        %broadcast_in_dim3A_1270 = vector.broadcast %add3A_1263 : i32 to vector<16xi32>
        %select_n3A_1271 = arith.select %lt3A_1268, %broadcast_in_dim3A_1270, %scan3A_1198 : vector<16xi1>, vector<16xi32>
        %mul3A_1272 = arith.constant 8 : i32
        %mul3A_1273 = arith.muli %scan3A_1184, %mul3A_1272 : i32
        %add3A_1274 = arith.constant 6 : i32
        %add3A_1275 = arith.addi %mul3A_1273, %add3A_1274 : i32
        %mul3A_1276 = arith.constant 16 : i32
        %mul3A_1277 = arith.muli %add3A_1275, %mul3A_1276 : i32
        %get3A_1278 = arith.index_cast %mul3A_1277 : i32 to index
        %get3A_1279 = tpu.vector_load %arg7[%get3A_1278] {strides = array<i32>} : memref<16384xf32, #tpu.memory_space<vmem>>, vector<16xf32>,
        %lt3A_1280 = arith.cmpf olt, %get3A_1279, %scan3A_1191 : vector<16xf32>
        %select_n3A_1281 = arith.select %lt3A_1280, %get3A_1279, %scan3A_1191 : vector<16xi1>, vector<16xf32>
        %broadcast_in_dim3A_1282 = vector.broadcast %add3A_1275 : i32 to vector<16xi32>
        %select_n3A_1283 = arith.select %lt3A_1280, %broadcast_in_dim3A_1282, %scan3A_1199 : vector<16xi1>, vector<16xi32>
        %mul3A_1284 = arith.constant 8 : i32
        %mul3A_1285 = arith.muli %scan3A_1184, %mul3A_1284 : i32
        %add3A_1286 = arith.constant 7 : i32
        %add3A_1287 = arith.addi %mul3A_1285, %add3A_1286 : i32
        %mul3A_1288 = arith.constant 16 : i32
        %mul3A_1289 = arith.muli %add3A_1287, %mul3A_1288 : i32
        %get3A_1290 = arith.index_cast %mul3A_1289 : i32 to index
        %get3A_1291 = tpu.vector_load %arg7[%get3A_1290] {strides = array<i32>} : memref<16384xf32, #tpu.memory_space<vmem>>, vector<16xf32>,
        %lt3A_1292 = arith.cmpf olt, %get3A_1291, %scan3A_1192 : vector<16xf32>
        %select_n3A_1293 = arith.select %lt3A_1292, %get3A_1291, %scan3A_1192 : vector<16xi1>, vector<16xf32>
        %broadcast_in_dim3A_1294 = vector.broadcast %add3A_1287 : i32 to vector<16xi32>
        %select_n3A_1295 = arith.select %lt3A_1292, %broadcast_in_dim3A_1294, %scan3A_1200 : vector<16xi1>, vector<16xi32>
        scf.yield %select_n3A_1209, %select_n3A_1221, %select_n3A_1233, %select_n3A_1245, %select_n3A_1257, %select_n3A_1269, %select_n3A_1281, %select_n3A_1293, %select_n3A_1211, %select_n3A_1223, %select_n3A_1235, %select_n3A_1247, %select_n3A_1259, %select_n3A_1271, %select_n3A_1283, %select_n3A_1295 : vector<16xf32>, vector<16xf32>, vector<16xf32>, vector<16xf32>, vector<16xf32>, vector<16xf32>, vector<16xf32>, vector<16xf32>, vector<16xi32>, vector<16xi32>, vector<16xi32>, vector<16xi32>, vector<16xi32>, vector<16xi32>, vector<16xi32>, vector<16xi32>
      }
      %scan3A_485 = arith.constant 128 : i32
      %iota3A_486 = tpu.iota {dimensions = array<i32: 0>} : vector<16xi32>
      %mul3A_487 = arith.constant 16 : i32
      %mul3A_488 = vector.broadcast %mul3A_487 : i32 to vector<16xi32>
      %mul3A_489 = arith.muli %scan3A_484#8, %mul3A_488 : vector<16xi32>
      %add3A_490 = arith.addi %mul3A_489, %iota3A_486 : vector<16xi32>
      %mul3A_491 = arith.constant 16 : i32
      %mul3A_492 = vector.broadcast %mul3A_491 : i32 to vector<16xi32>
      %mul3A_493 = arith.muli %scan3A_484#9, %mul3A_492 : vector<16xi32>
      %add3A_494 = arith.addi %mul3A_493, %iota3A_486 : vector<16xi32>
      %lt3A_495 = arith.cmpf olt, %scan3A_484#1, %scan3A_484#0 : vector<16xf32>
      %eq3A_496 = arith.cmpf oeq, %scan3A_484#1, %scan3A_484#0 : vector<16xf32>
      %lt3A_497 = arith.cmpi slt, %add3A_494, %add3A_490 : vector<16xi32>
      %and3A_498 = arith.andi %eq3A_496, %lt3A_497 : vector<16xi1>
      %or3A_499 = arith.ori %lt3A_495, %and3A_498 : vector<16xi1>
      %select_n3A_500 = arith.select %or3A_499, %scan3A_484#1, %scan3A_484#0 : vector<16xi1>, vector<16xf32>
      %select_n3A_501 = arith.select %or3A_499, %add3A_494, %add3A_490 : vector<16xi1>, vector<16xi32>
      %mul3A_502 = arith.constant 16 : i32
      %mul3A_503 = vector.broadcast %mul3A_502 : i32 to vector<16xi32>
      %mul3A_504 = arith.muli %scan3A_484#10, %mul3A_503 : vector<16xi32>
      %add3A_505 = arith.addi %mul3A_504, %iota3A_486 : vector<16xi32>
      %lt3A_506 = arith.cmpf olt, %scan3A_484#2, %select_n3A_500 : vector<16xf32>
      %eq3A_507 = arith.cmpf oeq, %scan3A_484#2, %select_n3A_500 : vector<16xf32>
      %lt3A_508 = arith.cmpi slt, %add3A_505, %select_n3A_501 : vector<16xi32>
      %and3A_509 = arith.andi %eq3A_507, %lt3A_508 : vector<16xi1>
      %or3A_510 = arith.ori %lt3A_506, %and3A_509 : vector<16xi1>
      %select_n3A_511 = arith.select %or3A_510, %scan3A_484#2, %select_n3A_500 : vector<16xi1>, vector<16xf32>
      %select_n3A_512 = arith.select %or3A_510, %add3A_505, %select_n3A_501 : vector<16xi1>, vector<16xi32>
      %mul3A_513 = arith.constant 16 : i32
      %mul3A_514 = vector.broadcast %mul3A_513 : i32 to vector<16xi32>
      %mul3A_515 = arith.muli %scan3A_484#11, %mul3A_514 : vector<16xi32>
      %add3A_516 = arith.addi %mul3A_515, %iota3A_486 : vector<16xi32>
      %lt3A_517 = arith.cmpf olt, %scan3A_484#3, %select_n3A_511 : vector<16xf32>
      %eq3A_518 = arith.cmpf oeq, %scan3A_484#3, %select_n3A_511 : vector<16xf32>
      %lt3A_519 = arith.cmpi slt, %add3A_516, %select_n3A_512 : vector<16xi32>
      %and3A_520 = arith.andi %eq3A_518, %lt3A_519 : vector<16xi1>
      %or3A_521 = arith.ori %lt3A_517, %and3A_520 : vector<16xi1>
      %select_n3A_522 = arith.select %or3A_521, %scan3A_484#3, %select_n3A_511 : vector<16xi1>, vector<16xf32>
      %select_n3A_523 = arith.select %or3A_521, %add3A_516, %select_n3A_512 : vector<16xi1>, vector<16xi32>
      %mul3A_524 = arith.constant 16 : i32
      %mul3A_525 = vector.broadcast %mul3A_524 : i32 to vector<16xi32>
      %mul3A_526 = arith.muli %scan3A_484#12, %mul3A_525 : vector<16xi32>
      %add3A_527 = arith.addi %mul3A_526, %iota3A_486 : vector<16xi32>
      %lt3A_528 = arith.cmpf olt, %scan3A_484#4, %select_n3A_522 : vector<16xf32>
      %eq3A_529 = arith.cmpf oeq, %scan3A_484#4, %select_n3A_522 : vector<16xf32>
      %lt3A_530 = arith.cmpi slt, %add3A_527, %select_n3A_523 : vector<16xi32>
      %and3A_531 = arith.andi %eq3A_529, %lt3A_530 : vector<16xi1>
      %or3A_532 = arith.ori %lt3A_528, %and3A_531 : vector<16xi1>
      %select_n3A_533 = arith.select %or3A_532, %scan3A_484#4, %select_n3A_522 : vector<16xi1>, vector<16xf32>
      %select_n3A_534 = arith.select %or3A_532, %add3A_527, %select_n3A_523 : vector<16xi1>, vector<16xi32>
      %mul3A_535 = arith.constant 16 : i32
      %mul3A_536 = vector.broadcast %mul3A_535 : i32 to vector<16xi32>
      %mul3A_537 = arith.muli %scan3A_484#13, %mul3A_536 : vector<16xi32>
      %add3A_538 = arith.addi %mul3A_537, %iota3A_486 : vector<16xi32>
      %lt3A_539 = arith.cmpf olt, %scan3A_484#5, %select_n3A_533 : vector<16xf32>
      %eq3A_540 = arith.cmpf oeq, %scan3A_484#5, %select_n3A_533 : vector<16xf32>
      %lt3A_541 = arith.cmpi slt, %add3A_538, %select_n3A_534 : vector<16xi32>
      %and3A_542 = arith.andi %eq3A_540, %lt3A_541 : vector<16xi1>
      %or3A_543 = arith.ori %lt3A_539, %and3A_542 : vector<16xi1>
      %select_n3A_544 = arith.select %or3A_543, %scan3A_484#5, %select_n3A_533 : vector<16xi1>, vector<16xf32>
      %select_n3A_545 = arith.select %or3A_543, %add3A_538, %select_n3A_534 : vector<16xi1>, vector<16xi32>
      %mul3A_546 = arith.constant 16 : i32
      %mul3A_547 = vector.broadcast %mul3A_546 : i32 to vector<16xi32>
      %mul3A_548 = arith.muli %scan3A_484#14, %mul3A_547 : vector<16xi32>
      %add3A_549 = arith.addi %mul3A_548, %iota3A_486 : vector<16xi32>
      %lt3A_550 = arith.cmpf olt, %scan3A_484#6, %select_n3A_544 : vector<16xf32>
      %eq3A_551 = arith.cmpf oeq, %scan3A_484#6, %select_n3A_544 : vector<16xf32>
      %lt3A_552 = arith.cmpi slt, %add3A_549, %select_n3A_545 : vector<16xi32>
      %and3A_553 = arith.andi %eq3A_551, %lt3A_552 : vector<16xi1>
      %or3A_554 = arith.ori %lt3A_550, %and3A_553 : vector<16xi1>
      %select_n3A_555 = arith.select %or3A_554, %scan3A_484#6, %select_n3A_544 : vector<16xi1>, vector<16xf32>
      %select_n3A_556 = arith.select %or3A_554, %add3A_549, %select_n3A_545 : vector<16xi1>, vector<16xi32>
      %mul3A_557 = arith.constant 16 : i32
      %mul3A_558 = vector.broadcast %mul3A_557 : i32 to vector<16xi32>
      %mul3A_559 = arith.muli %scan3A_484#15, %mul3A_558 : vector<16xi32>
      %add3A_560 = arith.addi %mul3A_559, %iota3A_486 : vector<16xi32>
      %lt3A_561 = arith.cmpf olt, %scan3A_484#7, %select_n3A_555 : vector<16xf32>
      %eq3A_562 = arith.cmpf oeq, %scan3A_484#7, %select_n3A_555 : vector<16xf32>
      %lt3A_563 = arith.cmpi slt, %add3A_560, %select_n3A_556 : vector<16xi32>
      %and3A_564 = arith.andi %eq3A_562, %lt3A_563 : vector<16xi1>
      %or3A_565 = arith.ori %lt3A_561, %and3A_564 : vector<16xi1>
      %select_n3A_566 = arith.select %or3A_565, %scan3A_484#7, %select_n3A_555 : vector<16xi1>, vector<16xf32>
      %select_n3A_567 = arith.select %or3A_565, %add3A_560, %select_n3A_556 : vector<16xi1>, vector<16xi32>
      %sort3A_568 = arith.constant dense<true> : vector<16xi1>
      %sort3A_569, %sort3A_570, %sort3A_571 = tpu.sort %select_n3A_566, %select_n3A_566 masked %sort3A_568 : (vector<16xf32>, vector<16xf32>, vector<16xi1>) -> (vector<16xi1>, vector<16xf32>, vector<16xf32>)
      %slice3A_572 = vector.extract_strided_slice %sort3A_570 {offsets = [0], sizes = [1], strides = [1]} : vector<16xf32> to vector<1xf32>
      %squeeze3A_573 = vector.extract %slice3A_572[0] : f32 from vector<1xf32>
      %broadcast_in_dim3A_574 = vector.broadcast %squeeze3A_573 : f32 to vector<16xf32>
      %eq3A_575 = arith.cmpf oeq, %select_n3A_566, %broadcast_in_dim3A_574 : vector<16xf32>
      %broadcast_in_dim3A_576 = arith.constant 16384 : i32
      %broadcast_in_dim3A_577 = vector.broadcast %broadcast_in_dim3A_576 : i32 to vector<16xi32>
      %select_n3A_578 = arith.select %eq3A_575, %select_n3A_567, %broadcast_in_dim3A_577 : vector<16xi1>, vector<16xi32>
      %sort3A_579 = arith.constant dense<true> : vector<16xi1>
      %sort3A_580, %sort3A_581, %sort3A_582 = tpu.sort %select_n3A_578, %select_n3A_578 masked %sort3A_579 : (vector<16xi32>, vector<16xi32>, vector<16xi1>) -> (vector<16xi1>, vector<16xi32>, vector<16xi32>)
      %slice3A_583 = vector.extract_strided_slice %sort3A_581 {offsets = [0], sizes = [1], strides = [1]} : vector<16xi32> to vector<1xi32>
      %squeeze3A_584 = vector.extract %slice3A_583[0] : i32 from vector<1xi32>
      %convert_element_type3A_585 = arith.sitofp %squeeze3A_584 : i32 to f32
      %mul3A_586 = arith.constant 7.812500e-03 : f32
      %mul3A_587 = arith.mulf %convert_element_type3A_585, %mul3A_586 : f32
      %and3A_588 = arith.constant 127 : i32
      %and3A_589 = arith.andi %squeeze3A_584, %and3A_588 : i32
      %convert_element_type3A_590 = arith.sitofp %and3A_589 : i32 to f32
      %eq3A_591 = arith.constant 6 : i32
      %eq3A_592 = vector.broadcast %eq3A_591 : i32 to vector<16xi32>
      %eq3A_593 = arith.cmpi eq, %iota3A, %eq3A_592 : vector<16xi32>
      %eq3A_594 = arith.constant 7 : i32
      %eq3A_595 = vector.broadcast %eq3A_594 : i32 to vector<16xi32>
      %eq3A_596 = arith.cmpi eq, %iota3A, %eq3A_595 : vector<16xi32>
      %broadcast_in_dim3A_597 = vector.broadcast %convert_element_type3A_590 : f32 to vector<16xf32>
      %select_n3A_598 = arith.select %eq3A_596, %broadcast_in_dim3A_597, %select_n3A_455 : vector<16xi1>, vector<16xf32>
      %broadcast_in_dim3A_599 = vector.broadcast %mul3A_587 : f32 to vector<16xf32>
      %select_n3A_600 = arith.select %eq3A_593, %broadcast_in_dim3A_599, %select_n3A_598 : vector<16xi1>, vector<16xf32>
      %mul3A_601 = arith.constant 8 : i32
      %mul3A_602 = arith.muli %scan3A_31, %mul3A_601 : i32
      %add3A_603 = arith.constant 4 : i32
      %add3A_604 = arith.addi %mul3A_602, %add3A_603 : i32
      %add3A_605 = arith.addi %mul3A_2, %add3A_604 : i32
      %dma_wait3A_606 = arith.constant 0 : i32
      %dma_wait3A_607 = tpu.memref_slice %arg2[%add3A_605, %dma_wait3A_606] : memref<4096x16384xf32, #tpu.memory_space<hbm>> -> memref<1x16384xf32, #tpu.memory_space<hbm>>
      %dma_wait3A_608 = tpu.memref_squeeze %dma_wait3A_607 : memref<1x16384xf32, #tpu.memory_space<hbm>> -> memref<16384xf32, #tpu.memory_space<hbm>>
      %dma_wait3A_609 = arith.constant 0 : i32
      %dma_wait3A_610 = tpu.memref_slice %arg2[%add3A_605, %dma_wait3A_609] : memref<4096x16384xf32, #tpu.memory_space<hbm>> -> memref<1x16384xf32, #tpu.memory_space<hbm>>
      %dma_wait3A_611 = tpu.memref_squeeze %dma_wait3A_610 : memref<1x16384xf32, #tpu.memory_space<hbm>> -> memref<16384xf32, #tpu.memory_space<hbm>>
      tpu.wait_dma2 semaphore(%arg9 : memref<!tpu.dma_semaphore, #tpu.memory_space<semaphore_mem>>) src(%dma_wait3A_611 : memref<16384xf32, #tpu.memory_space<hbm>>) dst(%arg4 : memref<16384xf32, #tpu.memory_space<vmem>>)
      %add3A_612 = arith.constant 4 : i32
      %add3A_613 = arith.addi %add3A_604, %add3A_612 : i32
      %sub3A_614 = arith.constant 1 : i32
      %sub3A_615 = arith.subi %add3A_613, %sub3A_614 : i32
      %lt3A_616 = arith.constant 88 : i32
      %lt3A_617 = arith.cmpi slt, %sub3A_615, %lt3A_616 : i32
      %convert_element_type3A_618 = arith.extui %lt3A_617 : i1 to i32
      %cond3A_619 = arith.constant 0 : i32
      %cond3A_620 = arith.cmpi ne, %convert_element_type3A_618, %cond3A_619 : i32
      scf.if %cond3A_620 {
        %add3A_1184 = arith.constant 4 : i32
        %add3A_1185 = arith.addi %add3A_605, %add3A_1184 : i32
        %sub3A_1186 = arith.constant 1 : i32
        %sub3A_1187 = arith.subi %add3A_1185, %sub3A_1186 : i32
        %dma_start3A_1188 = arith.constant 0 : i32
        %dma_start3A_1189 = tpu.memref_slice %arg2[%sub3A_1187, %dma_start3A_1188] : memref<4096x16384xf32, #tpu.memory_space<hbm>> -> memref<1x16384xf32, #tpu.memory_space<hbm>>
        %dma_start3A_1190 = tpu.memref_squeeze %dma_start3A_1189 : memref<1x16384xf32, #tpu.memory_space<hbm>> -> memref<16384xf32, #tpu.memory_space<hbm>>
        %dma_start3A_1191 = arith.constant 0 : i32
        %dma_start3A_1192 = tpu.memref_slice %arg2[%sub3A_1187, %dma_start3A_1191] : memref<4096x16384xf32, #tpu.memory_space<hbm>> -> memref<1x16384xf32, #tpu.memory_space<hbm>>
        %dma_start3A_1193 = tpu.memref_squeeze %dma_start3A_1192 : memref<1x16384xf32, #tpu.memory_space<hbm>> -> memref<16384xf32, #tpu.memory_space<hbm>>
        tpu.enqueue_dma source(%dma_start3A_1193 : memref<16384xf32, #tpu.memory_space<hbm>>) target(%arg7 : memref<16384xf32, #tpu.memory_space<vmem>>) target_semaphore(%arg12 : memref<!tpu.dma_semaphore, #tpu.memory_space<semaphore_mem>>)
      } else {
      }
      %broadcast_in_dim3A_621 = arith.constant 0x7F800000 : f32
      %broadcast_in_dim3A_622 = vector.broadcast %broadcast_in_dim3A_621 : f32 to vector<16xf32>
      %broadcast_in_dim3A_623 = arith.constant 0 : i32
      %broadcast_in_dim3A_624 = vector.broadcast %broadcast_in_dim3A_623 : i32 to vector<16xi32>
      %scan3A_625 = arith.constant 0 : i32
      %scan3A_626 = arith.constant 128 : i32
      %scan3A_627 = arith.addi %scan3A_625, %scan3A_626 : i32
      %scan3A_628 = arith.constant 1 : i32
      %scan3A_629:16 = scf.for %scan3A_1184 = %scan3A_625 to %scan3A_627 step %scan3A_628 iter_args(%scan3A_1185 = %broadcast_in_dim3A_622, %scan3A_1186 = %broadcast_in_dim3A_622, %scan3A_1187 = %broadcast_in_dim3A_622, %scan3A_1188 = %broadcast_in_dim3A_622, %scan3A_1189 = %broadcast_in_dim3A_622, %scan3A_1190 = %broadcast_in_dim3A_622, %scan3A_1191 = %broadcast_in_dim3A_622, %scan3A_1192 = %broadcast_in_dim3A_622, %scan3A_1193 = %broadcast_in_dim3A_624, %scan3A_1194 = %broadcast_in_dim3A_624, %scan3A_1195 = %broadcast_in_dim3A_624, %scan3A_1196 = %broadcast_in_dim3A_624, %scan3A_1197 = %broadcast_in_dim3A_624, %scan3A_1198 = %broadcast_in_dim3A_624, %scan3A_1199 = %broadcast_in_dim3A_624, %scan3A_1200 = %broadcast_in_dim3A_624) -> (vector<16xf32>, vector<16xf32>, vector<16xf32>, vector<16xf32>, vector<16xf32>, vector<16xf32>, vector<16xf32>, vector<16xf32>, vector<16xi32>, vector<16xi32>, vector<16xi32>, vector<16xi32>, vector<16xi32>, vector<16xi32>, vector<16xi32>, vector<16xi32>)  : i32 {
        %mul3A_1201 = arith.constant 8 : i32
        %mul3A_1202 = arith.muli %scan3A_1184, %mul3A_1201 : i32
        %add3A_1203 = arith.constant 0 : i32
        %add3A_1204 = arith.addi %mul3A_1202, %add3A_1203 : i32
        %mul3A_1205 = arith.constant 16 : i32
        %mul3A_1206 = arith.muli %add3A_1204, %mul3A_1205 : i32
        %get3A = arith.index_cast %mul3A_1206 : i32 to index
        %get3A_1207 = tpu.vector_load %arg4[%get3A] {strides = array<i32>} : memref<16384xf32, #tpu.memory_space<vmem>>, vector<16xf32>,
        %lt3A_1208 = arith.cmpf olt, %get3A_1207, %scan3A_1185 : vector<16xf32>
        %select_n3A_1209 = arith.select %lt3A_1208, %get3A_1207, %scan3A_1185 : vector<16xi1>, vector<16xf32>
        %broadcast_in_dim3A_1210 = vector.broadcast %add3A_1204 : i32 to vector<16xi32>
        %select_n3A_1211 = arith.select %lt3A_1208, %broadcast_in_dim3A_1210, %scan3A_1193 : vector<16xi1>, vector<16xi32>
        %mul3A_1212 = arith.constant 8 : i32
        %mul3A_1213 = arith.muli %scan3A_1184, %mul3A_1212 : i32
        %add3A_1214 = arith.constant 1 : i32
        %add3A_1215 = arith.addi %mul3A_1213, %add3A_1214 : i32
        %mul3A_1216 = arith.constant 16 : i32
        %mul3A_1217 = arith.muli %add3A_1215, %mul3A_1216 : i32
        %get3A_1218 = arith.index_cast %mul3A_1217 : i32 to index
        %get3A_1219 = tpu.vector_load %arg4[%get3A_1218] {strides = array<i32>} : memref<16384xf32, #tpu.memory_space<vmem>>, vector<16xf32>,
        %lt3A_1220 = arith.cmpf olt, %get3A_1219, %scan3A_1186 : vector<16xf32>
        %select_n3A_1221 = arith.select %lt3A_1220, %get3A_1219, %scan3A_1186 : vector<16xi1>, vector<16xf32>
        %broadcast_in_dim3A_1222 = vector.broadcast %add3A_1215 : i32 to vector<16xi32>
        %select_n3A_1223 = arith.select %lt3A_1220, %broadcast_in_dim3A_1222, %scan3A_1194 : vector<16xi1>, vector<16xi32>
        %mul3A_1224 = arith.constant 8 : i32
        %mul3A_1225 = arith.muli %scan3A_1184, %mul3A_1224 : i32
        %add3A_1226 = arith.constant 2 : i32
        %add3A_1227 = arith.addi %mul3A_1225, %add3A_1226 : i32
        %mul3A_1228 = arith.constant 16 : i32
        %mul3A_1229 = arith.muli %add3A_1227, %mul3A_1228 : i32
        %get3A_1230 = arith.index_cast %mul3A_1229 : i32 to index
        %get3A_1231 = tpu.vector_load %arg4[%get3A_1230] {strides = array<i32>} : memref<16384xf32, #tpu.memory_space<vmem>>, vector<16xf32>,
        %lt3A_1232 = arith.cmpf olt, %get3A_1231, %scan3A_1187 : vector<16xf32>
        %select_n3A_1233 = arith.select %lt3A_1232, %get3A_1231, %scan3A_1187 : vector<16xi1>, vector<16xf32>
        %broadcast_in_dim3A_1234 = vector.broadcast %add3A_1227 : i32 to vector<16xi32>
        %select_n3A_1235 = arith.select %lt3A_1232, %broadcast_in_dim3A_1234, %scan3A_1195 : vector<16xi1>, vector<16xi32>
        %mul3A_1236 = arith.constant 8 : i32
        %mul3A_1237 = arith.muli %scan3A_1184, %mul3A_1236 : i32
        %add3A_1238 = arith.constant 3 : i32
        %add3A_1239 = arith.addi %mul3A_1237, %add3A_1238 : i32
        %mul3A_1240 = arith.constant 16 : i32
        %mul3A_1241 = arith.muli %add3A_1239, %mul3A_1240 : i32
        %get3A_1242 = arith.index_cast %mul3A_1241 : i32 to index
        %get3A_1243 = tpu.vector_load %arg4[%get3A_1242] {strides = array<i32>} : memref<16384xf32, #tpu.memory_space<vmem>>, vector<16xf32>,
        %lt3A_1244 = arith.cmpf olt, %get3A_1243, %scan3A_1188 : vector<16xf32>
        %select_n3A_1245 = arith.select %lt3A_1244, %get3A_1243, %scan3A_1188 : vector<16xi1>, vector<16xf32>
        %broadcast_in_dim3A_1246 = vector.broadcast %add3A_1239 : i32 to vector<16xi32>
        %select_n3A_1247 = arith.select %lt3A_1244, %broadcast_in_dim3A_1246, %scan3A_1196 : vector<16xi1>, vector<16xi32>
        %mul3A_1248 = arith.constant 8 : i32
        %mul3A_1249 = arith.muli %scan3A_1184, %mul3A_1248 : i32
        %add3A_1250 = arith.constant 4 : i32
        %add3A_1251 = arith.addi %mul3A_1249, %add3A_1250 : i32
        %mul3A_1252 = arith.constant 16 : i32
        %mul3A_1253 = arith.muli %add3A_1251, %mul3A_1252 : i32
        %get3A_1254 = arith.index_cast %mul3A_1253 : i32 to index
        %get3A_1255 = tpu.vector_load %arg4[%get3A_1254] {strides = array<i32>} : memref<16384xf32, #tpu.memory_space<vmem>>, vector<16xf32>,
        %lt3A_1256 = arith.cmpf olt, %get3A_1255, %scan3A_1189 : vector<16xf32>
        %select_n3A_1257 = arith.select %lt3A_1256, %get3A_1255, %scan3A_1189 : vector<16xi1>, vector<16xf32>
        %broadcast_in_dim3A_1258 = vector.broadcast %add3A_1251 : i32 to vector<16xi32>
        %select_n3A_1259 = arith.select %lt3A_1256, %broadcast_in_dim3A_1258, %scan3A_1197 : vector<16xi1>, vector<16xi32>
        %mul3A_1260 = arith.constant 8 : i32
        %mul3A_1261 = arith.muli %scan3A_1184, %mul3A_1260 : i32
        %add3A_1262 = arith.constant 5 : i32
        %add3A_1263 = arith.addi %mul3A_1261, %add3A_1262 : i32
        %mul3A_1264 = arith.constant 16 : i32
        %mul3A_1265 = arith.muli %add3A_1263, %mul3A_1264 : i32
        %get3A_1266 = arith.index_cast %mul3A_1265 : i32 to index
        %get3A_1267 = tpu.vector_load %arg4[%get3A_1266] {strides = array<i32>} : memref<16384xf32, #tpu.memory_space<vmem>>, vector<16xf32>,
        %lt3A_1268 = arith.cmpf olt, %get3A_1267, %scan3A_1190 : vector<16xf32>
        %select_n3A_1269 = arith.select %lt3A_1268, %get3A_1267, %scan3A_1190 : vector<16xi1>, vector<16xf32>
        %broadcast_in_dim3A_1270 = vector.broadcast %add3A_1263 : i32 to vector<16xi32>
        %select_n3A_1271 = arith.select %lt3A_1268, %broadcast_in_dim3A_1270, %scan3A_1198 : vector<16xi1>, vector<16xi32>
        %mul3A_1272 = arith.constant 8 : i32
        %mul3A_1273 = arith.muli %scan3A_1184, %mul3A_1272 : i32
        %add3A_1274 = arith.constant 6 : i32
        %add3A_1275 = arith.addi %mul3A_1273, %add3A_1274 : i32
        %mul3A_1276 = arith.constant 16 : i32
        %mul3A_1277 = arith.muli %add3A_1275, %mul3A_1276 : i32
        %get3A_1278 = arith.index_cast %mul3A_1277 : i32 to index
        %get3A_1279 = tpu.vector_load %arg4[%get3A_1278] {strides = array<i32>} : memref<16384xf32, #tpu.memory_space<vmem>>, vector<16xf32>,
        %lt3A_1280 = arith.cmpf olt, %get3A_1279, %scan3A_1191 : vector<16xf32>
        %select_n3A_1281 = arith.select %lt3A_1280, %get3A_1279, %scan3A_1191 : vector<16xi1>, vector<16xf32>
        %broadcast_in_dim3A_1282 = vector.broadcast %add3A_1275 : i32 to vector<16xi32>
        %select_n3A_1283 = arith.select %lt3A_1280, %broadcast_in_dim3A_1282, %scan3A_1199 : vector<16xi1>, vector<16xi32>
        %mul3A_1284 = arith.constant 8 : i32
        %mul3A_1285 = arith.muli %scan3A_1184, %mul3A_1284 : i32
        %add3A_1286 = arith.constant 7 : i32
        %add3A_1287 = arith.addi %mul3A_1285, %add3A_1286 : i32
        %mul3A_1288 = arith.constant 16 : i32
        %mul3A_1289 = arith.muli %add3A_1287, %mul3A_1288 : i32
        %get3A_1290 = arith.index_cast %mul3A_1289 : i32 to index
        %get3A_1291 = tpu.vector_load %arg4[%get3A_1290] {strides = array<i32>} : memref<16384xf32, #tpu.memory_space<vmem>>, vector<16xf32>,
        %lt3A_1292 = arith.cmpf olt, %get3A_1291, %scan3A_1192 : vector<16xf32>
        %select_n3A_1293 = arith.select %lt3A_1292, %get3A_1291, %scan3A_1192 : vector<16xi1>, vector<16xf32>
        %broadcast_in_dim3A_1294 = vector.broadcast %add3A_1287 : i32 to vector<16xi32>
        %select_n3A_1295 = arith.select %lt3A_1292, %broadcast_in_dim3A_1294, %scan3A_1200 : vector<16xi1>, vector<16xi32>
        scf.yield %select_n3A_1209, %select_n3A_1221, %select_n3A_1233, %select_n3A_1245, %select_n3A_1257, %select_n3A_1269, %select_n3A_1281, %select_n3A_1293, %select_n3A_1211, %select_n3A_1223, %select_n3A_1235, %select_n3A_1247, %select_n3A_1259, %select_n3A_1271, %select_n3A_1283, %select_n3A_1295 : vector<16xf32>, vector<16xf32>, vector<16xf32>, vector<16xf32>, vector<16xf32>, vector<16xf32>, vector<16xf32>, vector<16xf32>, vector<16xi32>, vector<16xi32>, vector<16xi32>, vector<16xi32>, vector<16xi32>, vector<16xi32>, vector<16xi32>, vector<16xi32>
      }
      %scan3A_630 = arith.constant 128 : i32
      %iota3A_631 = tpu.iota {dimensions = array<i32: 0>} : vector<16xi32>
      %mul3A_632 = arith.constant 16 : i32
      %mul3A_633 = vector.broadcast %mul3A_632 : i32 to vector<16xi32>
      %mul3A_634 = arith.muli %scan3A_629#8, %mul3A_633 : vector<16xi32>
      %add3A_635 = arith.addi %mul3A_634, %iota3A_631 : vector<16xi32>
      %mul3A_636 = arith.constant 16 : i32
      %mul3A_637 = vector.broadcast %mul3A_636 : i32 to vector<16xi32>
      %mul3A_638 = arith.muli %scan3A_629#9, %mul3A_637 : vector<16xi32>
      %add3A_639 = arith.addi %mul3A_638, %iota3A_631 : vector<16xi32>
      %lt3A_640 = arith.cmpf olt, %scan3A_629#1, %scan3A_629#0 : vector<16xf32>
      %eq3A_641 = arith.cmpf oeq, %scan3A_629#1, %scan3A_629#0 : vector<16xf32>
      %lt3A_642 = arith.cmpi slt, %add3A_639, %add3A_635 : vector<16xi32>
      %and3A_643 = arith.andi %eq3A_641, %lt3A_642 : vector<16xi1>
      %or3A_644 = arith.ori %lt3A_640, %and3A_643 : vector<16xi1>
      %select_n3A_645 = arith.select %or3A_644, %scan3A_629#1, %scan3A_629#0 : vector<16xi1>, vector<16xf32>
      %select_n3A_646 = arith.select %or3A_644, %add3A_639, %add3A_635 : vector<16xi1>, vector<16xi32>
      %mul3A_647 = arith.constant 16 : i32
      %mul3A_648 = vector.broadcast %mul3A_647 : i32 to vector<16xi32>
      %mul3A_649 = arith.muli %scan3A_629#10, %mul3A_648 : vector<16xi32>
      %add3A_650 = arith.addi %mul3A_649, %iota3A_631 : vector<16xi32>
      %lt3A_651 = arith.cmpf olt, %scan3A_629#2, %select_n3A_645 : vector<16xf32>
      %eq3A_652 = arith.cmpf oeq, %scan3A_629#2, %select_n3A_645 : vector<16xf32>
      %lt3A_653 = arith.cmpi slt, %add3A_650, %select_n3A_646 : vector<16xi32>
      %and3A_654 = arith.andi %eq3A_652, %lt3A_653 : vector<16xi1>
      %or3A_655 = arith.ori %lt3A_651, %and3A_654 : vector<16xi1>
      %select_n3A_656 = arith.select %or3A_655, %scan3A_629#2, %select_n3A_645 : vector<16xi1>, vector<16xf32>
      %select_n3A_657 = arith.select %or3A_655, %add3A_650, %select_n3A_646 : vector<16xi1>, vector<16xi32>
      %mul3A_658 = arith.constant 16 : i32
      %mul3A_659 = vector.broadcast %mul3A_658 : i32 to vector<16xi32>
      %mul3A_660 = arith.muli %scan3A_629#11, %mul3A_659 : vector<16xi32>
      %add3A_661 = arith.addi %mul3A_660, %iota3A_631 : vector<16xi32>
      %lt3A_662 = arith.cmpf olt, %scan3A_629#3, %select_n3A_656 : vector<16xf32>
      %eq3A_663 = arith.cmpf oeq, %scan3A_629#3, %select_n3A_656 : vector<16xf32>
      %lt3A_664 = arith.cmpi slt, %add3A_661, %select_n3A_657 : vector<16xi32>
      %and3A_665 = arith.andi %eq3A_663, %lt3A_664 : vector<16xi1>
      %or3A_666 = arith.ori %lt3A_662, %and3A_665 : vector<16xi1>
      %select_n3A_667 = arith.select %or3A_666, %scan3A_629#3, %select_n3A_656 : vector<16xi1>, vector<16xf32>
      %select_n3A_668 = arith.select %or3A_666, %add3A_661, %select_n3A_657 : vector<16xi1>, vector<16xi32>
      %mul3A_669 = arith.constant 16 : i32
      %mul3A_670 = vector.broadcast %mul3A_669 : i32 to vector<16xi32>
      %mul3A_671 = arith.muli %scan3A_629#12, %mul3A_670 : vector<16xi32>
      %add3A_672 = arith.addi %mul3A_671, %iota3A_631 : vector<16xi32>
      %lt3A_673 = arith.cmpf olt, %scan3A_629#4, %select_n3A_667 : vector<16xf32>
      %eq3A_674 = arith.cmpf oeq, %scan3A_629#4, %select_n3A_667 : vector<16xf32>
      %lt3A_675 = arith.cmpi slt, %add3A_672, %select_n3A_668 : vector<16xi32>
      %and3A_676 = arith.andi %eq3A_674, %lt3A_675 : vector<16xi1>
      %or3A_677 = arith.ori %lt3A_673, %and3A_676 : vector<16xi1>
      %select_n3A_678 = arith.select %or3A_677, %scan3A_629#4, %select_n3A_667 : vector<16xi1>, vector<16xf32>
      %select_n3A_679 = arith.select %or3A_677, %add3A_672, %select_n3A_668 : vector<16xi1>, vector<16xi32>
      %mul3A_680 = arith.constant 16 : i32
      %mul3A_681 = vector.broadcast %mul3A_680 : i32 to vector<16xi32>
      %mul3A_682 = arith.muli %scan3A_629#13, %mul3A_681 : vector<16xi32>
      %add3A_683 = arith.addi %mul3A_682, %iota3A_631 : vector<16xi32>
      %lt3A_684 = arith.cmpf olt, %scan3A_629#5, %select_n3A_678 : vector<16xf32>
      %eq3A_685 = arith.cmpf oeq, %scan3A_629#5, %select_n3A_678 : vector<16xf32>
      %lt3A_686 = arith.cmpi slt, %add3A_683, %select_n3A_679 : vector<16xi32>
      %and3A_687 = arith.andi %eq3A_685, %lt3A_686 : vector<16xi1>
      %or3A_688 = arith.ori %lt3A_684, %and3A_687 : vector<16xi1>
      %select_n3A_689 = arith.select %or3A_688, %scan3A_629#5, %select_n3A_678 : vector<16xi1>, vector<16xf32>
      %select_n3A_690 = arith.select %or3A_688, %add3A_683, %select_n3A_679 : vector<16xi1>, vector<16xi32>
      %mul3A_691 = arith.constant 16 : i32
      %mul3A_692 = vector.broadcast %mul3A_691 : i32 to vector<16xi32>
      %mul3A_693 = arith.muli %scan3A_629#14, %mul3A_692 : vector<16xi32>
      %add3A_694 = arith.addi %mul3A_693, %iota3A_631 : vector<16xi32>
      %lt3A_695 = arith.cmpf olt, %scan3A_629#6, %select_n3A_689 : vector<16xf32>
      %eq3A_696 = arith.cmpf oeq, %scan3A_629#6, %select_n3A_689 : vector<16xf32>
      %lt3A_697 = arith.cmpi slt, %add3A_694, %select_n3A_690 : vector<16xi32>
      %and3A_698 = arith.andi %eq3A_696, %lt3A_697 : vector<16xi1>
      %or3A_699 = arith.ori %lt3A_695, %and3A_698 : vector<16xi1>
      %select_n3A_700 = arith.select %or3A_699, %scan3A_629#6, %select_n3A_689 : vector<16xi1>, vector<16xf32>
      %select_n3A_701 = arith.select %or3A_699, %add3A_694, %select_n3A_690 : vector<16xi1>, vector<16xi32>
      %mul3A_702 = arith.constant 16 : i32
      %mul3A_703 = vector.broadcast %mul3A_702 : i32 to vector<16xi32>
      %mul3A_704 = arith.muli %scan3A_629#15, %mul3A_703 : vector<16xi32>
      %add3A_705 = arith.addi %mul3A_704, %iota3A_631 : vector<16xi32>
      %lt3A_706 = arith.cmpf olt, %scan3A_629#7, %select_n3A_700 : vector<16xf32>
      %eq3A_707 = arith.cmpf oeq, %scan3A_629#7, %select_n3A_700 : vector<16xf32>
      %lt3A_708 = arith.cmpi slt, %add3A_705, %select_n3A_701 : vector<16xi32>
      %and3A_709 = arith.andi %eq3A_707, %lt3A_708 : vector<16xi1>
      %or3A_710 = arith.ori %lt3A_706, %and3A_709 : vector<16xi1>
      %select_n3A_711 = arith.select %or3A_710, %scan3A_629#7, %select_n3A_700 : vector<16xi1>, vector<16xf32>
      %select_n3A_712 = arith.select %or3A_710, %add3A_705, %select_n3A_701 : vector<16xi1>, vector<16xi32>
      %sort3A_713 = arith.constant dense<true> : vector<16xi1>
      %sort3A_714, %sort3A_715, %sort3A_716 = tpu.sort %select_n3A_711, %select_n3A_711 masked %sort3A_713 : (vector<16xf32>, vector<16xf32>, vector<16xi1>) -> (vector<16xi1>, vector<16xf32>, vector<16xf32>)
      %slice3A_717 = vector.extract_strided_slice %sort3A_715 {offsets = [0], sizes = [1], strides = [1]} : vector<16xf32> to vector<1xf32>
      %squeeze3A_718 = vector.extract %slice3A_717[0] : f32 from vector<1xf32>
      %broadcast_in_dim3A_719 = vector.broadcast %squeeze3A_718 : f32 to vector<16xf32>
      %eq3A_720 = arith.cmpf oeq, %select_n3A_711, %broadcast_in_dim3A_719 : vector<16xf32>
      %broadcast_in_dim3A_721 = arith.constant 16384 : i32
      %broadcast_in_dim3A_722 = vector.broadcast %broadcast_in_dim3A_721 : i32 to vector<16xi32>
      %select_n3A_723 = arith.select %eq3A_720, %select_n3A_712, %broadcast_in_dim3A_722 : vector<16xi1>, vector<16xi32>
      %sort3A_724 = arith.constant dense<true> : vector<16xi1>
      %sort3A_725, %sort3A_726, %sort3A_727 = tpu.sort %select_n3A_723, %select_n3A_723 masked %sort3A_724 : (vector<16xi32>, vector<16xi32>, vector<16xi1>) -> (vector<16xi1>, vector<16xi32>, vector<16xi32>)
      %slice3A_728 = vector.extract_strided_slice %sort3A_726 {offsets = [0], sizes = [1], strides = [1]} : vector<16xi32> to vector<1xi32>
      %squeeze3A_729 = vector.extract %slice3A_728[0] : i32 from vector<1xi32>
      %convert_element_type3A_730 = arith.sitofp %squeeze3A_729 : i32 to f32
      %mul3A_731 = arith.constant 7.812500e-03 : f32
      %mul3A_732 = arith.mulf %convert_element_type3A_730, %mul3A_731 : f32
      %and3A_733 = arith.constant 127 : i32
      %and3A_734 = arith.andi %squeeze3A_729, %and3A_733 : i32
      %convert_element_type3A_735 = arith.sitofp %and3A_734 : i32 to f32
      %eq3A_736 = arith.constant 8 : i32
      %eq3A_737 = vector.broadcast %eq3A_736 : i32 to vector<16xi32>
      %eq3A_738 = arith.cmpi eq, %iota3A, %eq3A_737 : vector<16xi32>
      %eq3A_739 = arith.constant 9 : i32
      %eq3A_740 = vector.broadcast %eq3A_739 : i32 to vector<16xi32>
      %eq3A_741 = arith.cmpi eq, %iota3A, %eq3A_740 : vector<16xi32>
      %broadcast_in_dim3A_742 = vector.broadcast %convert_element_type3A_735 : f32 to vector<16xf32>
      %select_n3A_743 = arith.select %eq3A_741, %broadcast_in_dim3A_742, %select_n3A_600 : vector<16xi1>, vector<16xf32>
      %broadcast_in_dim3A_744 = vector.broadcast %mul3A_732 : f32 to vector<16xf32>
      %select_n3A_745 = arith.select %eq3A_738, %broadcast_in_dim3A_744, %select_n3A_743 : vector<16xi1>, vector<16xf32>
      %mul3A_746 = arith.constant 8 : i32
      %mul3A_747 = arith.muli %scan3A_31, %mul3A_746 : i32
      %add3A_748 = arith.constant 5 : i32
      %add3A_749 = arith.addi %mul3A_747, %add3A_748 : i32
      %add3A_750 = arith.addi %mul3A_2, %add3A_749 : i32
      %dma_wait3A_751 = arith.constant 0 : i32
      %dma_wait3A_752 = tpu.memref_slice %arg2[%add3A_750, %dma_wait3A_751] : memref<4096x16384xf32, #tpu.memory_space<hbm>> -> memref<1x16384xf32, #tpu.memory_space<hbm>>
      %dma_wait3A_753 = tpu.memref_squeeze %dma_wait3A_752 : memref<1x16384xf32, #tpu.memory_space<hbm>> -> memref<16384xf32, #tpu.memory_space<hbm>>
      %dma_wait3A_754 = arith.constant 0 : i32
      %dma_wait3A_755 = tpu.memref_slice %arg2[%add3A_750, %dma_wait3A_754] : memref<4096x16384xf32, #tpu.memory_space<hbm>> -> memref<1x16384xf32, #tpu.memory_space<hbm>>
      %dma_wait3A_756 = tpu.memref_squeeze %dma_wait3A_755 : memref<1x16384xf32, #tpu.memory_space<hbm>> -> memref<16384xf32, #tpu.memory_space<hbm>>
      tpu.wait_dma2 semaphore(%arg10 : memref<!tpu.dma_semaphore, #tpu.memory_space<semaphore_mem>>) src(%dma_wait3A_756 : memref<16384xf32, #tpu.memory_space<hbm>>) dst(%arg5 : memref<16384xf32, #tpu.memory_space<vmem>>)
      %add3A_757 = arith.constant 4 : i32
      %add3A_758 = arith.addi %add3A_749, %add3A_757 : i32
      %sub3A_759 = arith.constant 1 : i32
      %sub3A_760 = arith.subi %add3A_758, %sub3A_759 : i32
      %lt3A_761 = arith.constant 88 : i32
      %lt3A_762 = arith.cmpi slt, %sub3A_760, %lt3A_761 : i32
      %convert_element_type3A_763 = arith.extui %lt3A_762 : i1 to i32
      %cond3A_764 = arith.constant 0 : i32
      %cond3A_765 = arith.cmpi ne, %convert_element_type3A_763, %cond3A_764 : i32
      scf.if %cond3A_765 {
        %add3A_1184 = arith.constant 4 : i32
        %add3A_1185 = arith.addi %add3A_750, %add3A_1184 : i32
        %sub3A_1186 = arith.constant 1 : i32
        %sub3A_1187 = arith.subi %add3A_1185, %sub3A_1186 : i32
        %dma_start3A_1188 = arith.constant 0 : i32
        %dma_start3A_1189 = tpu.memref_slice %arg2[%sub3A_1187, %dma_start3A_1188] : memref<4096x16384xf32, #tpu.memory_space<hbm>> -> memref<1x16384xf32, #tpu.memory_space<hbm>>
        %dma_start3A_1190 = tpu.memref_squeeze %dma_start3A_1189 : memref<1x16384xf32, #tpu.memory_space<hbm>> -> memref<16384xf32, #tpu.memory_space<hbm>>
        %dma_start3A_1191 = arith.constant 0 : i32
        %dma_start3A_1192 = tpu.memref_slice %arg2[%sub3A_1187, %dma_start3A_1191] : memref<4096x16384xf32, #tpu.memory_space<hbm>> -> memref<1x16384xf32, #tpu.memory_space<hbm>>
        %dma_start3A_1193 = tpu.memref_squeeze %dma_start3A_1192 : memref<1x16384xf32, #tpu.memory_space<hbm>> -> memref<16384xf32, #tpu.memory_space<hbm>>
        tpu.enqueue_dma source(%dma_start3A_1193 : memref<16384xf32, #tpu.memory_space<hbm>>) target(%arg4 : memref<16384xf32, #tpu.memory_space<vmem>>) target_semaphore(%arg9 : memref<!tpu.dma_semaphore, #tpu.memory_space<semaphore_mem>>)
      } else {
      }
      %broadcast_in_dim3A_766 = arith.constant 0x7F800000 : f32
      %broadcast_in_dim3A_767 = vector.broadcast %broadcast_in_dim3A_766 : f32 to vector<16xf32>
      %broadcast_in_dim3A_768 = arith.constant 0 : i32
      %broadcast_in_dim3A_769 = vector.broadcast %broadcast_in_dim3A_768 : i32 to vector<16xi32>
      %scan3A_770 = arith.constant 0 : i32
      %scan3A_771 = arith.constant 128 : i32
      %scan3A_772 = arith.addi %scan3A_770, %scan3A_771 : i32
      %scan3A_773 = arith.constant 1 : i32
      %scan3A_774:16 = scf.for %scan3A_1184 = %scan3A_770 to %scan3A_772 step %scan3A_773 iter_args(%scan3A_1185 = %broadcast_in_dim3A_767, %scan3A_1186 = %broadcast_in_dim3A_767, %scan3A_1187 = %broadcast_in_dim3A_767, %scan3A_1188 = %broadcast_in_dim3A_767, %scan3A_1189 = %broadcast_in_dim3A_767, %scan3A_1190 = %broadcast_in_dim3A_767, %scan3A_1191 = %broadcast_in_dim3A_767, %scan3A_1192 = %broadcast_in_dim3A_767, %scan3A_1193 = %broadcast_in_dim3A_769, %scan3A_1194 = %broadcast_in_dim3A_769, %scan3A_1195 = %broadcast_in_dim3A_769, %scan3A_1196 = %broadcast_in_dim3A_769, %scan3A_1197 = %broadcast_in_dim3A_769, %scan3A_1198 = %broadcast_in_dim3A_769, %scan3A_1199 = %broadcast_in_dim3A_769, %scan3A_1200 = %broadcast_in_dim3A_769) -> (vector<16xf32>, vector<16xf32>, vector<16xf32>, vector<16xf32>, vector<16xf32>, vector<16xf32>, vector<16xf32>, vector<16xf32>, vector<16xi32>, vector<16xi32>, vector<16xi32>, vector<16xi32>, vector<16xi32>, vector<16xi32>, vector<16xi32>, vector<16xi32>)  : i32 {
        %mul3A_1201 = arith.constant 8 : i32
        %mul3A_1202 = arith.muli %scan3A_1184, %mul3A_1201 : i32
        %add3A_1203 = arith.constant 0 : i32
        %add3A_1204 = arith.addi %mul3A_1202, %add3A_1203 : i32
        %mul3A_1205 = arith.constant 16 : i32
        %mul3A_1206 = arith.muli %add3A_1204, %mul3A_1205 : i32
        %get3A = arith.index_cast %mul3A_1206 : i32 to index
        %get3A_1207 = tpu.vector_load %arg5[%get3A] {strides = array<i32>} : memref<16384xf32, #tpu.memory_space<vmem>>, vector<16xf32>,
        %lt3A_1208 = arith.cmpf olt, %get3A_1207, %scan3A_1185 : vector<16xf32>
        %select_n3A_1209 = arith.select %lt3A_1208, %get3A_1207, %scan3A_1185 : vector<16xi1>, vector<16xf32>
        %broadcast_in_dim3A_1210 = vector.broadcast %add3A_1204 : i32 to vector<16xi32>
        %select_n3A_1211 = arith.select %lt3A_1208, %broadcast_in_dim3A_1210, %scan3A_1193 : vector<16xi1>, vector<16xi32>
        %mul3A_1212 = arith.constant 8 : i32
        %mul3A_1213 = arith.muli %scan3A_1184, %mul3A_1212 : i32
        %add3A_1214 = arith.constant 1 : i32
        %add3A_1215 = arith.addi %mul3A_1213, %add3A_1214 : i32
        %mul3A_1216 = arith.constant 16 : i32
        %mul3A_1217 = arith.muli %add3A_1215, %mul3A_1216 : i32
        %get3A_1218 = arith.index_cast %mul3A_1217 : i32 to index
        %get3A_1219 = tpu.vector_load %arg5[%get3A_1218] {strides = array<i32>} : memref<16384xf32, #tpu.memory_space<vmem>>, vector<16xf32>,
        %lt3A_1220 = arith.cmpf olt, %get3A_1219, %scan3A_1186 : vector<16xf32>
        %select_n3A_1221 = arith.select %lt3A_1220, %get3A_1219, %scan3A_1186 : vector<16xi1>, vector<16xf32>
        %broadcast_in_dim3A_1222 = vector.broadcast %add3A_1215 : i32 to vector<16xi32>
        %select_n3A_1223 = arith.select %lt3A_1220, %broadcast_in_dim3A_1222, %scan3A_1194 : vector<16xi1>, vector<16xi32>
        %mul3A_1224 = arith.constant 8 : i32
        %mul3A_1225 = arith.muli %scan3A_1184, %mul3A_1224 : i32
        %add3A_1226 = arith.constant 2 : i32
        %add3A_1227 = arith.addi %mul3A_1225, %add3A_1226 : i32
        %mul3A_1228 = arith.constant 16 : i32
        %mul3A_1229 = arith.muli %add3A_1227, %mul3A_1228 : i32
        %get3A_1230 = arith.index_cast %mul3A_1229 : i32 to index
        %get3A_1231 = tpu.vector_load %arg5[%get3A_1230] {strides = array<i32>} : memref<16384xf32, #tpu.memory_space<vmem>>, vector<16xf32>,
        %lt3A_1232 = arith.cmpf olt, %get3A_1231, %scan3A_1187 : vector<16xf32>
        %select_n3A_1233 = arith.select %lt3A_1232, %get3A_1231, %scan3A_1187 : vector<16xi1>, vector<16xf32>
        %broadcast_in_dim3A_1234 = vector.broadcast %add3A_1227 : i32 to vector<16xi32>
        %select_n3A_1235 = arith.select %lt3A_1232, %broadcast_in_dim3A_1234, %scan3A_1195 : vector<16xi1>, vector<16xi32>
        %mul3A_1236 = arith.constant 8 : i32
        %mul3A_1237 = arith.muli %scan3A_1184, %mul3A_1236 : i32
        %add3A_1238 = arith.constant 3 : i32
        %add3A_1239 = arith.addi %mul3A_1237, %add3A_1238 : i32
        %mul3A_1240 = arith.constant 16 : i32
        %mul3A_1241 = arith.muli %add3A_1239, %mul3A_1240 : i32
        %get3A_1242 = arith.index_cast %mul3A_1241 : i32 to index
        %get3A_1243 = tpu.vector_load %arg5[%get3A_1242] {strides = array<i32>} : memref<16384xf32, #tpu.memory_space<vmem>>, vector<16xf32>,
        %lt3A_1244 = arith.cmpf olt, %get3A_1243, %scan3A_1188 : vector<16xf32>
        %select_n3A_1245 = arith.select %lt3A_1244, %get3A_1243, %scan3A_1188 : vector<16xi1>, vector<16xf32>
        %broadcast_in_dim3A_1246 = vector.broadcast %add3A_1239 : i32 to vector<16xi32>
        %select_n3A_1247 = arith.select %lt3A_1244, %broadcast_in_dim3A_1246, %scan3A_1196 : vector<16xi1>, vector<16xi32>
        %mul3A_1248 = arith.constant 8 : i32
        %mul3A_1249 = arith.muli %scan3A_1184, %mul3A_1248 : i32
        %add3A_1250 = arith.constant 4 : i32
        %add3A_1251 = arith.addi %mul3A_1249, %add3A_1250 : i32
        %mul3A_1252 = arith.constant 16 : i32
        %mul3A_1253 = arith.muli %add3A_1251, %mul3A_1252 : i32
        %get3A_1254 = arith.index_cast %mul3A_1253 : i32 to index
        %get3A_1255 = tpu.vector_load %arg5[%get3A_1254] {strides = array<i32>} : memref<16384xf32, #tpu.memory_space<vmem>>, vector<16xf32>,
        %lt3A_1256 = arith.cmpf olt, %get3A_1255, %scan3A_1189 : vector<16xf32>
        %select_n3A_1257 = arith.select %lt3A_1256, %get3A_1255, %scan3A_1189 : vector<16xi1>, vector<16xf32>
        %broadcast_in_dim3A_1258 = vector.broadcast %add3A_1251 : i32 to vector<16xi32>
        %select_n3A_1259 = arith.select %lt3A_1256, %broadcast_in_dim3A_1258, %scan3A_1197 : vector<16xi1>, vector<16xi32>
        %mul3A_1260 = arith.constant 8 : i32
        %mul3A_1261 = arith.muli %scan3A_1184, %mul3A_1260 : i32
        %add3A_1262 = arith.constant 5 : i32
        %add3A_1263 = arith.addi %mul3A_1261, %add3A_1262 : i32
        %mul3A_1264 = arith.constant 16 : i32
        %mul3A_1265 = arith.muli %add3A_1263, %mul3A_1264 : i32
        %get3A_1266 = arith.index_cast %mul3A_1265 : i32 to index
        %get3A_1267 = tpu.vector_load %arg5[%get3A_1266] {strides = array<i32>} : memref<16384xf32, #tpu.memory_space<vmem>>, vector<16xf32>,
        %lt3A_1268 = arith.cmpf olt, %get3A_1267, %scan3A_1190 : vector<16xf32>
        %select_n3A_1269 = arith.select %lt3A_1268, %get3A_1267, %scan3A_1190 : vector<16xi1>, vector<16xf32>
        %broadcast_in_dim3A_1270 = vector.broadcast %add3A_1263 : i32 to vector<16xi32>
        %select_n3A_1271 = arith.select %lt3A_1268, %broadcast_in_dim3A_1270, %scan3A_1198 : vector<16xi1>, vector<16xi32>
        %mul3A_1272 = arith.constant 8 : i32
        %mul3A_1273 = arith.muli %scan3A_1184, %mul3A_1272 : i32
        %add3A_1274 = arith.constant 6 : i32
        %add3A_1275 = arith.addi %mul3A_1273, %add3A_1274 : i32
        %mul3A_1276 = arith.constant 16 : i32
        %mul3A_1277 = arith.muli %add3A_1275, %mul3A_1276 : i32
        %get3A_1278 = arith.index_cast %mul3A_1277 : i32 to index
        %get3A_1279 = tpu.vector_load %arg5[%get3A_1278] {strides = array<i32>} : memref<16384xf32, #tpu.memory_space<vmem>>, vector<16xf32>,
        %lt3A_1280 = arith.cmpf olt, %get3A_1279, %scan3A_1191 : vector<16xf32>
        %select_n3A_1281 = arith.select %lt3A_1280, %get3A_1279, %scan3A_1191 : vector<16xi1>, vector<16xf32>
        %broadcast_in_dim3A_1282 = vector.broadcast %add3A_1275 : i32 to vector<16xi32>
        %select_n3A_1283 = arith.select %lt3A_1280, %broadcast_in_dim3A_1282, %scan3A_1199 : vector<16xi1>, vector<16xi32>
        %mul3A_1284 = arith.constant 8 : i32
        %mul3A_1285 = arith.muli %scan3A_1184, %mul3A_1284 : i32
        %add3A_1286 = arith.constant 7 : i32
        %add3A_1287 = arith.addi %mul3A_1285, %add3A_1286 : i32
        %mul3A_1288 = arith.constant 16 : i32
        %mul3A_1289 = arith.muli %add3A_1287, %mul3A_1288 : i32
        %get3A_1290 = arith.index_cast %mul3A_1289 : i32 to index
        %get3A_1291 = tpu.vector_load %arg5[%get3A_1290] {strides = array<i32>} : memref<16384xf32, #tpu.memory_space<vmem>>, vector<16xf32>,
        %lt3A_1292 = arith.cmpf olt, %get3A_1291, %scan3A_1192 : vector<16xf32>
        %select_n3A_1293 = arith.select %lt3A_1292, %get3A_1291, %scan3A_1192 : vector<16xi1>, vector<16xf32>
        %broadcast_in_dim3A_1294 = vector.broadcast %add3A_1287 : i32 to vector<16xi32>
        %select_n3A_1295 = arith.select %lt3A_1292, %broadcast_in_dim3A_1294, %scan3A_1200 : vector<16xi1>, vector<16xi32>
        scf.yield %select_n3A_1209, %select_n3A_1221, %select_n3A_1233, %select_n3A_1245, %select_n3A_1257, %select_n3A_1269, %select_n3A_1281, %select_n3A_1293, %select_n3A_1211, %select_n3A_1223, %select_n3A_1235, %select_n3A_1247, %select_n3A_1259, %select_n3A_1271, %select_n3A_1283, %select_n3A_1295 : vector<16xf32>, vector<16xf32>, vector<16xf32>, vector<16xf32>, vector<16xf32>, vector<16xf32>, vector<16xf32>, vector<16xf32>, vector<16xi32>, vector<16xi32>, vector<16xi32>, vector<16xi32>, vector<16xi32>, vector<16xi32>, vector<16xi32>, vector<16xi32>
      }
      %scan3A_775 = arith.constant 128 : i32
      %iota3A_776 = tpu.iota {dimensions = array<i32: 0>} : vector<16xi32>
      %mul3A_777 = arith.constant 16 : i32
      %mul3A_778 = vector.broadcast %mul3A_777 : i32 to vector<16xi32>
      %mul3A_779 = arith.muli %scan3A_774#8, %mul3A_778 : vector<16xi32>
      %add3A_780 = arith.addi %mul3A_779, %iota3A_776 : vector<16xi32>
      %mul3A_781 = arith.constant 16 : i32
      %mul3A_782 = vector.broadcast %mul3A_781 : i32 to vector<16xi32>
      %mul3A_783 = arith.muli %scan3A_774#9, %mul3A_782 : vector<16xi32>
      %add3A_784 = arith.addi %mul3A_783, %iota3A_776 : vector<16xi32>
      %lt3A_785 = arith.cmpf olt, %scan3A_774#1, %scan3A_774#0 : vector<16xf32>
      %eq3A_786 = arith.cmpf oeq, %scan3A_774#1, %scan3A_774#0 : vector<16xf32>
      %lt3A_787 = arith.cmpi slt, %add3A_784, %add3A_780 : vector<16xi32>
      %and3A_788 = arith.andi %eq3A_786, %lt3A_787 : vector<16xi1>
      %or3A_789 = arith.ori %lt3A_785, %and3A_788 : vector<16xi1>
      %select_n3A_790 = arith.select %or3A_789, %scan3A_774#1, %scan3A_774#0 : vector<16xi1>, vector<16xf32>
      %select_n3A_791 = arith.select %or3A_789, %add3A_784, %add3A_780 : vector<16xi1>, vector<16xi32>
      %mul3A_792 = arith.constant 16 : i32
      %mul3A_793 = vector.broadcast %mul3A_792 : i32 to vector<16xi32>
      %mul3A_794 = arith.muli %scan3A_774#10, %mul3A_793 : vector<16xi32>
      %add3A_795 = arith.addi %mul3A_794, %iota3A_776 : vector<16xi32>
      %lt3A_796 = arith.cmpf olt, %scan3A_774#2, %select_n3A_790 : vector<16xf32>
      %eq3A_797 = arith.cmpf oeq, %scan3A_774#2, %select_n3A_790 : vector<16xf32>
      %lt3A_798 = arith.cmpi slt, %add3A_795, %select_n3A_791 : vector<16xi32>
      %and3A_799 = arith.andi %eq3A_797, %lt3A_798 : vector<16xi1>
      %or3A_800 = arith.ori %lt3A_796, %and3A_799 : vector<16xi1>
      %select_n3A_801 = arith.select %or3A_800, %scan3A_774#2, %select_n3A_790 : vector<16xi1>, vector<16xf32>
      %select_n3A_802 = arith.select %or3A_800, %add3A_795, %select_n3A_791 : vector<16xi1>, vector<16xi32>
      %mul3A_803 = arith.constant 16 : i32
      %mul3A_804 = vector.broadcast %mul3A_803 : i32 to vector<16xi32>
      %mul3A_805 = arith.muli %scan3A_774#11, %mul3A_804 : vector<16xi32>
      %add3A_806 = arith.addi %mul3A_805, %iota3A_776 : vector<16xi32>
      %lt3A_807 = arith.cmpf olt, %scan3A_774#3, %select_n3A_801 : vector<16xf32>
      %eq3A_808 = arith.cmpf oeq, %scan3A_774#3, %select_n3A_801 : vector<16xf32>
      %lt3A_809 = arith.cmpi slt, %add3A_806, %select_n3A_802 : vector<16xi32>
      %and3A_810 = arith.andi %eq3A_808, %lt3A_809 : vector<16xi1>
      %or3A_811 = arith.ori %lt3A_807, %and3A_810 : vector<16xi1>
      %select_n3A_812 = arith.select %or3A_811, %scan3A_774#3, %select_n3A_801 : vector<16xi1>, vector<16xf32>
      %select_n3A_813 = arith.select %or3A_811, %add3A_806, %select_n3A_802 : vector<16xi1>, vector<16xi32>
      %mul3A_814 = arith.constant 16 : i32
      %mul3A_815 = vector.broadcast %mul3A_814 : i32 to vector<16xi32>
      %mul3A_816 = arith.muli %scan3A_774#12, %mul3A_815 : vector<16xi32>
      %add3A_817 = arith.addi %mul3A_816, %iota3A_776 : vector<16xi32>
      %lt3A_818 = arith.cmpf olt, %scan3A_774#4, %select_n3A_812 : vector<16xf32>
      %eq3A_819 = arith.cmpf oeq, %scan3A_774#4, %select_n3A_812 : vector<16xf32>
      %lt3A_820 = arith.cmpi slt, %add3A_817, %select_n3A_813 : vector<16xi32>
      %and3A_821 = arith.andi %eq3A_819, %lt3A_820 : vector<16xi1>
      %or3A_822 = arith.ori %lt3A_818, %and3A_821 : vector<16xi1>
      %select_n3A_823 = arith.select %or3A_822, %scan3A_774#4, %select_n3A_812 : vector<16xi1>, vector<16xf32>
      %select_n3A_824 = arith.select %or3A_822, %add3A_817, %select_n3A_813 : vector<16xi1>, vector<16xi32>
      %mul3A_825 = arith.constant 16 : i32
      %mul3A_826 = vector.broadcast %mul3A_825 : i32 to vector<16xi32>
      %mul3A_827 = arith.muli %scan3A_774#13, %mul3A_826 : vector<16xi32>
      %add3A_828 = arith.addi %mul3A_827, %iota3A_776 : vector<16xi32>
      %lt3A_829 = arith.cmpf olt, %scan3A_774#5, %select_n3A_823 : vector<16xf32>
      %eq3A_830 = arith.cmpf oeq, %scan3A_774#5, %select_n3A_823 : vector<16xf32>
      %lt3A_831 = arith.cmpi slt, %add3A_828, %select_n3A_824 : vector<16xi32>
      %and3A_832 = arith.andi %eq3A_830, %lt3A_831 : vector<16xi1>
      %or3A_833 = arith.ori %lt3A_829, %and3A_832 : vector<16xi1>
      %select_n3A_834 = arith.select %or3A_833, %scan3A_774#5, %select_n3A_823 : vector<16xi1>, vector<16xf32>
      %select_n3A_835 = arith.select %or3A_833, %add3A_828, %select_n3A_824 : vector<16xi1>, vector<16xi32>
      %mul3A_836 = arith.constant 16 : i32
      %mul3A_837 = vector.broadcast %mul3A_836 : i32 to vector<16xi32>
      %mul3A_838 = arith.muli %scan3A_774#14, %mul3A_837 : vector<16xi32>
      %add3A_839 = arith.addi %mul3A_838, %iota3A_776 : vector<16xi32>
      %lt3A_840 = arith.cmpf olt, %scan3A_774#6, %select_n3A_834 : vector<16xf32>
      %eq3A_841 = arith.cmpf oeq, %scan3A_774#6, %select_n3A_834 : vector<16xf32>
      %lt3A_842 = arith.cmpi slt, %add3A_839, %select_n3A_835 : vector<16xi32>
      %and3A_843 = arith.andi %eq3A_841, %lt3A_842 : vector<16xi1>
      %or3A_844 = arith.ori %lt3A_840, %and3A_843 : vector<16xi1>
      %select_n3A_845 = arith.select %or3A_844, %scan3A_774#6, %select_n3A_834 : vector<16xi1>, vector<16xf32>
      %select_n3A_846 = arith.select %or3A_844, %add3A_839, %select_n3A_835 : vector<16xi1>, vector<16xi32>
      %mul3A_847 = arith.constant 16 : i32
      %mul3A_848 = vector.broadcast %mul3A_847 : i32 to vector<16xi32>
      %mul3A_849 = arith.muli %scan3A_774#15, %mul3A_848 : vector<16xi32>
      %add3A_850 = arith.addi %mul3A_849, %iota3A_776 : vector<16xi32>
      %lt3A_851 = arith.cmpf olt, %scan3A_774#7, %select_n3A_845 : vector<16xf32>
      %eq3A_852 = arith.cmpf oeq, %scan3A_774#7, %select_n3A_845 : vector<16xf32>
      %lt3A_853 = arith.cmpi slt, %add3A_850, %select_n3A_846 : vector<16xi32>
      %and3A_854 = arith.andi %eq3A_852, %lt3A_853 : vector<16xi1>
      %or3A_855 = arith.ori %lt3A_851, %and3A_854 : vector<16xi1>
      %select_n3A_856 = arith.select %or3A_855, %scan3A_774#7, %select_n3A_845 : vector<16xi1>, vector<16xf32>
      %select_n3A_857 = arith.select %or3A_855, %add3A_850, %select_n3A_846 : vector<16xi1>, vector<16xi32>
      %sort3A_858 = arith.constant dense<true> : vector<16xi1>
      %sort3A_859, %sort3A_860, %sort3A_861 = tpu.sort %select_n3A_856, %select_n3A_856 masked %sort3A_858 : (vector<16xf32>, vector<16xf32>, vector<16xi1>) -> (vector<16xi1>, vector<16xf32>, vector<16xf32>)
      %slice3A_862 = vector.extract_strided_slice %sort3A_860 {offsets = [0], sizes = [1], strides = [1]} : vector<16xf32> to vector<1xf32>
      %squeeze3A_863 = vector.extract %slice3A_862[0] : f32 from vector<1xf32>
      %broadcast_in_dim3A_864 = vector.broadcast %squeeze3A_863 : f32 to vector<16xf32>
      %eq3A_865 = arith.cmpf oeq, %select_n3A_856, %broadcast_in_dim3A_864 : vector<16xf32>
      %broadcast_in_dim3A_866 = arith.constant 16384 : i32
      %broadcast_in_dim3A_867 = vector.broadcast %broadcast_in_dim3A_866 : i32 to vector<16xi32>
      %select_n3A_868 = arith.select %eq3A_865, %select_n3A_857, %broadcast_in_dim3A_867 : vector<16xi1>, vector<16xi32>
      %sort3A_869 = arith.constant dense<true> : vector<16xi1>
      %sort3A_870, %sort3A_871, %sort3A_872 = tpu.sort %select_n3A_868, %select_n3A_868 masked %sort3A_869 : (vector<16xi32>, vector<16xi32>, vector<16xi1>) -> (vector<16xi1>, vector<16xi32>, vector<16xi32>)
      %slice3A_873 = vector.extract_strided_slice %sort3A_871 {offsets = [0], sizes = [1], strides = [1]} : vector<16xi32> to vector<1xi32>
      %squeeze3A_874 = vector.extract %slice3A_873[0] : i32 from vector<1xi32>
      %convert_element_type3A_875 = arith.sitofp %squeeze3A_874 : i32 to f32
      %mul3A_876 = arith.constant 7.812500e-03 : f32
      %mul3A_877 = arith.mulf %convert_element_type3A_875, %mul3A_876 : f32
      %and3A_878 = arith.constant 127 : i32
      %and3A_879 = arith.andi %squeeze3A_874, %and3A_878 : i32
      %convert_element_type3A_880 = arith.sitofp %and3A_879 : i32 to f32
      %eq3A_881 = arith.constant 10 : i32
      %eq3A_882 = vector.broadcast %eq3A_881 : i32 to vector<16xi32>
      %eq3A_883 = arith.cmpi eq, %iota3A, %eq3A_882 : vector<16xi32>
      %eq3A_884 = arith.constant 11 : i32
      %eq3A_885 = vector.broadcast %eq3A_884 : i32 to vector<16xi32>
      %eq3A_886 = arith.cmpi eq, %iota3A, %eq3A_885 : vector<16xi32>
      %broadcast_in_dim3A_887 = vector.broadcast %convert_element_type3A_880 : f32 to vector<16xf32>
      %select_n3A_888 = arith.select %eq3A_886, %broadcast_in_dim3A_887, %select_n3A_745 : vector<16xi1>, vector<16xf32>
      %broadcast_in_dim3A_889 = vector.broadcast %mul3A_877 : f32 to vector<16xf32>
      %select_n3A_890 = arith.select %eq3A_883, %broadcast_in_dim3A_889, %select_n3A_888 : vector<16xi1>, vector<16xf32>
      %mul3A_891 = arith.constant 8 : i32
      %mul3A_892 = arith.muli %scan3A_31, %mul3A_891 : i32
      %add3A_893 = arith.constant 6 : i32
      %add3A_894 = arith.addi %mul3A_892, %add3A_893 : i32
      %add3A_895 = arith.addi %mul3A_2, %add3A_894 : i32
      %dma_wait3A_896 = arith.constant 0 : i32
      %dma_wait3A_897 = tpu.memref_slice %arg2[%add3A_895, %dma_wait3A_896] : memref<4096x16384xf32, #tpu.memory_space<hbm>> -> memref<1x16384xf32, #tpu.memory_space<hbm>>
      %dma_wait3A_898 = tpu.memref_squeeze %dma_wait3A_897 : memref<1x16384xf32, #tpu.memory_space<hbm>> -> memref<16384xf32, #tpu.memory_space<hbm>>
      %dma_wait3A_899 = arith.constant 0 : i32
      %dma_wait3A_900 = tpu.memref_slice %arg2[%add3A_895, %dma_wait3A_899] : memref<4096x16384xf32, #tpu.memory_space<hbm>> -> memref<1x16384xf32, #tpu.memory_space<hbm>>
      %dma_wait3A_901 = tpu.memref_squeeze %dma_wait3A_900 : memref<1x16384xf32, #tpu.memory_space<hbm>> -> memref<16384xf32, #tpu.memory_space<hbm>>
      tpu.wait_dma2 semaphore(%arg11 : memref<!tpu.dma_semaphore, #tpu.memory_space<semaphore_mem>>) src(%dma_wait3A_901 : memref<16384xf32, #tpu.memory_space<hbm>>) dst(%arg6 : memref<16384xf32, #tpu.memory_space<vmem>>)
      %add3A_902 = arith.constant 4 : i32
      %add3A_903 = arith.addi %add3A_894, %add3A_902 : i32
      %sub3A_904 = arith.constant 1 : i32
      %sub3A_905 = arith.subi %add3A_903, %sub3A_904 : i32
      %lt3A_906 = arith.constant 88 : i32
      %lt3A_907 = arith.cmpi slt, %sub3A_905, %lt3A_906 : i32
      %convert_element_type3A_908 = arith.extui %lt3A_907 : i1 to i32
      %cond3A_909 = arith.constant 0 : i32
      %cond3A_910 = arith.cmpi ne, %convert_element_type3A_908, %cond3A_909 : i32
      scf.if %cond3A_910 {
        %add3A_1184 = arith.constant 4 : i32
        %add3A_1185 = arith.addi %add3A_895, %add3A_1184 : i32
        %sub3A_1186 = arith.constant 1 : i32
        %sub3A_1187 = arith.subi %add3A_1185, %sub3A_1186 : i32
        %dma_start3A_1188 = arith.constant 0 : i32
        %dma_start3A_1189 = tpu.memref_slice %arg2[%sub3A_1187, %dma_start3A_1188] : memref<4096x16384xf32, #tpu.memory_space<hbm>> -> memref<1x16384xf32, #tpu.memory_space<hbm>>
        %dma_start3A_1190 = tpu.memref_squeeze %dma_start3A_1189 : memref<1x16384xf32, #tpu.memory_space<hbm>> -> memref<16384xf32, #tpu.memory_space<hbm>>
        %dma_start3A_1191 = arith.constant 0 : i32
        %dma_start3A_1192 = tpu.memref_slice %arg2[%sub3A_1187, %dma_start3A_1191] : memref<4096x16384xf32, #tpu.memory_space<hbm>> -> memref<1x16384xf32, #tpu.memory_space<hbm>>
        %dma_start3A_1193 = tpu.memref_squeeze %dma_start3A_1192 : memref<1x16384xf32, #tpu.memory_space<hbm>> -> memref<16384xf32, #tpu.memory_space<hbm>>
        tpu.enqueue_dma source(%dma_start3A_1193 : memref<16384xf32, #tpu.memory_space<hbm>>) target(%arg5 : memref<16384xf32, #tpu.memory_space<vmem>>) target_semaphore(%arg10 : memref<!tpu.dma_semaphore, #tpu.memory_space<semaphore_mem>>)
      } else {
      }
      %broadcast_in_dim3A_911 = arith.constant 0x7F800000 : f32
      %broadcast_in_dim3A_912 = vector.broadcast %broadcast_in_dim3A_911 : f32 to vector<16xf32>
      %broadcast_in_dim3A_913 = arith.constant 0 : i32
      %broadcast_in_dim3A_914 = vector.broadcast %broadcast_in_dim3A_913 : i32 to vector<16xi32>
      %scan3A_915 = arith.constant 0 : i32
      %scan3A_916 = arith.constant 128 : i32
      %scan3A_917 = arith.addi %scan3A_915, %scan3A_916 : i32
      %scan3A_918 = arith.constant 1 : i32
      %scan3A_919:16 = scf.for %scan3A_1184 = %scan3A_915 to %scan3A_917 step %scan3A_918 iter_args(%scan3A_1185 = %broadcast_in_dim3A_912, %scan3A_1186 = %broadcast_in_dim3A_912, %scan3A_1187 = %broadcast_in_dim3A_912, %scan3A_1188 = %broadcast_in_dim3A_912, %scan3A_1189 = %broadcast_in_dim3A_912, %scan3A_1190 = %broadcast_in_dim3A_912, %scan3A_1191 = %broadcast_in_dim3A_912, %scan3A_1192 = %broadcast_in_dim3A_912, %scan3A_1193 = %broadcast_in_dim3A_914, %scan3A_1194 = %broadcast_in_dim3A_914, %scan3A_1195 = %broadcast_in_dim3A_914, %scan3A_1196 = %broadcast_in_dim3A_914, %scan3A_1197 = %broadcast_in_dim3A_914, %scan3A_1198 = %broadcast_in_dim3A_914, %scan3A_1199 = %broadcast_in_dim3A_914, %scan3A_1200 = %broadcast_in_dim3A_914) -> (vector<16xf32>, vector<16xf32>, vector<16xf32>, vector<16xf32>, vector<16xf32>, vector<16xf32>, vector<16xf32>, vector<16xf32>, vector<16xi32>, vector<16xi32>, vector<16xi32>, vector<16xi32>, vector<16xi32>, vector<16xi32>, vector<16xi32>, vector<16xi32>)  : i32 {
        %mul3A_1201 = arith.constant 8 : i32
        %mul3A_1202 = arith.muli %scan3A_1184, %mul3A_1201 : i32
        %add3A_1203 = arith.constant 0 : i32
        %add3A_1204 = arith.addi %mul3A_1202, %add3A_1203 : i32
        %mul3A_1205 = arith.constant 16 : i32
        %mul3A_1206 = arith.muli %add3A_1204, %mul3A_1205 : i32
        %get3A = arith.index_cast %mul3A_1206 : i32 to index
        %get3A_1207 = tpu.vector_load %arg6[%get3A] {strides = array<i32>} : memref<16384xf32, #tpu.memory_space<vmem>>, vector<16xf32>,
        %lt3A_1208 = arith.cmpf olt, %get3A_1207, %scan3A_1185 : vector<16xf32>
        %select_n3A_1209 = arith.select %lt3A_1208, %get3A_1207, %scan3A_1185 : vector<16xi1>, vector<16xf32>
        %broadcast_in_dim3A_1210 = vector.broadcast %add3A_1204 : i32 to vector<16xi32>
        %select_n3A_1211 = arith.select %lt3A_1208, %broadcast_in_dim3A_1210, %scan3A_1193 : vector<16xi1>, vector<16xi32>
        %mul3A_1212 = arith.constant 8 : i32
        %mul3A_1213 = arith.muli %scan3A_1184, %mul3A_1212 : i32
        %add3A_1214 = arith.constant 1 : i32
        %add3A_1215 = arith.addi %mul3A_1213, %add3A_1214 : i32
        %mul3A_1216 = arith.constant 16 : i32
        %mul3A_1217 = arith.muli %add3A_1215, %mul3A_1216 : i32
        %get3A_1218 = arith.index_cast %mul3A_1217 : i32 to index
        %get3A_1219 = tpu.vector_load %arg6[%get3A_1218] {strides = array<i32>} : memref<16384xf32, #tpu.memory_space<vmem>>, vector<16xf32>,
        %lt3A_1220 = arith.cmpf olt, %get3A_1219, %scan3A_1186 : vector<16xf32>
        %select_n3A_1221 = arith.select %lt3A_1220, %get3A_1219, %scan3A_1186 : vector<16xi1>, vector<16xf32>
        %broadcast_in_dim3A_1222 = vector.broadcast %add3A_1215 : i32 to vector<16xi32>
        %select_n3A_1223 = arith.select %lt3A_1220, %broadcast_in_dim3A_1222, %scan3A_1194 : vector<16xi1>, vector<16xi32>
        %mul3A_1224 = arith.constant 8 : i32
        %mul3A_1225 = arith.muli %scan3A_1184, %mul3A_1224 : i32
        %add3A_1226 = arith.constant 2 : i32
        %add3A_1227 = arith.addi %mul3A_1225, %add3A_1226 : i32
        %mul3A_1228 = arith.constant 16 : i32
        %mul3A_1229 = arith.muli %add3A_1227, %mul3A_1228 : i32
        %get3A_1230 = arith.index_cast %mul3A_1229 : i32 to index
        %get3A_1231 = tpu.vector_load %arg6[%get3A_1230] {strides = array<i32>} : memref<16384xf32, #tpu.memory_space<vmem>>, vector<16xf32>,
        %lt3A_1232 = arith.cmpf olt, %get3A_1231, %scan3A_1187 : vector<16xf32>
        %select_n3A_1233 = arith.select %lt3A_1232, %get3A_1231, %scan3A_1187 : vector<16xi1>, vector<16xf32>
        %broadcast_in_dim3A_1234 = vector.broadcast %add3A_1227 : i32 to vector<16xi32>
        %select_n3A_1235 = arith.select %lt3A_1232, %broadcast_in_dim3A_1234, %scan3A_1195 : vector<16xi1>, vector<16xi32>
        %mul3A_1236 = arith.constant 8 : i32
        %mul3A_1237 = arith.muli %scan3A_1184, %mul3A_1236 : i32
        %add3A_1238 = arith.constant 3 : i32
        %add3A_1239 = arith.addi %mul3A_1237, %add3A_1238 : i32
        %mul3A_1240 = arith.constant 16 : i32
        %mul3A_1241 = arith.muli %add3A_1239, %mul3A_1240 : i32
        %get3A_1242 = arith.index_cast %mul3A_1241 : i32 to index
        %get3A_1243 = tpu.vector_load %arg6[%get3A_1242] {strides = array<i32>} : memref<16384xf32, #tpu.memory_space<vmem>>, vector<16xf32>,
        %lt3A_1244 = arith.cmpf olt, %get3A_1243, %scan3A_1188 : vector<16xf32>
        %select_n3A_1245 = arith.select %lt3A_1244, %get3A_1243, %scan3A_1188 : vector<16xi1>, vector<16xf32>
        %broadcast_in_dim3A_1246 = vector.broadcast %add3A_1239 : i32 to vector<16xi32>
        %select_n3A_1247 = arith.select %lt3A_1244, %broadcast_in_dim3A_1246, %scan3A_1196 : vector<16xi1>, vector<16xi32>
        %mul3A_1248 = arith.constant 8 : i32
        %mul3A_1249 = arith.muli %scan3A_1184, %mul3A_1248 : i32
        %add3A_1250 = arith.constant 4 : i32
        %add3A_1251 = arith.addi %mul3A_1249, %add3A_1250 : i32
        %mul3A_1252 = arith.constant 16 : i32
        %mul3A_1253 = arith.muli %add3A_1251, %mul3A_1252 : i32
        %get3A_1254 = arith.index_cast %mul3A_1253 : i32 to index
        %get3A_1255 = tpu.vector_load %arg6[%get3A_1254] {strides = array<i32>} : memref<16384xf32, #tpu.memory_space<vmem>>, vector<16xf32>,
        %lt3A_1256 = arith.cmpf olt, %get3A_1255, %scan3A_1189 : vector<16xf32>
        %select_n3A_1257 = arith.select %lt3A_1256, %get3A_1255, %scan3A_1189 : vector<16xi1>, vector<16xf32>
        %broadcast_in_dim3A_1258 = vector.broadcast %add3A_1251 : i32 to vector<16xi32>
        %select_n3A_1259 = arith.select %lt3A_1256, %broadcast_in_dim3A_1258, %scan3A_1197 : vector<16xi1>, vector<16xi32>
        %mul3A_1260 = arith.constant 8 : i32
        %mul3A_1261 = arith.muli %scan3A_1184, %mul3A_1260 : i32
        %add3A_1262 = arith.constant 5 : i32
        %add3A_1263 = arith.addi %mul3A_1261, %add3A_1262 : i32
        %mul3A_1264 = arith.constant 16 : i32
        %mul3A_1265 = arith.muli %add3A_1263, %mul3A_1264 : i32
        %get3A_1266 = arith.index_cast %mul3A_1265 : i32 to index
        %get3A_1267 = tpu.vector_load %arg6[%get3A_1266] {strides = array<i32>} : memref<16384xf32, #tpu.memory_space<vmem>>, vector<16xf32>,
        %lt3A_1268 = arith.cmpf olt, %get3A_1267, %scan3A_1190 : vector<16xf32>
        %select_n3A_1269 = arith.select %lt3A_1268, %get3A_1267, %scan3A_1190 : vector<16xi1>, vector<16xf32>
        %broadcast_in_dim3A_1270 = vector.broadcast %add3A_1263 : i32 to vector<16xi32>
        %select_n3A_1271 = arith.select %lt3A_1268, %broadcast_in_dim3A_1270, %scan3A_1198 : vector<16xi1>, vector<16xi32>
        %mul3A_1272 = arith.constant 8 : i32
        %mul3A_1273 = arith.muli %scan3A_1184, %mul3A_1272 : i32
        %add3A_1274 = arith.constant 6 : i32
        %add3A_1275 = arith.addi %mul3A_1273, %add3A_1274 : i32
        %mul3A_1276 = arith.constant 16 : i32
        %mul3A_1277 = arith.muli %add3A_1275, %mul3A_1276 : i32
        %get3A_1278 = arith.index_cast %mul3A_1277 : i32 to index
        %get3A_1279 = tpu.vector_load %arg6[%get3A_1278] {strides = array<i32>} : memref<16384xf32, #tpu.memory_space<vmem>>, vector<16xf32>,
        %lt3A_1280 = arith.cmpf olt, %get3A_1279, %scan3A_1191 : vector<16xf32>
        %select_n3A_1281 = arith.select %lt3A_1280, %get3A_1279, %scan3A_1191 : vector<16xi1>, vector<16xf32>
        %broadcast_in_dim3A_1282 = vector.broadcast %add3A_1275 : i32 to vector<16xi32>
        %select_n3A_1283 = arith.select %lt3A_1280, %broadcast_in_dim3A_1282, %scan3A_1199 : vector<16xi1>, vector<16xi32>
        %mul3A_1284 = arith.constant 8 : i32
        %mul3A_1285 = arith.muli %scan3A_1184, %mul3A_1284 : i32
        %add3A_1286 = arith.constant 7 : i32
        %add3A_1287 = arith.addi %mul3A_1285, %add3A_1286 : i32
        %mul3A_1288 = arith.constant 16 : i32
        %mul3A_1289 = arith.muli %add3A_1287, %mul3A_1288 : i32
        %get3A_1290 = arith.index_cast %mul3A_1289 : i32 to index
        %get3A_1291 = tpu.vector_load %arg6[%get3A_1290] {strides = array<i32>} : memref<16384xf32, #tpu.memory_space<vmem>>, vector<16xf32>,
        %lt3A_1292 = arith.cmpf olt, %get3A_1291, %scan3A_1192 : vector<16xf32>
        %select_n3A_1293 = arith.select %lt3A_1292, %get3A_1291, %scan3A_1192 : vector<16xi1>, vector<16xf32>
        %broadcast_in_dim3A_1294 = vector.broadcast %add3A_1287 : i32 to vector<16xi32>
        %select_n3A_1295 = arith.select %lt3A_1292, %broadcast_in_dim3A_1294, %scan3A_1200 : vector<16xi1>, vector<16xi32>
        scf.yield %select_n3A_1209, %select_n3A_1221, %select_n3A_1233, %select_n3A_1245, %select_n3A_1257, %select_n3A_1269, %select_n3A_1281, %select_n3A_1293, %select_n3A_1211, %select_n3A_1223, %select_n3A_1235, %select_n3A_1247, %select_n3A_1259, %select_n3A_1271, %select_n3A_1283, %select_n3A_1295 : vector<16xf32>, vector<16xf32>, vector<16xf32>, vector<16xf32>, vector<16xf32>, vector<16xf32>, vector<16xf32>, vector<16xf32>, vector<16xi32>, vector<16xi32>, vector<16xi32>, vector<16xi32>, vector<16xi32>, vector<16xi32>, vector<16xi32>, vector<16xi32>
      }
      %scan3A_920 = arith.constant 128 : i32
      %iota3A_921 = tpu.iota {dimensions = array<i32: 0>} : vector<16xi32>
      %mul3A_922 = arith.constant 16 : i32
      %mul3A_923 = vector.broadcast %mul3A_922 : i32 to vector<16xi32>
      %mul3A_924 = arith.muli %scan3A_919#8, %mul3A_923 : vector<16xi32>
      %add3A_925 = arith.addi %mul3A_924, %iota3A_921 : vector<16xi32>
      %mul3A_926 = arith.constant 16 : i32
      %mul3A_927 = vector.broadcast %mul3A_926 : i32 to vector<16xi32>
      %mul3A_928 = arith.muli %scan3A_919#9, %mul3A_927 : vector<16xi32>
      %add3A_929 = arith.addi %mul3A_928, %iota3A_921 : vector<16xi32>
      %lt3A_930 = arith.cmpf olt, %scan3A_919#1, %scan3A_919#0 : vector<16xf32>
      %eq3A_931 = arith.cmpf oeq, %scan3A_919#1, %scan3A_919#0 : vector<16xf32>
      %lt3A_932 = arith.cmpi slt, %add3A_929, %add3A_925 : vector<16xi32>
      %and3A_933 = arith.andi %eq3A_931, %lt3A_932 : vector<16xi1>
      %or3A_934 = arith.ori %lt3A_930, %and3A_933 : vector<16xi1>
      %select_n3A_935 = arith.select %or3A_934, %scan3A_919#1, %scan3A_919#0 : vector<16xi1>, vector<16xf32>
      %select_n3A_936 = arith.select %or3A_934, %add3A_929, %add3A_925 : vector<16xi1>, vector<16xi32>
      %mul3A_937 = arith.constant 16 : i32
      %mul3A_938 = vector.broadcast %mul3A_937 : i32 to vector<16xi32>
      %mul3A_939 = arith.muli %scan3A_919#10, %mul3A_938 : vector<16xi32>
      %add3A_940 = arith.addi %mul3A_939, %iota3A_921 : vector<16xi32>
      %lt3A_941 = arith.cmpf olt, %scan3A_919#2, %select_n3A_935 : vector<16xf32>
      %eq3A_942 = arith.cmpf oeq, %scan3A_919#2, %select_n3A_935 : vector<16xf32>
      %lt3A_943 = arith.cmpi slt, %add3A_940, %select_n3A_936 : vector<16xi32>
      %and3A_944 = arith.andi %eq3A_942, %lt3A_943 : vector<16xi1>
      %or3A_945 = arith.ori %lt3A_941, %and3A_944 : vector<16xi1>
      %select_n3A_946 = arith.select %or3A_945, %scan3A_919#2, %select_n3A_935 : vector<16xi1>, vector<16xf32>
      %select_n3A_947 = arith.select %or3A_945, %add3A_940, %select_n3A_936 : vector<16xi1>, vector<16xi32>
      %mul3A_948 = arith.constant 16 : i32
      %mul3A_949 = vector.broadcast %mul3A_948 : i32 to vector<16xi32>
      %mul3A_950 = arith.muli %scan3A_919#11, %mul3A_949 : vector<16xi32>
      %add3A_951 = arith.addi %mul3A_950, %iota3A_921 : vector<16xi32>
      %lt3A_952 = arith.cmpf olt, %scan3A_919#3, %select_n3A_946 : vector<16xf32>
      %eq3A_953 = arith.cmpf oeq, %scan3A_919#3, %select_n3A_946 : vector<16xf32>
      %lt3A_954 = arith.cmpi slt, %add3A_951, %select_n3A_947 : vector<16xi32>
      %and3A_955 = arith.andi %eq3A_953, %lt3A_954 : vector<16xi1>
      %or3A_956 = arith.ori %lt3A_952, %and3A_955 : vector<16xi1>
      %select_n3A_957 = arith.select %or3A_956, %scan3A_919#3, %select_n3A_946 : vector<16xi1>, vector<16xf32>
      %select_n3A_958 = arith.select %or3A_956, %add3A_951, %select_n3A_947 : vector<16xi1>, vector<16xi32>
      %mul3A_959 = arith.constant 16 : i32
      %mul3A_960 = vector.broadcast %mul3A_959 : i32 to vector<16xi32>
      %mul3A_961 = arith.muli %scan3A_919#12, %mul3A_960 : vector<16xi32>
      %add3A_962 = arith.addi %mul3A_961, %iota3A_921 : vector<16xi32>
      %lt3A_963 = arith.cmpf olt, %scan3A_919#4, %select_n3A_957 : vector<16xf32>
      %eq3A_964 = arith.cmpf oeq, %scan3A_919#4, %select_n3A_957 : vector<16xf32>
      %lt3A_965 = arith.cmpi slt, %add3A_962, %select_n3A_958 : vector<16xi32>
      %and3A_966 = arith.andi %eq3A_964, %lt3A_965 : vector<16xi1>
      %or3A_967 = arith.ori %lt3A_963, %and3A_966 : vector<16xi1>
      %select_n3A_968 = arith.select %or3A_967, %scan3A_919#4, %select_n3A_957 : vector<16xi1>, vector<16xf32>
      %select_n3A_969 = arith.select %or3A_967, %add3A_962, %select_n3A_958 : vector<16xi1>, vector<16xi32>
      %mul3A_970 = arith.constant 16 : i32
      %mul3A_971 = vector.broadcast %mul3A_970 : i32 to vector<16xi32>
      %mul3A_972 = arith.muli %scan3A_919#13, %mul3A_971 : vector<16xi32>
      %add3A_973 = arith.addi %mul3A_972, %iota3A_921 : vector<16xi32>
      %lt3A_974 = arith.cmpf olt, %scan3A_919#5, %select_n3A_968 : vector<16xf32>
      %eq3A_975 = arith.cmpf oeq, %scan3A_919#5, %select_n3A_968 : vector<16xf32>
      %lt3A_976 = arith.cmpi slt, %add3A_973, %select_n3A_969 : vector<16xi32>
      %and3A_977 = arith.andi %eq3A_975, %lt3A_976 : vector<16xi1>
      %or3A_978 = arith.ori %lt3A_974, %and3A_977 : vector<16xi1>
      %select_n3A_979 = arith.select %or3A_978, %scan3A_919#5, %select_n3A_968 : vector<16xi1>, vector<16xf32>
      %select_n3A_980 = arith.select %or3A_978, %add3A_973, %select_n3A_969 : vector<16xi1>, vector<16xi32>
      %mul3A_981 = arith.constant 16 : i32
      %mul3A_982 = vector.broadcast %mul3A_981 : i32 to vector<16xi32>
      %mul3A_983 = arith.muli %scan3A_919#14, %mul3A_982 : vector<16xi32>
      %add3A_984 = arith.addi %mul3A_983, %iota3A_921 : vector<16xi32>
      %lt3A_985 = arith.cmpf olt, %scan3A_919#6, %select_n3A_979 : vector<16xf32>
      %eq3A_986 = arith.cmpf oeq, %scan3A_919#6, %select_n3A_979 : vector<16xf32>
      %lt3A_987 = arith.cmpi slt, %add3A_984, %select_n3A_980 : vector<16xi32>
      %and3A_988 = arith.andi %eq3A_986, %lt3A_987 : vector<16xi1>
      %or3A_989 = arith.ori %lt3A_985, %and3A_988 : vector<16xi1>
      %select_n3A_990 = arith.select %or3A_989, %scan3A_919#6, %select_n3A_979 : vector<16xi1>, vector<16xf32>
      %select_n3A_991 = arith.select %or3A_989, %add3A_984, %select_n3A_980 : vector<16xi1>, vector<16xi32>
      %mul3A_992 = arith.constant 16 : i32
      %mul3A_993 = vector.broadcast %mul3A_992 : i32 to vector<16xi32>
      %mul3A_994 = arith.muli %scan3A_919#15, %mul3A_993 : vector<16xi32>
      %add3A_995 = arith.addi %mul3A_994, %iota3A_921 : vector<16xi32>
      %lt3A_996 = arith.cmpf olt, %scan3A_919#7, %select_n3A_990 : vector<16xf32>
      %eq3A_997 = arith.cmpf oeq, %scan3A_919#7, %select_n3A_990 : vector<16xf32>
      %lt3A_998 = arith.cmpi slt, %add3A_995, %select_n3A_991 : vector<16xi32>
      %and3A_999 = arith.andi %eq3A_997, %lt3A_998 : vector<16xi1>
      %or3A_1000 = arith.ori %lt3A_996, %and3A_999 : vector<16xi1>
      %select_n3A_1001 = arith.select %or3A_1000, %scan3A_919#7, %select_n3A_990 : vector<16xi1>, vector<16xf32>
      %select_n3A_1002 = arith.select %or3A_1000, %add3A_995, %select_n3A_991 : vector<16xi1>, vector<16xi32>
      %sort3A_1003 = arith.constant dense<true> : vector<16xi1>
      %sort3A_1004, %sort3A_1005, %sort3A_1006 = tpu.sort %select_n3A_1001, %select_n3A_1001 masked %sort3A_1003 : (vector<16xf32>, vector<16xf32>, vector<16xi1>) -> (vector<16xi1>, vector<16xf32>, vector<16xf32>)
      %slice3A_1007 = vector.extract_strided_slice %sort3A_1005 {offsets = [0], sizes = [1], strides = [1]} : vector<16xf32> to vector<1xf32>
      %squeeze3A_1008 = vector.extract %slice3A_1007[0] : f32 from vector<1xf32>
      %broadcast_in_dim3A_1009 = vector.broadcast %squeeze3A_1008 : f32 to vector<16xf32>
      %eq3A_1010 = arith.cmpf oeq, %select_n3A_1001, %broadcast_in_dim3A_1009 : vector<16xf32>
      %broadcast_in_dim3A_1011 = arith.constant 16384 : i32
      %broadcast_in_dim3A_1012 = vector.broadcast %broadcast_in_dim3A_1011 : i32 to vector<16xi32>
      %select_n3A_1013 = arith.select %eq3A_1010, %select_n3A_1002, %broadcast_in_dim3A_1012 : vector<16xi1>, vector<16xi32>
      %sort3A_1014 = arith.constant dense<true> : vector<16xi1>
      %sort3A_1015, %sort3A_1016, %sort3A_1017 = tpu.sort %select_n3A_1013, %select_n3A_1013 masked %sort3A_1014 : (vector<16xi32>, vector<16xi32>, vector<16xi1>) -> (vector<16xi1>, vector<16xi32>, vector<16xi32>)
      %slice3A_1018 = vector.extract_strided_slice %sort3A_1016 {offsets = [0], sizes = [1], strides = [1]} : vector<16xi32> to vector<1xi32>
      %squeeze3A_1019 = vector.extract %slice3A_1018[0] : i32 from vector<1xi32>
      %convert_element_type3A_1020 = arith.sitofp %squeeze3A_1019 : i32 to f32
      %mul3A_1021 = arith.constant 7.812500e-03 : f32
      %mul3A_1022 = arith.mulf %convert_element_type3A_1020, %mul3A_1021 : f32
      %and3A_1023 = arith.constant 127 : i32
      %and3A_1024 = arith.andi %squeeze3A_1019, %and3A_1023 : i32
      %convert_element_type3A_1025 = arith.sitofp %and3A_1024 : i32 to f32
      %eq3A_1026 = arith.constant 12 : i32
      %eq3A_1027 = vector.broadcast %eq3A_1026 : i32 to vector<16xi32>
      %eq3A_1028 = arith.cmpi eq, %iota3A, %eq3A_1027 : vector<16xi32>
      %eq3A_1029 = arith.constant 13 : i32
      %eq3A_1030 = vector.broadcast %eq3A_1029 : i32 to vector<16xi32>
      %eq3A_1031 = arith.cmpi eq, %iota3A, %eq3A_1030 : vector<16xi32>
      %broadcast_in_dim3A_1032 = vector.broadcast %convert_element_type3A_1025 : f32 to vector<16xf32>
      %select_n3A_1033 = arith.select %eq3A_1031, %broadcast_in_dim3A_1032, %select_n3A_890 : vector<16xi1>, vector<16xf32>
      %broadcast_in_dim3A_1034 = vector.broadcast %mul3A_1022 : f32 to vector<16xf32>
      %select_n3A_1035 = arith.select %eq3A_1028, %broadcast_in_dim3A_1034, %select_n3A_1033 : vector<16xi1>, vector<16xf32>
      %mul3A_1036 = arith.constant 8 : i32
      %mul3A_1037 = arith.muli %scan3A_31, %mul3A_1036 : i32
      %add3A_1038 = arith.constant 7 : i32
      %add3A_1039 = arith.addi %mul3A_1037, %add3A_1038 : i32
      %add3A_1040 = arith.addi %mul3A_2, %add3A_1039 : i32
      %dma_wait3A_1041 = arith.constant 0 : i32
      %dma_wait3A_1042 = tpu.memref_slice %arg2[%add3A_1040, %dma_wait3A_1041] : memref<4096x16384xf32, #tpu.memory_space<hbm>> -> memref<1x16384xf32, #tpu.memory_space<hbm>>
      %dma_wait3A_1043 = tpu.memref_squeeze %dma_wait3A_1042 : memref<1x16384xf32, #tpu.memory_space<hbm>> -> memref<16384xf32, #tpu.memory_space<hbm>>
      %dma_wait3A_1044 = arith.constant 0 : i32
      %dma_wait3A_1045 = tpu.memref_slice %arg2[%add3A_1040, %dma_wait3A_1044] : memref<4096x16384xf32, #tpu.memory_space<hbm>> -> memref<1x16384xf32, #tpu.memory_space<hbm>>
      %dma_wait3A_1046 = tpu.memref_squeeze %dma_wait3A_1045 : memref<1x16384xf32, #tpu.memory_space<hbm>> -> memref<16384xf32, #tpu.memory_space<hbm>>
      tpu.wait_dma2 semaphore(%arg12 : memref<!tpu.dma_semaphore, #tpu.memory_space<semaphore_mem>>) src(%dma_wait3A_1046 : memref<16384xf32, #tpu.memory_space<hbm>>) dst(%arg7 : memref<16384xf32, #tpu.memory_space<vmem>>)
      %add3A_1047 = arith.constant 4 : i32
      %add3A_1048 = arith.addi %add3A_1039, %add3A_1047 : i32
      %sub3A_1049 = arith.constant 1 : i32
      %sub3A_1050 = arith.subi %add3A_1048, %sub3A_1049 : i32
      %lt3A_1051 = arith.constant 88 : i32
      %lt3A_1052 = arith.cmpi slt, %sub3A_1050, %lt3A_1051 : i32
      %convert_element_type3A_1053 = arith.extui %lt3A_1052 : i1 to i32
      %cond3A_1054 = arith.constant 0 : i32
      %cond3A_1055 = arith.cmpi ne, %convert_element_type3A_1053, %cond3A_1054 : i32
      scf.if %cond3A_1055 {
        %add3A_1184 = arith.constant 4 : i32
        %add3A_1185 = arith.addi %add3A_1040, %add3A_1184 : i32
        %sub3A_1186 = arith.constant 1 : i32
        %sub3A_1187 = arith.subi %add3A_1185, %sub3A_1186 : i32
        %dma_start3A_1188 = arith.constant 0 : i32
        %dma_start3A_1189 = tpu.memref_slice %arg2[%sub3A_1187, %dma_start3A_1188] : memref<4096x16384xf32, #tpu.memory_space<hbm>> -> memref<1x16384xf32, #tpu.memory_space<hbm>>
        %dma_start3A_1190 = tpu.memref_squeeze %dma_start3A_1189 : memref<1x16384xf32, #tpu.memory_space<hbm>> -> memref<16384xf32, #tpu.memory_space<hbm>>
        %dma_start3A_1191 = arith.constant 0 : i32
        %dma_start3A_1192 = tpu.memref_slice %arg2[%sub3A_1187, %dma_start3A_1191] : memref<4096x16384xf32, #tpu.memory_space<hbm>> -> memref<1x16384xf32, #tpu.memory_space<hbm>>
        %dma_start3A_1193 = tpu.memref_squeeze %dma_start3A_1192 : memref<1x16384xf32, #tpu.memory_space<hbm>> -> memref<16384xf32, #tpu.memory_space<hbm>>
        tpu.enqueue_dma source(%dma_start3A_1193 : memref<16384xf32, #tpu.memory_space<hbm>>) target(%arg6 : memref<16384xf32, #tpu.memory_space<vmem>>) target_semaphore(%arg11 : memref<!tpu.dma_semaphore, #tpu.memory_space<semaphore_mem>>)
      } else {
      }
      %broadcast_in_dim3A_1056 = arith.constant 0x7F800000 : f32
      %broadcast_in_dim3A_1057 = vector.broadcast %broadcast_in_dim3A_1056 : f32 to vector<16xf32>
      %broadcast_in_dim3A_1058 = arith.constant 0 : i32
      %broadcast_in_dim3A_1059 = vector.broadcast %broadcast_in_dim3A_1058 : i32 to vector<16xi32>
      %scan3A_1060 = arith.constant 0 : i32
      %scan3A_1061 = arith.constant 128 : i32
      %scan3A_1062 = arith.addi %scan3A_1060, %scan3A_1061 : i32
      %scan3A_1063 = arith.constant 1 : i32
      %scan3A_1064:16 = scf.for %scan3A_1184 = %scan3A_1060 to %scan3A_1062 step %scan3A_1063 iter_args(%scan3A_1185 = %broadcast_in_dim3A_1057, %scan3A_1186 = %broadcast_in_dim3A_1057, %scan3A_1187 = %broadcast_in_dim3A_1057, %scan3A_1188 = %broadcast_in_dim3A_1057, %scan3A_1189 = %broadcast_in_dim3A_1057, %scan3A_1190 = %broadcast_in_dim3A_1057, %scan3A_1191 = %broadcast_in_dim3A_1057, %scan3A_1192 = %broadcast_in_dim3A_1057, %scan3A_1193 = %broadcast_in_dim3A_1059, %scan3A_1194 = %broadcast_in_dim3A_1059, %scan3A_1195 = %broadcast_in_dim3A_1059, %scan3A_1196 = %broadcast_in_dim3A_1059, %scan3A_1197 = %broadcast_in_dim3A_1059, %scan3A_1198 = %broadcast_in_dim3A_1059, %scan3A_1199 = %broadcast_in_dim3A_1059, %scan3A_1200 = %broadcast_in_dim3A_1059) -> (vector<16xf32>, vector<16xf32>, vector<16xf32>, vector<16xf32>, vector<16xf32>, vector<16xf32>, vector<16xf32>, vector<16xf32>, vector<16xi32>, vector<16xi32>, vector<16xi32>, vector<16xi32>, vector<16xi32>, vector<16xi32>, vector<16xi32>, vector<16xi32>)  : i32 {
        %mul3A_1201 = arith.constant 8 : i32
        %mul3A_1202 = arith.muli %scan3A_1184, %mul3A_1201 : i32
        %add3A_1203 = arith.constant 0 : i32
        %add3A_1204 = arith.addi %mul3A_1202, %add3A_1203 : i32
        %mul3A_1205 = arith.constant 16 : i32
        %mul3A_1206 = arith.muli %add3A_1204, %mul3A_1205 : i32
        %get3A = arith.index_cast %mul3A_1206 : i32 to index
        %get3A_1207 = tpu.vector_load %arg7[%get3A] {strides = array<i32>} : memref<16384xf32, #tpu.memory_space<vmem>>, vector<16xf32>,
        %lt3A_1208 = arith.cmpf olt, %get3A_1207, %scan3A_1185 : vector<16xf32>
        %select_n3A_1209 = arith.select %lt3A_1208, %get3A_1207, %scan3A_1185 : vector<16xi1>, vector<16xf32>
        %broadcast_in_dim3A_1210 = vector.broadcast %add3A_1204 : i32 to vector<16xi32>
        %select_n3A_1211 = arith.select %lt3A_1208, %broadcast_in_dim3A_1210, %scan3A_1193 : vector<16xi1>, vector<16xi32>
        %mul3A_1212 = arith.constant 8 : i32
        %mul3A_1213 = arith.muli %scan3A_1184, %mul3A_1212 : i32
        %add3A_1214 = arith.constant 1 : i32
        %add3A_1215 = arith.addi %mul3A_1213, %add3A_1214 : i32
        %mul3A_1216 = arith.constant 16 : i32
        %mul3A_1217 = arith.muli %add3A_1215, %mul3A_1216 : i32
        %get3A_1218 = arith.index_cast %mul3A_1217 : i32 to index
        %get3A_1219 = tpu.vector_load %arg7[%get3A_1218] {strides = array<i32>} : memref<16384xf32, #tpu.memory_space<vmem>>, vector<16xf32>,
        %lt3A_1220 = arith.cmpf olt, %get3A_1219, %scan3A_1186 : vector<16xf32>
        %select_n3A_1221 = arith.select %lt3A_1220, %get3A_1219, %scan3A_1186 : vector<16xi1>, vector<16xf32>
        %broadcast_in_dim3A_1222 = vector.broadcast %add3A_1215 : i32 to vector<16xi32>
        %select_n3A_1223 = arith.select %lt3A_1220, %broadcast_in_dim3A_1222, %scan3A_1194 : vector<16xi1>, vector<16xi32>
        %mul3A_1224 = arith.constant 8 : i32
        %mul3A_1225 = arith.muli %scan3A_1184, %mul3A_1224 : i32
        %add3A_1226 = arith.constant 2 : i32
        %add3A_1227 = arith.addi %mul3A_1225, %add3A_1226 : i32
        %mul3A_1228 = arith.constant 16 : i32
        %mul3A_1229 = arith.muli %add3A_1227, %mul3A_1228 : i32
        %get3A_1230 = arith.index_cast %mul3A_1229 : i32 to index
        %get3A_1231 = tpu.vector_load %arg7[%get3A_1230] {strides = array<i32>} : memref<16384xf32, #tpu.memory_space<vmem>>, vector<16xf32>,
        %lt3A_1232 = arith.cmpf olt, %get3A_1231, %scan3A_1187 : vector<16xf32>
        %select_n3A_1233 = arith.select %lt3A_1232, %get3A_1231, %scan3A_1187 : vector<16xi1>, vector<16xf32>
        %broadcast_in_dim3A_1234 = vector.broadcast %add3A_1227 : i32 to vector<16xi32>
        %select_n3A_1235 = arith.select %lt3A_1232, %broadcast_in_dim3A_1234, %scan3A_1195 : vector<16xi1>, vector<16xi32>
        %mul3A_1236 = arith.constant 8 : i32
        %mul3A_1237 = arith.muli %scan3A_1184, %mul3A_1236 : i32
        %add3A_1238 = arith.constant 3 : i32
        %add3A_1239 = arith.addi %mul3A_1237, %add3A_1238 : i32
        %mul3A_1240 = arith.constant 16 : i32
        %mul3A_1241 = arith.muli %add3A_1239, %mul3A_1240 : i32
        %get3A_1242 = arith.index_cast %mul3A_1241 : i32 to index
        %get3A_1243 = tpu.vector_load %arg7[%get3A_1242] {strides = array<i32>} : memref<16384xf32, #tpu.memory_space<vmem>>, vector<16xf32>,
        %lt3A_1244 = arith.cmpf olt, %get3A_1243, %scan3A_1188 : vector<16xf32>
        %select_n3A_1245 = arith.select %lt3A_1244, %get3A_1243, %scan3A_1188 : vector<16xi1>, vector<16xf32>
        %broadcast_in_dim3A_1246 = vector.broadcast %add3A_1239 : i32 to vector<16xi32>
        %select_n3A_1247 = arith.select %lt3A_1244, %broadcast_in_dim3A_1246, %scan3A_1196 : vector<16xi1>, vector<16xi32>
        %mul3A_1248 = arith.constant 8 : i32
        %mul3A_1249 = arith.muli %scan3A_1184, %mul3A_1248 : i32
        %add3A_1250 = arith.constant 4 : i32
        %add3A_1251 = arith.addi %mul3A_1249, %add3A_1250 : i32
        %mul3A_1252 = arith.constant 16 : i32
        %mul3A_1253 = arith.muli %add3A_1251, %mul3A_1252 : i32
        %get3A_1254 = arith.index_cast %mul3A_1253 : i32 to index
        %get3A_1255 = tpu.vector_load %arg7[%get3A_1254] {strides = array<i32>} : memref<16384xf32, #tpu.memory_space<vmem>>, vector<16xf32>,
        %lt3A_1256 = arith.cmpf olt, %get3A_1255, %scan3A_1189 : vector<16xf32>
        %select_n3A_1257 = arith.select %lt3A_1256, %get3A_1255, %scan3A_1189 : vector<16xi1>, vector<16xf32>
        %broadcast_in_dim3A_1258 = vector.broadcast %add3A_1251 : i32 to vector<16xi32>
        %select_n3A_1259 = arith.select %lt3A_1256, %broadcast_in_dim3A_1258, %scan3A_1197 : vector<16xi1>, vector<16xi32>
        %mul3A_1260 = arith.constant 8 : i32
        %mul3A_1261 = arith.muli %scan3A_1184, %mul3A_1260 : i32
        %add3A_1262 = arith.constant 5 : i32
        %add3A_1263 = arith.addi %mul3A_1261, %add3A_1262 : i32
        %mul3A_1264 = arith.constant 16 : i32
        %mul3A_1265 = arith.muli %add3A_1263, %mul3A_1264 : i32
        %get3A_1266 = arith.index_cast %mul3A_1265 : i32 to index
        %get3A_1267 = tpu.vector_load %arg7[%get3A_1266] {strides = array<i32>} : memref<16384xf32, #tpu.memory_space<vmem>>, vector<16xf32>,
        %lt3A_1268 = arith.cmpf olt, %get3A_1267, %scan3A_1190 : vector<16xf32>
        %select_n3A_1269 = arith.select %lt3A_1268, %get3A_1267, %scan3A_1190 : vector<16xi1>, vector<16xf32>
        %broadcast_in_dim3A_1270 = vector.broadcast %add3A_1263 : i32 to vector<16xi32>
        %select_n3A_1271 = arith.select %lt3A_1268, %broadcast_in_dim3A_1270, %scan3A_1198 : vector<16xi1>, vector<16xi32>
        %mul3A_1272 = arith.constant 8 : i32
        %mul3A_1273 = arith.muli %scan3A_1184, %mul3A_1272 : i32
        %add3A_1274 = arith.constant 6 : i32
        %add3A_1275 = arith.addi %mul3A_1273, %add3A_1274 : i32
        %mul3A_1276 = arith.constant 16 : i32
        %mul3A_1277 = arith.muli %add3A_1275, %mul3A_1276 : i32
        %get3A_1278 = arith.index_cast %mul3A_1277 : i32 to index
        %get3A_1279 = tpu.vector_load %arg7[%get3A_1278] {strides = array<i32>} : memref<16384xf32, #tpu.memory_space<vmem>>, vector<16xf32>,
        %lt3A_1280 = arith.cmpf olt, %get3A_1279, %scan3A_1191 : vector<16xf32>
        %select_n3A_1281 = arith.select %lt3A_1280, %get3A_1279, %scan3A_1191 : vector<16xi1>, vector<16xf32>
        %broadcast_in_dim3A_1282 = vector.broadcast %add3A_1275 : i32 to vector<16xi32>
        %select_n3A_1283 = arith.select %lt3A_1280, %broadcast_in_dim3A_1282, %scan3A_1199 : vector<16xi1>, vector<16xi32>
        %mul3A_1284 = arith.constant 8 : i32
        %mul3A_1285 = arith.muli %scan3A_1184, %mul3A_1284 : i32
        %add3A_1286 = arith.constant 7 : i32
        %add3A_1287 = arith.addi %mul3A_1285, %add3A_1286 : i32
        %mul3A_1288 = arith.constant 16 : i32
        %mul3A_1289 = arith.muli %add3A_1287, %mul3A_1288 : i32
        %get3A_1290 = arith.index_cast %mul3A_1289 : i32 to index
        %get3A_1291 = tpu.vector_load %arg7[%get3A_1290] {strides = array<i32>} : memref<16384xf32, #tpu.memory_space<vmem>>, vector<16xf32>,
        %lt3A_1292 = arith.cmpf olt, %get3A_1291, %scan3A_1192 : vector<16xf32>
        %select_n3A_1293 = arith.select %lt3A_1292, %get3A_1291, %scan3A_1192 : vector<16xi1>, vector<16xf32>
        %broadcast_in_dim3A_1294 = vector.broadcast %add3A_1287 : i32 to vector<16xi32>
        %select_n3A_1295 = arith.select %lt3A_1292, %broadcast_in_dim3A_1294, %scan3A_1200 : vector<16xi1>, vector<16xi32>
        scf.yield %select_n3A_1209, %select_n3A_1221, %select_n3A_1233, %select_n3A_1245, %select_n3A_1257, %select_n3A_1269, %select_n3A_1281, %select_n3A_1293, %select_n3A_1211, %select_n3A_1223, %select_n3A_1235, %select_n3A_1247, %select_n3A_1259, %select_n3A_1271, %select_n3A_1283, %select_n3A_1295 : vector<16xf32>, vector<16xf32>, vector<16xf32>, vector<16xf32>, vector<16xf32>, vector<16xf32>, vector<16xf32>, vector<16xf32>, vector<16xi32>, vector<16xi32>, vector<16xi32>, vector<16xi32>, vector<16xi32>, vector<16xi32>, vector<16xi32>, vector<16xi32>
      }
      %scan3A_1065 = arith.constant 128 : i32
      %iota3A_1066 = tpu.iota {dimensions = array<i32: 0>} : vector<16xi32>
      %mul3A_1067 = arith.constant 16 : i32
      %mul3A_1068 = vector.broadcast %mul3A_1067 : i32 to vector<16xi32>
      %mul3A_1069 = arith.muli %scan3A_1064#8, %mul3A_1068 : vector<16xi32>
      %add3A_1070 = arith.addi %mul3A_1069, %iota3A_1066 : vector<16xi32>
      %mul3A_1071 = arith.constant 16 : i32
      %mul3A_1072 = vector.broadcast %mul3A_1071 : i32 to vector<16xi32>
      %mul3A_1073 = arith.muli %scan3A_1064#9, %mul3A_1072 : vector<16xi32>
      %add3A_1074 = arith.addi %mul3A_1073, %iota3A_1066 : vector<16xi32>
      %lt3A_1075 = arith.cmpf olt, %scan3A_1064#1, %scan3A_1064#0 : vector<16xf32>
      %eq3A_1076 = arith.cmpf oeq, %scan3A_1064#1, %scan3A_1064#0 : vector<16xf32>
      %lt3A_1077 = arith.cmpi slt, %add3A_1074, %add3A_1070 : vector<16xi32>
      %and3A_1078 = arith.andi %eq3A_1076, %lt3A_1077 : vector<16xi1>
      %or3A_1079 = arith.ori %lt3A_1075, %and3A_1078 : vector<16xi1>
      %select_n3A_1080 = arith.select %or3A_1079, %scan3A_1064#1, %scan3A_1064#0 : vector<16xi1>, vector<16xf32>
      %select_n3A_1081 = arith.select %or3A_1079, %add3A_1074, %add3A_1070 : vector<16xi1>, vector<16xi32>
      %mul3A_1082 = arith.constant 16 : i32
      %mul3A_1083 = vector.broadcast %mul3A_1082 : i32 to vector<16xi32>
      %mul3A_1084 = arith.muli %scan3A_1064#10, %mul3A_1083 : vector<16xi32>
      %add3A_1085 = arith.addi %mul3A_1084, %iota3A_1066 : vector<16xi32>
      %lt3A_1086 = arith.cmpf olt, %scan3A_1064#2, %select_n3A_1080 : vector<16xf32>
      %eq3A_1087 = arith.cmpf oeq, %scan3A_1064#2, %select_n3A_1080 : vector<16xf32>
      %lt3A_1088 = arith.cmpi slt, %add3A_1085, %select_n3A_1081 : vector<16xi32>
      %and3A_1089 = arith.andi %eq3A_1087, %lt3A_1088 : vector<16xi1>
      %or3A_1090 = arith.ori %lt3A_1086, %and3A_1089 : vector<16xi1>
      %select_n3A_1091 = arith.select %or3A_1090, %scan3A_1064#2, %select_n3A_1080 : vector<16xi1>, vector<16xf32>
      %select_n3A_1092 = arith.select %or3A_1090, %add3A_1085, %select_n3A_1081 : vector<16xi1>, vector<16xi32>
      %mul3A_1093 = arith.constant 16 : i32
      %mul3A_1094 = vector.broadcast %mul3A_1093 : i32 to vector<16xi32>
      %mul3A_1095 = arith.muli %scan3A_1064#11, %mul3A_1094 : vector<16xi32>
      %add3A_1096 = arith.addi %mul3A_1095, %iota3A_1066 : vector<16xi32>
      %lt3A_1097 = arith.cmpf olt, %scan3A_1064#3, %select_n3A_1091 : vector<16xf32>
      %eq3A_1098 = arith.cmpf oeq, %scan3A_1064#3, %select_n3A_1091 : vector<16xf32>
      %lt3A_1099 = arith.cmpi slt, %add3A_1096, %select_n3A_1092 : vector<16xi32>
      %and3A_1100 = arith.andi %eq3A_1098, %lt3A_1099 : vector<16xi1>
      %or3A_1101 = arith.ori %lt3A_1097, %and3A_1100 : vector<16xi1>
      %select_n3A_1102 = arith.select %or3A_1101, %scan3A_1064#3, %select_n3A_1091 : vector<16xi1>, vector<16xf32>
      %select_n3A_1103 = arith.select %or3A_1101, %add3A_1096, %select_n3A_1092 : vector<16xi1>, vector<16xi32>
      %mul3A_1104 = arith.constant 16 : i32
      %mul3A_1105 = vector.broadcast %mul3A_1104 : i32 to vector<16xi32>
      %mul3A_1106 = arith.muli %scan3A_1064#12, %mul3A_1105 : vector<16xi32>
      %add3A_1107 = arith.addi %mul3A_1106, %iota3A_1066 : vector<16xi32>
      %lt3A_1108 = arith.cmpf olt, %scan3A_1064#4, %select_n3A_1102 : vector<16xf32>
      %eq3A_1109 = arith.cmpf oeq, %scan3A_1064#4, %select_n3A_1102 : vector<16xf32>
      %lt3A_1110 = arith.cmpi slt, %add3A_1107, %select_n3A_1103 : vector<16xi32>
      %and3A_1111 = arith.andi %eq3A_1109, %lt3A_1110 : vector<16xi1>
      %or3A_1112 = arith.ori %lt3A_1108, %and3A_1111 : vector<16xi1>
      %select_n3A_1113 = arith.select %or3A_1112, %scan3A_1064#4, %select_n3A_1102 : vector<16xi1>, vector<16xf32>
      %select_n3A_1114 = arith.select %or3A_1112, %add3A_1107, %select_n3A_1103 : vector<16xi1>, vector<16xi32>
      %mul3A_1115 = arith.constant 16 : i32
      %mul3A_1116 = vector.broadcast %mul3A_1115 : i32 to vector<16xi32>
      %mul3A_1117 = arith.muli %scan3A_1064#13, %mul3A_1116 : vector<16xi32>
      %add3A_1118 = arith.addi %mul3A_1117, %iota3A_1066 : vector<16xi32>
      %lt3A_1119 = arith.cmpf olt, %scan3A_1064#5, %select_n3A_1113 : vector<16xf32>
      %eq3A_1120 = arith.cmpf oeq, %scan3A_1064#5, %select_n3A_1113 : vector<16xf32>
      %lt3A_1121 = arith.cmpi slt, %add3A_1118, %select_n3A_1114 : vector<16xi32>
      %and3A_1122 = arith.andi %eq3A_1120, %lt3A_1121 : vector<16xi1>
      %or3A_1123 = arith.ori %lt3A_1119, %and3A_1122 : vector<16xi1>
      %select_n3A_1124 = arith.select %or3A_1123, %scan3A_1064#5, %select_n3A_1113 : vector<16xi1>, vector<16xf32>
      %select_n3A_1125 = arith.select %or3A_1123, %add3A_1118, %select_n3A_1114 : vector<16xi1>, vector<16xi32>
      %mul3A_1126 = arith.constant 16 : i32
      %mul3A_1127 = vector.broadcast %mul3A_1126 : i32 to vector<16xi32>
      %mul3A_1128 = arith.muli %scan3A_1064#14, %mul3A_1127 : vector<16xi32>
      %add3A_1129 = arith.addi %mul3A_1128, %iota3A_1066 : vector<16xi32>
      %lt3A_1130 = arith.cmpf olt, %scan3A_1064#6, %select_n3A_1124 : vector<16xf32>
      %eq3A_1131 = arith.cmpf oeq, %scan3A_1064#6, %select_n3A_1124 : vector<16xf32>
      %lt3A_1132 = arith.cmpi slt, %add3A_1129, %select_n3A_1125 : vector<16xi32>
      %and3A_1133 = arith.andi %eq3A_1131, %lt3A_1132 : vector<16xi1>
      %or3A_1134 = arith.ori %lt3A_1130, %and3A_1133 : vector<16xi1>
      %select_n3A_1135 = arith.select %or3A_1134, %scan3A_1064#6, %select_n3A_1124 : vector<16xi1>, vector<16xf32>
      %select_n3A_1136 = arith.select %or3A_1134, %add3A_1129, %select_n3A_1125 : vector<16xi1>, vector<16xi32>
      %mul3A_1137 = arith.constant 16 : i32
      %mul3A_1138 = vector.broadcast %mul3A_1137 : i32 to vector<16xi32>
      %mul3A_1139 = arith.muli %scan3A_1064#15, %mul3A_1138 : vector<16xi32>
      %add3A_1140 = arith.addi %mul3A_1139, %iota3A_1066 : vector<16xi32>
      %lt3A_1141 = arith.cmpf olt, %scan3A_1064#7, %select_n3A_1135 : vector<16xf32>
      %eq3A_1142 = arith.cmpf oeq, %scan3A_1064#7, %select_n3A_1135 : vector<16xf32>
      %lt3A_1143 = arith.cmpi slt, %add3A_1140, %select_n3A_1136 : vector<16xi32>
      %and3A_1144 = arith.andi %eq3A_1142, %lt3A_1143 : vector<16xi1>
      %or3A_1145 = arith.ori %lt3A_1141, %and3A_1144 : vector<16xi1>
      %select_n3A_1146 = arith.select %or3A_1145, %scan3A_1064#7, %select_n3A_1135 : vector<16xi1>, vector<16xf32>
      %select_n3A_1147 = arith.select %or3A_1145, %add3A_1140, %select_n3A_1136 : vector<16xi1>, vector<16xi32>
      %sort3A_1148 = arith.constant dense<true> : vector<16xi1>
      %sort3A_1149, %sort3A_1150, %sort3A_1151 = tpu.sort %select_n3A_1146, %select_n3A_1146 masked %sort3A_1148 : (vector<16xf32>, vector<16xf32>, vector<16xi1>) -> (vector<16xi1>, vector<16xf32>, vector<16xf32>)
      %slice3A_1152 = vector.extract_strided_slice %sort3A_1150 {offsets = [0], sizes = [1], strides = [1]} : vector<16xf32> to vector<1xf32>
      %squeeze3A_1153 = vector.extract %slice3A_1152[0] : f32 from vector<1xf32>
      %broadcast_in_dim3A_1154 = vector.broadcast %squeeze3A_1153 : f32 to vector<16xf32>
      %eq3A_1155 = arith.cmpf oeq, %select_n3A_1146, %broadcast_in_dim3A_1154 : vector<16xf32>
      %broadcast_in_dim3A_1156 = arith.constant 16384 : i32
      %broadcast_in_dim3A_1157 = vector.broadcast %broadcast_in_dim3A_1156 : i32 to vector<16xi32>
      %select_n3A_1158 = arith.select %eq3A_1155, %select_n3A_1147, %broadcast_in_dim3A_1157 : vector<16xi1>, vector<16xi32>
      %sort3A_1159 = arith.constant dense<true> : vector<16xi1>
      %sort3A_1160, %sort3A_1161, %sort3A_1162 = tpu.sort %select_n3A_1158, %select_n3A_1158 masked %sort3A_1159 : (vector<16xi32>, vector<16xi32>, vector<16xi1>) -> (vector<16xi1>, vector<16xi32>, vector<16xi32>)
      %slice3A_1163 = vector.extract_strided_slice %sort3A_1161 {offsets = [0], sizes = [1], strides = [1]} : vector<16xi32> to vector<1xi32>
      %squeeze3A_1164 = vector.extract %slice3A_1163[0] : i32 from vector<1xi32>
      %convert_element_type3A_1165 = arith.sitofp %squeeze3A_1164 : i32 to f32
      %mul3A_1166 = arith.constant 7.812500e-03 : f32
      %mul3A_1167 = arith.mulf %convert_element_type3A_1165, %mul3A_1166 : f32
      %and3A_1168 = arith.constant 127 : i32
      %and3A_1169 = arith.andi %squeeze3A_1164, %and3A_1168 : i32
      %convert_element_type3A_1170 = arith.sitofp %and3A_1169 : i32 to f32
      %eq3A_1171 = arith.constant 14 : i32
      %eq3A_1172 = vector.broadcast %eq3A_1171 : i32 to vector<16xi32>
      %eq3A_1173 = arith.cmpi eq, %iota3A, %eq3A_1172 : vector<16xi32>
      %eq3A_1174 = arith.constant 15 : i32
      %eq3A_1175 = vector.broadcast %eq3A_1174 : i32 to vector<16xi32>
      %eq3A_1176 = arith.cmpi eq, %iota3A, %eq3A_1175 : vector<16xi32>
      %broadcast_in_dim3A_1177 = vector.broadcast %convert_element_type3A_1170 : f32 to vector<16xf32>
      %select_n3A_1178 = arith.select %eq3A_1176, %broadcast_in_dim3A_1177, %select_n3A_1035 : vector<16xi1>, vector<16xf32>
      %broadcast_in_dim3A_1179 = vector.broadcast %mul3A_1167 : f32 to vector<16xf32>
      %select_n3A_1180 = arith.select %eq3A_1173, %broadcast_in_dim3A_1179, %select_n3A_1178 : vector<16xi1>, vector<16xf32>
      %mul3A_1181 = arith.constant 16 : i32
      %mul3A_1182 = arith.muli %scan3A_31, %mul3A_1181 : i32
      %swap3A = arith.index_cast %mul3A_1182 : i32 to index
      %swap3A_1183 = tpu.vector_load %arg8[%swap3A] {strides = array<i32>} : memref<176xf32, #tpu.memory_space<vmem>>, vector<16xf32>,
      tpu.vector_store %arg8[%swap3A], %select_n3A_1180 {strides = array<i32>} : memref<176xf32, #tpu.memory_space<vmem>>, vector<16xf32>,
    }
    %scan3A_30 = arith.constant 11 : i32
    "tpu.region"() ({
      %run_scoped3A = tpu.sem_alloc : memref<!tpu.dma_semaphore, #tpu.memory_space<semaphore_mem>>
      %dma_start3A_31 = arith.constant 0 : i32
      %dma_start3A_32 = tpu.memref_slice %arg3[%add3A, %dma_start3A_31] : memref<32x176xf32, #tpu.memory_space<hbm>> -> memref<1x176xf32, #tpu.memory_space<hbm>>
      %dma_start3A_33 = tpu.memref_squeeze %dma_start3A_32 : memref<1x176xf32, #tpu.memory_space<hbm>> -> memref<176xf32, #tpu.memory_space<hbm>>
      %dma_start3A_34 = arith.constant 0 : i32
      %dma_start3A_35 = tpu.memref_slice %arg3[%add3A, %dma_start3A_34] : memref<32x176xf32, #tpu.memory_space<hbm>> -> memref<1x176xf32, #tpu.memory_space<hbm>>
      %dma_start3A_36 = tpu.memref_squeeze %dma_start3A_35 : memref<1x176xf32, #tpu.memory_space<hbm>> -> memref<176xf32, #tpu.memory_space<hbm>>
      tpu.enqueue_dma source(%arg8 : memref<176xf32, #tpu.memory_space<vmem>>) target(%dma_start3A_36 : memref<176xf32, #tpu.memory_space<hbm>>) target_semaphore(%run_scoped3A : memref<!tpu.dma_semaphore, #tpu.memory_space<semaphore_mem>>)
      %dma_wait3A = arith.constant 0 : i32
      %dma_wait3A_37 = tpu.memref_slice %arg3[%add3A, %dma_wait3A] : memref<32x176xf32, #tpu.memory_space<hbm>> -> memref<1x176xf32, #tpu.memory_space<hbm>>
      %dma_wait3A_38 = tpu.memref_squeeze %dma_wait3A_37 : memref<1x176xf32, #tpu.memory_space<hbm>> -> memref<176xf32, #tpu.memory_space<hbm>>
      %dma_wait3A_39 = arith.constant 0 : i32
      %dma_wait3A_40 = tpu.memref_slice %arg3[%add3A, %dma_wait3A_39] : memref<32x176xf32, #tpu.memory_space<hbm>> -> memref<1x176xf32, #tpu.memory_space<hbm>>
      %dma_wait3A_41 = tpu.memref_squeeze %dma_wait3A_40 : memref<1x176xf32, #tpu.memory_space<hbm>> -> memref<176xf32, #tpu.memory_space<hbm>>
      tpu.wait_dma2 semaphore(%run_scoped3A : memref<!tpu.dma_semaphore, #tpu.memory_space<semaphore_mem>>) src(%arg8 : memref<176xf32, #tpu.memory_space<vmem>>) dst(%dma_wait3A_41 : memref<176xf32, #tpu.memory_space<hbm>>)
      tpu.yield
    }) : () -> ()
    return
  }
}

module attributes {stable_mosaic.version = 14 : i64} {
  func.func @_tc_body(%arg0: i32, %arg1: memref<32x16384xf32, #tpu.memory_space<vmem>>, %arg2: memref<32x2xf32, #tpu.memory_space<vmem>>) attributes {dimension_semantics = [#tpu.dimension_semantics<arbitrary>], iteration_bounds = array<i64: 40>, scalar_prefetch = 0 : i64, scratch_operands = 0 : i64, tpu.core_type = #tpu.core_type<tc>, window_params = [{transform_indices = @transform_0, window_bounds = array<i64: 32, 16384>}, {transform_indices = @transform_1, window_bounds = array<i64: 32, 2>}]} {
    %broadcast_in_dim3A = arith.constant 0x7F800000 : f32
    %broadcast_in_dim3A_0 = vector.broadcast %broadcast_in_dim3A : f32 to vector<32x1024xf32>
    %broadcast_in_dim3A_1 = arith.constant 0 : i32
    %broadcast_in_dim3A_2 = vector.broadcast %broadcast_in_dim3A_1 : i32 to vector<32x1024xi32>
    %scan3A = arith.constant 0 : i32
    %scan3A_3 = arith.constant 16 : i32
    %scan3A_4 = arith.addi %scan3A, %scan3A_3 : i32
    %scan3A_5 = arith.constant 1 : i32
    %scan3A_6:2 = scf.for %scan3A_26 = %scan3A to %scan3A_4 step %scan3A_5 iter_args(%scan3A_27 = %broadcast_in_dim3A_0, %scan3A_28 = %broadcast_in_dim3A_2) -> (vector<32x1024xf32>, vector<32x1024xi32>)  : i32 {
      %mul3A_29 = arith.constant 1024 : i32
      %mul3A_30 = arith.muli %scan3A_26, %mul3A_29 : i32
      %get3A = arith.constant 0 : index
      %get3A_31 = arith.index_cast %mul3A_30 : i32 to index
      %get3A_32 = vector.load %arg1[%get3A, %get3A_31] : memref<32x16384xf32, #tpu.memory_space<vmem>>, vector<32x1024xf32>
      %lt3A = arith.cmpf olt, %get3A_32, %scan3A_27 : vector<32x1024xf32>
      %select_n3A_33 = arith.select %lt3A, %get3A_32, %scan3A_27 : vector<32x1024xi1>, vector<32x1024xf32>
      %broadcast_in_dim3A_34 = vector.broadcast %scan3A_26 : i32 to vector<32x1024xi32>
      %select_n3A_35 = arith.select %lt3A, %broadcast_in_dim3A_34, %scan3A_28 : vector<32x1024xi1>, vector<32x1024xi32>
      scf.yield %select_n3A_33, %select_n3A_35 : vector<32x1024xf32>, vector<32x1024xi32>
    }
    %scan3A_7 = arith.constant 16 : i32
    %iota3A = tpu.iota {dimensions = array<i32: 1>} : vector<32x1024xi32>
    %mul3A = arith.constant 1024 : i32
    %mul3A_8 = vector.broadcast %mul3A : i32 to vector<32x1024xi32>
    %mul3A_9 = arith.muli %scan3A_6#1, %mul3A_8 : vector<32x1024xi32>
    %add3A = arith.addi %mul3A_9, %iota3A : vector<32x1024xi32>
    %reduce_min3A = arith.constant dense<0x7F800000> : vector<32xf32>
    %reduce_min3A_10 = vector.multi_reduction <minimumf>, %scan3A_6#0, %reduce_min3A [1] : vector<32x1024xf32> to vector<32xf32>
    %broadcast_in_dim3A_11 = vector.shape_cast %reduce_min3A_10 : vector<32xf32> to vector<32x1xf32>
    %eq3A = vector.broadcast %broadcast_in_dim3A_11 : vector<32x1xf32> to vector<32x1024xf32>
    %eq3A_12 = arith.cmpf oeq, %scan3A_6#0, %eq3A : vector<32x1024xf32>
    %jit3A = arith.constant 16384 : i32
    %broadcast_in_dim3A_13 = vector.broadcast %jit3A : i32 to vector<32x1024xi32>
    %select_n3A = arith.select %eq3A_12, %add3A, %broadcast_in_dim3A_13 : vector<32x1024xi1>, vector<32x1024xi32>
    %reduce_min3A_14 = arith.constant dense<2147483647> : vector<32xi32>
    %reduce_min3A_15 = vector.multi_reduction <minsi>, %select_n3A, %reduce_min3A_14 [1] : vector<32x1024xi32> to vector<32xi32>
    %convert_element_type3A = arith.sitofp %reduce_min3A_15 : vector<32xi32> to vector<32xf32>
    %mul3A_16 = arith.constant 7.812500e-03 : f32
    %mul3A_17 = vector.broadcast %mul3A_16 : f32 to vector<32xf32>
    %mul3A_18 = arith.mulf %convert_element_type3A, %mul3A_17 : vector<32xf32>
    %and3A = arith.constant 127 : i32
    %and3A_19 = vector.broadcast %and3A : i32 to vector<32xi32>
    %and3A_20 = arith.andi %reduce_min3A_15, %and3A_19 : vector<32xi32>
    %convert_element_type3A_21 = arith.sitofp %and3A_20 : vector<32xi32> to vector<32xf32>
    %stack3A = vector.shape_cast %mul3A_18 : vector<32xf32> to vector<32x1xf32>
    %stack3A_22 = vector.shape_cast %convert_element_type3A_21 : vector<32xf32> to vector<32x1xf32>
    %stack3A_23 = tpu.concatenate %stack3A, %stack3A_22 in 1 : vector<32x1xf32>, vector<32x1xf32> -> vector<32x2xf32>
    %swap3A = arith.constant 0 : index
    %swap3A_24 = arith.constant 0 : index
    %swap3A_25 = vector.load %arg2[%swap3A, %swap3A_24] : memref<32x2xf32, #tpu.memory_space<vmem>>, vector<32x2xf32>
    tpu.vector_store %arg2[%swap3A, %swap3A_24], %stack3A_23 {strides = array<i32>} : memref<32x2xf32, #tpu.memory_space<vmem>>, vector<32x2xf32>,
    return
  }
  func.func @transform_0(%arg0: i32) -> (i32, i32) {
    %add3A = arith.constant 88 : i32
    %add3A_0 = arith.addi %add3A, %arg0 : i32
    %c0_i32 = arith.constant 0 : i32
    %c0_i32_1 = arith.constant 0 : i32
    return %add3A_0, %c0_i32 : i32, i32
  }
  func.func @transform_1(%arg0: i32) -> (i32, i32) {
    %c0_i32 = arith.constant 0 : i32
    %c0_i32_0 = arith.constant 0 : i32
    return %arg0, %c0_i32 : i32, i32
  }
}

</mosaic_0001>

<sc_bundles>
// kernel: kernel.4.cloned.1.call-start
scs
__scs_entry_jumppad:
0x0: {  	(pc) =	sbr.rel $0x88, $3  }
0x1: {  	(tag) =	ssettag $0x0;
	lr =	simm.s32 $0x1  }
0x2: {  	[smem:$0x3FA0] =	sst lr;
	_ =	strace $0xD0000000  }
0x3: {  	_ = 	snop  }
0x4: {  	_ = 	snop  }
0x5: {  	_ = 	snop  }
0x6: {  	_ = 	snop  }
0x7: {  	_ = 	snop  }
__scs_overlays_trampoline_lowered:
0x8: {  	[smem:$0x3FAF] =	sst s0  }
0x9: {  	[smem:$0x3FB0] =	sst s1  }
0xa: {  	[smem:$0x3FB1] =	sst s2  }
0xb: {  	[smem:$0x3FB2] =	sst s3  }
0xc: {  	[smem:$0x3FB3] =	sst s4  }
0xd: {  	[smem:$0x3FB4] =	sst s5  }
0xe: {  	[smem:$0x3FB5] =	sst s6  }
0xf: {  	[smem:$0x3FB6] =	sst s7  }
0x10: {  	[smem:$0x3FB7] =	sst s8  }
0x11: {  	[smem:$0x3FB8] =	sst s9;
	s0 =	simm.s32 @!p0 $0x0  }
0x12: {  	s1 =	sld [smem:$0x3F9E];
	s0 =	simm.s32 @p0 $0x1  }
0x13: {  	[smem:$0x3FB9] =	sst s0;
	s0 =	simm.s32 @!p1 $0x0  }
0x14: {  	s2 =	sld [smem:$0x3F9D];
	s0 =	simm.s32 @p1 $0x1  }
0x15: {  	[smem:$0x3FBA] =	sst s0;
	s0 =	simm.s32 @!p2 $0x0  }
0x16: {  	s3 =	sld [smem:$0x3FDB];
	s0 =	simm.s32 @p2 $0x1  }
0x17: {  	s4 =	simm.s32 $0x1BF5;
	[smem:$0x3FBC] =	sst s0  }
0x18: {  	s0 =	sld [smem:$0x3F9F];
	_ =	swait.ge [sflag:s4], $0x0  }
0x19: {  	s7 =	sld [smem:$0x3FA0]  }
0x1a: {  	s8 =	sadd.s32 $0xFFFFE003, lr  }
0x1b: {  	s9 =	sadd.s32 $0xFFFFFEF7, lr;
	s5 =	simm.s32 $0xFFFFFFFF;
	p2 =	slt.u32 s8, $0xFFFFF086  }
0x1c: {  	p1 =	slt.u32 s9, $0xF7A;
	s5 =	simm.s32 @!p2 $0x0  }
0x1d: {  	s5 =	simm.s32 @p1 $0x1;
	p0 =	seq.s32 s7, s2  }
0x1e: {  	s7 =	smul.u32 @!p0 $0xF7A, s2;
	p2 =	seq.s32 @!p0 s5, $0x0  }
0x1f: {  	s9 =	smul.u32 $0xF7A, s1;
	s8 =	simm.s32 @!p0 $0x1BF5;
	p2 =	por !p2, p0  }
0x20: {  	[sflag:s8] =	ssyncset.s32 @!p0 $0xFFFFF086;
	s6 =	sadd.s32 @!p0 s3, s7;
	s7 =	simm.s32 @!p0 $0x108  }
0x21: {  	s3 =	sadd.s32 s3, s9;
	s6 =	sadd.s32 @!p0 $0x88, s6;
	s7 =	simm.s32 @p2 $0x1082  }
0x22: {  	[simem:s7], [sflag:s8] =	dma.local @!p0 [hbm:s6], $0xF7A  }
0x23: {  	s9 =	sor.u32 $0xD0000000, s2;
	s6 =	simm.s32 $0x108;
	_ =	swait.ge @!p0 [sflag:s8], $0x0  }
0x24: {  	s3 =	sadd.s32 $0x88, s3;
	s6 =	simm.s32 @!p1 $0x1082;
	[sflag:s4] =	ssyncset.s32 $0xFFFFF086  }
0x25: {  	[simem:s6], [sflag:s4] =	dma.local [hbm:s3], $0xF7A  }
0x26: {  	[smem:$0x3FA0] =	sst s1;
	(tag) =	ssettag s2;
	_ =	strace s9  }
0x27: {  	s1 =	sld [smem:$0x3FB0]  }
0x28: {  	s2 =	sld [smem:$0x3FB1]  }
0x29: {  	s4 =	sld [smem:$0x3FB3]  }
0x2a: {  	p0 =	seq.s32 s5, $0x0;
	s5 =	sld [smem:$0x3FB4]  }
0x2b: {  	s6 =	sld [smem:$0x3FB5]  }
0x2c: {  	s7 =	sld [smem:$0x3FB6]  }
0x2d: {  	s3 =	simm.s32 $0x108;
	s8 =	sld [smem:$0x3FB7]  }
0x2e: {  	s3 =	simm.s32 @!p0 $0x1082;
	s9 =	sld [smem:$0x3FB8]  }
0x2f: {  	lr =	sadd.s32 s0, s3;
	s0 =	sld [smem:$0x3FAF]  }
0x30: {  	s3 =	sld [smem:$0x3FB2]  }
0x31: {  	[smem:$0x3FBB] =	sst s10  }
0x32: {  	s10 =	sld [smem:$0x3FB9];
	_ =	sdelay $0x3  }
0x33: {  	p0 =	seq.s32 s10, $0x1;
	s10 =	sld [smem:$0x3FBB];
	_ =	sdelay $0x3  }
0x34: {  	[smem:$0x3FBB] =	sst s10  }
0x35: {  	s10 =	sld [smem:$0x3FBA];
	_ =	sdelay $0x3  }
0x36: {  	p1 =	seq.s32 s10, $0x1;
	s10 =	sld [smem:$0x3FBB];
	_ =	sdelay $0x3  }
0x37: {  	[smem:$0x3FBB] =	sst s10  }
0x38: {  	s10 =	sld [smem:$0x3FBC]  }
0x39: {  	_ = 	snop;
	(pc) =	sbr.ind lr, $3  }
0x3a: {  	_ = 	snop  }
0x3b: {  	_ = 	snop  }
0x3c: {  	p2 =	seq.s32 s10, $0x1;
	s10 =	sld [smem:$0x3FBB]  }
0x3d: {  	_ =	shalt  }
0x3e: {  	_ =	shalt  }
0x3f: {  	_ =	shalt  }
0x40: {  	_ =	shalt  }
0x41: {  	_ =	shalt  }
0x42: {  	_ =	shalt  }
0x43: {  	_ =	shalt  }
0x44: {  	_ =	shalt  }
0x45: {  	_ =	shalt  }
0x46: {  	_ =	shalt  }
0x47: {  	_ =	shalt  }
0x48: {  	_ =	shalt  }
0x49: {  	_ =	shalt  }
0x4a: {  	_ =	shalt  }
0x4b: {  	_ =	shalt  }
0x4c: {  	_ =	shalt  }
0x4d: {  	_ =	shalt  }
0x4e: {  	_ =	shalt  }
0x4f: {  	_ =	shalt  }
0x50: {  	_ =	shalt  }
0x51: {  	_ =	shalt  }
0x52: {  	_ =	shalt  }
0x53: {  	_ =	shalt  }
0x54: {  	_ =	shalt  }
0x55: {  	_ =	shalt  }
0x56: {  	_ =	shalt  }
0x57: {  	_ =	shalt  }
0x58: {  	_ =	shalt  }
0x59: {  	_ =	shalt  }
0x5a: {  	_ =	shalt  }
0x5b: {  	_ =	shalt  }
0x5c: {  	_ =	shalt  }
0x5d: {  	_ =	shalt  }
0x5e: {  	_ =	shalt  }
0x5f: {  	_ =	shalt  }
0x60: {  	_ =	shalt  }
0x61: {  	_ =	shalt  }
0x62: {  	_ =	shalt  }
0x63: {  	_ =	shalt  }
0x64: {  	_ =	shalt  }
0x65: {  	_ =	shalt  }
0x66: {  	_ =	shalt  }
0x67: {  	_ =	shalt  }
0x68: {  	_ =	shalt  }
0x69: {  	_ =	shalt  }
0x6a: {  	_ =	shalt  }
0x6b: {  	_ =	shalt  }
0x6c: {  	_ =	shalt  }
0x6d: {  	_ =	shalt  }
0x6e: {  	_ =	shalt  }
0x6f: {  	_ =	shalt  }
0x70: {  	_ =	shalt  }
0x71: {  	_ =	shalt  }
0x72: {  	_ =	shalt  }
0x73: {  	_ =	shalt  }
0x74: {  	_ =	shalt  }
0x75: {  	_ =	shalt  }
0x76: {  	_ =	shalt  }
0x77: {  	_ =	shalt  }
0x78: {  	_ =	shalt  }
0x79: {  	_ =	shalt  }
0x7a: {  	_ =	shalt  }
0x7b: {  	_ =	shalt  }
0x7c: {  	_ =	shalt  }
0x7d: {  	_ =	shalt  }
0x7e: {  	_ =	shalt  }
0x7f: {  	_ =	shalt  }
0x80: {  	_ =	shalt  }
0x81: {  	_ =	shalt  }
0x82: {  	_ =	shalt  }
0x83: {  	_ =	shalt  }
0x84: {  	_ =	shalt  }
0x85: {  	_ =	shalt  }
0x86: {  	_ =	shalt  }
0x87: {  	_ =	shalt  }
.Lfunc_end0:
.L_simem_size_0:
called_computation_lowered:
.L_overlay_start_0:
0x88: {  	s2 =	sld [smem:$0x3FD9]  }
0x89: {  	s3 =	sld [smem:$0x3FFE];
	_ =	sdelay $0x1  }
0x8a: {  	s1 =	srdreg.scid  }
0x8b: {  	s0 =	sand.u32 $0x1, s1  }
0x8c: {  	s18 =	sshll.u32 s0, $0xA;
	s2 =	sadd.s32 s3, s2  }
0x8d: {  	s2 =	sadd.s32 s2, s18  }
0x8e: {  	[smem:$0x3FC7] =	sst s2  }
0x8f: {  	_ = 	snop  }
0x90: {  	s2 =	sld [smem:$0x3FC9]  }
0x91: {  	s19 =	sld [smem:$0x3FD0];
	(tm) =	ssettm $0x1  }
0x92: {  	s4 =	sld [smem:$0x3FFB];
	_ =	sdelay $0x3  }
0x93: {  	_ =	strace s4  }
0x94: {  	s4 =	sld [smem:$0x3FFC];
	_ =	sdelay $0x3  }
0x95: {  	_ =	strace s4  }
0x96: {  	s4 =	sld [smem:$0x3FFD];
	_ =	sdelay $0x3  }
0x97: {  	_ =	strace s4  }
0x98: {  	_ =	strace $0x8FFFFFFF  }
0x99: {  	s20 =	sld [smem:$0x3FDB];
	_ =	sdelay $0x1  }
0x9a: {  	s5 =	simm.s32 $_scs_section_size  }
0x9b: {  	s6 =	simm.s32 $_size__tile_overlayer_lowered;
	s7 =	simm.s32 $_tile_overlayer_lowered  }
0x9c: {  	s23 =	simm.s32 $0x1BFF;
	s22 =	sshll.u32 s7, $0x1;
	s4 =	sadd.s32 s5, s20  }
0x9d: {  	s8 =	simm.s32 $0x0;
	s21 =	sshll.u32 s6, $0x1;
	s6 =	sadd.s32 s22, s4  }
0x9e: {  	[timem:s8], [sflag:s23] =	dma.local [hbm:s6], s21  }
0x9f: {  	_ =	swait.ge [sflag:s23], s21  }
0xa0: {  	s5 =	ssub.s32 $0x0, s21;
	[sflag:s23] =	ssyncset.done $0x0  }
0xa1: {  	[sflag:s23] =	ssyncadd.s32 s5;
	_ =	sdelay $0x1  }
0xa2: {  	s24 =	simm.s32 $0x1B8B  }
0xa3: {  	_ =	swait.ge [sflag:s24], $0x1  }
0xa4: {  	[sflag:s24] =	ssyncset.done $0x0  }
0xa5: {  	s25 =	simm.s32 $0x1B8E;
	[sflag:s24] =	ssyncadd.s32 $0xFFFFFFFF  }
0xa6: {  	s26 =	simm.s32 $execute0_lowered;
	[smem:$0x3FD2] =	sst s25  }
0xa7: {  	s5 =	sshll.u32 s26, $0x1;
	_ =	strace $0x80000046;
	[dreg:$0x1] =	wrdreg $0xFFFFFFFF  }
0xa8: {  	s28 =	simm.s32 $_size_execute0_lowered;
	s4 =	sadd.s32 s4, s5;
	[dreg:$0x0] =	wrdreg $0x0  }
0xa9: {  	s5 =	sshll.u32 s28, $0x1;
	[dreg:$0x2] =	wrdreg s4  }
0xaa: {  	[dreg:$0x3] =	wrdreg s5  }
0xab: {  	[dreg:$0x4] =	wrdreg $0xC0  }
0xac: {  	_ =	task [dreg:s8], $0x5FFFF  }
0xad: {  	[dreg:$0x1] =	wrdreg $0xFFFFFFFF  }
0xae: {  	[dreg:$0x0] =	wrdreg $0x60  }
0xaf: {  	[dreg:$0x2] =	wrdreg s2  }
0xb0: {  	[dreg:$0x3] =	wrdreg s19  }
0xb1: {  	[dreg:$0x4] =	wrdreg $0x9  }
0xb2: {  	_ =	task.clear_ibuf [dreg:s8], $0x5FFFF;
	_ =	strace $0x90000046  }
0xb3: {  	s29 =	simm.s32 $0x9;
	_ =	strace $0x80000048  }
0xb4: {  	_ =	swait.ge [sflag:s29], $0x1  }
0xb5: {  	[sflag:s29] =	ssyncadd.s32 $0xFFFFFFFF  }
0xb6: {  	_ =	strace $0x90000048  }
0xb7: {  	_ =	sfence  }
0xb8: {  	s30 =	sld [smem:$0x0];
	_ =	sdelay $0x2  }
0xb9: {  	s31 =	sshll.u32 s1, $0xD;
	s1 =	sshrl.u32 s1, $0x2  }
0xba: {  	s3 =	sand.u32 $0x4000, s31;
	s1 =	sadd.s32 s1, s30  }
0xbb: {  	s0 =	sor.u32 s3, s0;
	s1 =	sshll.u32 s1, $0x11  }
0xbc: {  	s0 =	sor.u32 s1, s0  }
0xbd: {  	s0 =	sadd.s32 $0x8F2B, s0  }
0xbe: {  	[sflag:s0] =	ssyncadd.remote.s32 $0x1  }
0xbf: {  	_ =	sfence.sel $0xFFFF  }
0xc0: {  	[dreg:$0x0] =	wrdreg $0xFFFFFFFF;
	(pc) =	sbr.abs _section_cstart, $3  }
0xc1: {  	[dreg:$0x1] =	wrdreg $0xFFFFFFFF  }
0xc2: {  	_ =	task.clear_ibuf [dreg:s8], $0x2FFFF;
	_ =	strace $0x9FFFFFFF  }
0xc3: {  	(tm) =	ssettm $0x7FFFFFFF  }
tec
execute0_lowered:
.L_overlay_start_1:
0x0: {  	(tag) =	ssettag $0x1  }
0x1: {  	s0 =	rddreg [dreg:$0x0];
	s1 =	srdreg.scid  }
0x2: {  	s15 =	stileid.u32;
	s3 =	rddreg [dreg:$0x1]  }
0x3: {  	s23 =	simm.s32 $0x0;
	s20 =	simm.s32 $0x80;
	s21 =	simm.s32 $0x400  }
0x4: {  	s28 =	simm.s32 $0x3;
	s29 =	simm.s32 $0x4;
	s1 =	sand.u32 $0x1, s1  }
0x5: {  	s2 =	sshll.u32 s15, $0x1;
	[smem:$0x7FF] =	sst s23;
	s6 =	sadd.s32 $0x20, s0  }
0x6: {  	s8 =	sadd.s32 $0x30, s0;
	s9 =	sadd.s32 $0x40, s0;
	s10 =	sadd.s32 $0x50, s0  }
0x7: {  	s11 =	sadd.s32 $0x60, s0;
	s12 =	sadd.s32 $0x70, s0;
	s14 =	sadd.s32 $0x1800, s0  }
0x8: {  	s26 =	sshll.u32 s15, $0x6;
	s5 =	sor.u32 s1, s2;
	s1 =	ssub.s32 $0x2, s1  }
0x9: {  	s16 =	sadd.s32 $0x1010, s0;
	s7 =	smul.u32 $0x2C000, s5;
	s4 =	sshrl.u32 s1, $0x1  }
0xa: {  	_ =	strace $0x80000047;
	s1 =	ssub.s32 s1, s4;
	s4 =	smul.u32 $0x58, s5  }
0xb: {  	s5 =	sshll.u32 s5, $0x4;
	s24 =	sadd.s32 s0, s7;
	s25 =	sadd.s32 s7, s6  }
0xc: {  	s7 =	sand.u32 $0x300, s26;
	s30 =	sand.u32 $0x70, s5;
	s31 =	smax.u32 s1, $0x1  }
0xd: {  	s26 =	simm.s32 $0x2;
	[dreg:$0x3] =	wrdreg s24;
	s2 =	sadd.s32 $0x10, s24  }
0xe: {  	[dreg:$0x5] =	wrdreg s25;
	s13 =	sor.u32 $0x5, s4;
	s15 =	sor.u32 $0x6, s4  }
0xf: {  	vm0 =	vcmask $0x704;
	s3 =	sadd.s32 s3, s7;
	s17 =	sor.u32 $0x7, s4;
	[dreg:$0x7] =	wrdreg s31  }
0x10: {  	vm1 =	vcmask $0xB08;
	vm2 =	vcmask $0xF0C;
	vm3 =	vcmask $0x1310;
	s24 =	simm.s32 $0x1;
	[dreg:$0x4] =	wrdreg s2;
	s0 =	sadd.s32 s30, s3  }
0x11: {  	vm4 =	vcmask $0x1714;
	vm5 =	vcmask $0x1B18;
	vm6 =	vcmask $0x1F1C;
	s25 =	simm.s32 $0xC000;
	s2 =	simm.s32 $0x0;
	[dreg:$0x6] =	wrdreg s0  }
.LBB2_1:
0x12: {  	[dreg:$0x8] =	wrdreg s2  }
0x13: {  	s0 =	simm.s32 $0x0;
	s1 =	rddreg [dreg:$0x3]  }
0x14: {  	[tilespmem:s0], [sflag:$0x1] =	stream.strided.gather [hbm4b:s1+s20], $0x4000, s21, s20, $0x38;
	[tilespmem:$0x10100] =	vst v63  }
0x15: {  	s22 =	rddreg [dreg:$0x4];
	s23 =	simm.s32 $0x4000  }
0x16: {  	[tilespmem:s23], [sflag:$0x2] =	stream.strided.gather [hbm4b:s22+s20], $0x4000, s21, s20, $0x38;
	[tilespmem:$0x10100] =	vst v63  }
0x17: {  	s30 =	rddreg [dreg:$0x5];
	s31 =	simm.s32 $0x8000;
	s0 =	simm.s32 $0x0  }
0x18: {  	[tilespmem:s31], [sflag:$0x3] =	stream.strided.gather [hbm4b:s30+s20], $0x4000, s21, s20, $0x38;
	[tilespmem:$0x10100] =	vst v63  }
.LBB2_2:
0x19: {  	s30 =	sshll.u32 s0, $0x3  }
0x1a: {  	_ =	swait.ge [sflag:s24], $0x4000;
	s3 =	sadd.s32 s4, s30  }
0x1b: {  	[sflag:s24] =	ssyncset.done $0x0;
	s5 =	sshll.u32 s3, $0xB  }
0x1c: {  	s19 =	simm.s32 $0x40;
	[sflag:s24] =	ssyncadd.s32 $0xFFFFC000;
	s3 =	sadd.s32 s5, s8  }
0x1d: {  	[tilespmem:s25], [sflag:$0x4] =	stream.strided.gather [hbm4b:s3+s20], $0x4000, s21, s20, $0x38;
	[tilespmem:$0x10100] =	vst v63  }
0x1e: {  	v2 =	vld [tilespmem:s19+$0xFFFFFFC0]  }
0x1f: {  	v3 =	vld [tilespmem:s19+$0xFFFFFFD0]  }
0x20: {  	v4 =	vld [tilespmem:s19+$0xFFFFFFE0]  }
0x21: {  	v5 =	vld [tilespmem:s19+$0xFFFFFFF0]  }
0x22: {  	v7 =	vld [tilespmem:s19+$0x0]  }
0x23: {  	v10 =	vld [tilespmem:s19+$0x10]  }
0x24: {  	v13 =	vld [tilespmem:s19+$0x20];
	_ =	sdelay $0x1  }
0x25: {  	v14 =	vimm.f32 $+Inf;
	s3 =	simm.s32 $0xC0;
	v15 =	vld [tilespmem:s19+$0x30]  }
0x26: {  	v0 =	vimm.s32 $0x0;
	v8 =	vld [tilespmem:s3+$0xFFFFFFC0];
	vm7 =	vlt.f32 v2, v14;
	vm8 =	vlt.f32 v3, v14  }
0x27: {  	v1 =	vld [tilespmem:s3+$0xFFFFFFD0];
	vm9 =	vlt.f32 v4, v14;
	vm10 =	vlt.f32 v5, v14;
	vm11 =	vlt.f32 v7, v14  }
0x28: {  	s7 =	simm.s32 $0x0;
	v24 =	vld [tilespmem:s3+$0xFFFFFFE0];
	vm12 =	vlt.f32 v10, v14;
	vm13 =	vlt.f32 v13, v14;
	v6 =	vsel vm7, v2, v14  }
0x29: {  	v18 =	vld [tilespmem:s3+$0x0];
	v9 =	vsel vm7, s7, v0;
	v2 =	vsel vm8, v3, v14;
	v11 =	vsel vm9, v4, v14  }
0x2a: {  	s31 =	simm.s32 $0x3;
	v22 =	vld [tilespmem:s3+$0x20];
	v12 =	vsel vm10, v5, v14;
	v4 =	vsel vm11, v7, v14;
	vm7 =	vlt.f32 v15, v14  }
0x2b: {  	s23 =	simm.s32 $0x4;
	s1 =	simm.s32 $0x5;
	s2 =	simm.s32 $0x6;
	v3 =	vld [tilespmem:s3+$0xFFFFFFF0];
	v16 =	vsel vm12, v10, v14;
	v17 =	vsel vm13, v13, v14;
	v5 =	vsel vm10, s31, v0  }
0x2c: {  	s22 =	simm.s32 $0x1;
	s18 =	simm.s32 $0x2;
	s19 =	simm.s32 $0x7;
	v23 =	vld [tilespmem:s3+$0x30];
	v20 =	vsel vm11, s23, v0;
	v21 =	vsel vm12, s1, v0;
	v19 =	vsel vm13, s2, v0  }
0x2d: {  	v7 =	vld [tilespmem:s3+$0x10];
	s7 =	simm.s32 $0x140;
	s3 =	simm.s32 $0x17;
	v13 =	vsel vm7, v15, v14;
	v14 =	vsel vm8, s22, v0;
	v15 =	vsel vm9, s18, v0;
	s18 =	simm.s32 $0xF  }
.LBB2_3:
0x2e: {  	v10 =	vld [tilespmem:s7+$0xFFFFFFC0];
	p0 =	sne.s32 s3, $0x3FF;
	s1 =	sadd.s32 $0xFFFFFFF9, s18;
	vm9 =	vlt.f32 v8, v6;
	vm8 =	vlt.f32 v1, v2;
	v0 =	vsel vm7, s19, v0;
	s19 =	smov.u32 s18  }
0x2f: {  	s18 =	smov.u32 s3;
	v6 =	vsel vm9, v8, v6;
	v9 =	vsel vm9, s1, v9;
	v2 =	vsel vm8, v1, v2;
	v1 =	vld [tilespmem:s7+$0xFFFFFFD0]  }
0x30: {  	vm10 =	vlt.f32 v3, v12;
	vm9 =	vlt.f32 v24, v11;
	vm11 =	vlt.f32 v18, v4;
	v25 =	vld [tilespmem:s7+$0xFFFFFFE0]  }
.Ltmp0:
0x31: {  	v12 =	vsel vm10, v3, v12;
	v11 =	vsel vm9, v24, v11;
	v4 =	vsel vm11, v18, v4;
	v3 =	vld [tilespmem:s7+$0xFFFFFFF0];
	(pc) =	sbr.rel @p0 .LBB2_3-.Ltmp0, $4  }
0x32: {  	vm12 =	vlt.f32 v7, v16;
	vm13 =	vlt.f32 v22, v17;
	v18 =	vld [tilespmem:s7+$0x0];
	vm7 =	vlt.f32 v23, v13  }
0x33: {  	s1 =	sadd.s32 $0xFFFFFFFA, s19;
	s2 =	sadd.s32 $0xFFFFFFFB, s19;
	s31 =	sadd.s32 $0xFFFFFFFC, s19;
	v16 =	vsel vm12, v7, v16;
	v17 =	vsel vm13, v22, v17;
	v7 =	vld [tilespmem:s7+$0x10];
	v13 =	vsel vm7, v23, v13;
	v8 =	vmovc v10  }
0x34: {  	v14 =	vsel vm8, s1, v14;
	v15 =	vsel vm9, s2, v15;
	v5 =	vsel vm10, s31, v5;
	s1 =	sadd.s32 $0xFFFFFFFD, s19;
	s2 =	sadd.s32 $0xFFFFFFFE, s19;
	s31 =	sadd.s32 $0xFFFFFFFF, s19;
	v22 =	vld [tilespmem:s7+$0x20]  }
0x35: {  	s3 =	sadd.s32 $0x8, s3;
	v20 =	vsel vm11, s1, v20;
	v21 =	vsel vm12, s2, v21;
	v19 =	vsel vm13, s31, v19;
	v23 =	vld [tilespmem:s7+$0x30];
	s7 =	sadd.s32 $0x80, s7;
	v24 =	vmovc v25  }
0x36: {  	_ =	swait.ge [sflag:s26], $0x4000  }
0x37: {  	s7 =	sand.u32 $0x1FFFC000, s5;
	[sflag:s26] =	ssyncset.done $0x0  }
0x38: {  	s2 =	simm.s32 $0x0;
	s1 =	sadd.s32 s7, s9;
	[sflag:s26] =	ssyncadd.s32 $0xFFFFC000  }
0x39: {  	[tilespmem:s2], [sflag:$0x1] =	stream.strided.gather [hbm4b:s1+s20], $0x4000, s21, s20, $0x38;
	[tilespmem:$0x10100] =	vst v63  }
0x3a: {  	vm8 =	vlt.f32 v8, v6;
	vm9 =	vlt.f32 v1, v2;
	s2 =	simm.s32 $0x4040  }
0x3b: {  	s3 =	sadd.s32 $0xFFFFFFF9, s18;
	v0 =	vsel vm7, s19, v0;
	vm7 =	vlt.f32 v24, v11;
	v8 =	vsel vm8, v8, v6;
	v25 =	vld [tilespmem:s2+$0xFFFFFFC0]  }
0x3c: {  	s22 =	sadd.s32 $0xFFFFFFFA, s18;
	v6 =	vsel vm8, s3, v9;
	v10 =	vsel vm9, v1, v2;
	vm8 =	vlt.f32 v3, v12;
	v26 =	vld [tilespmem:s2+$0xFFFFFFD0]  }
0x3d: {  	vm10 =	vlt.f32 v18, v4;
	v9 =	vsel vm7, v24, v11;
	v11 =	vsel vm9, s22, v14;
	v24 =	vld [tilespmem:s2+$0xFFFFFFE0]  }
0x3e: {  	s23 =	sadd.s32 $0xFFFFFFFC, s18;
	s3 =	sadd.s32 $0xFFFFFFFB, s18;
	[tilespmem:$0x1FF80] =	vst v6;
	v6 =	vsel vm8, v3, v12;
	v4 =	vsel vm10, v18, v4;
	vm11 =	vlt.f32 v7, v16;
	v18 =	vld [tilespmem:s2+$0xFFFFFFF0]  }
0x3f: {  	[tilespmem:$0x1FF90] =	vst v11;
	v11 =	vsel vm7, s3, v15;
	s3 =	sadd.s32 $0xFFFFFFFD, s18;
	v5 =	vsel vm8, s23, v5;
	v3 =	vsel vm11, v7, v16;
	v7 =	vld [tilespmem:s2+$0x0]  }
0x40: {  	s22 =	sadd.s32 $0xFFFFFFFE, s18;
	vm12 =	vlt.f32 v22, v17;
	[tilespmem:$0x1FFB0] =	vst v5;
	v5 =	vsel vm10, s3, v20;
	vm13 =	vlt.f32 v23, v13;
	v27 =	vld [tilespmem:s2+$0x20]  }
0x41: {  	s23 =	sadd.s32 $0xFFFFFFFF, s18;
	v2 =	vsel vm12, v22, v17;
	[tilespmem:$0x1FFC0] =	vst v5;
	v5 =	vsel vm11, s22, v21;
	v29 =	vld [tilespmem:s2+$0x30];
	v1 =	vsel vm13, v23, v13  }
0x42: {  	s1 =	simm.s32 $0x40C0;
	v23 =	vld [tilespmem:s2+$0x10];
	[tilespmem:$0x1FFD0] =	vst v5;
	v5 =	vsel vm12, s23, v19;
	v0 =	vsel vm13, s18, v0;
	v19 =	vimm.f32 $+Inf  }
0x43: {  	v22 =	vld [tilespmem:s1+$0xFFFFFFC0];
	[tilespmem:$0x1FFF0] =	vst v0;
	v0 =	vimm.s32 $0x0;
	vm7 =	vlt.f32 v25, v19;
	vm8 =	vlt.f32 v26, v19  }
0x44: {  	s3 =	simm.s32 $0x0;
	v12 =	vld [tilespmem:s1+$0xFFFFFFF0];
	vm9 =	vlt.f32 v24, v19;
	vm10 =	vlt.f32 v18, v19;
	vm11 =	vlt.f32 v7, v19  }
0x45: {  	[tilespmem:$0x1FFA0] =	vst v11;
	v21 =	vld [tilespmem:s1+$0x0];
	vm13 =	vlt.f32 v27, v19;
	v15 =	vsel vm7, v25, v19;
	v16 =	vsel vm7, s3, v0  }
0x46: {  	[tilespmem:$0x1FFE0] =	vst v5;
	v5 =	vld [tilespmem:s1+$0xFFFFFFD0];
	v11 =	vsel vm8, v26, v19;
	v17 =	vsel vm9, v24, v19;
	v18 =	vsel vm10, v18, v19  }
0x47: {  	v14 =	vld [tilespmem:s1+$0x10];
	s22 =	simm.s32 $0x2;
	s23 =	simm.s32 $0x3;
	v13 =	vsel vm11, v7, v19;
	vm12 =	vlt.f32 v23, v19;
	vm7 =	vlt.f32 v29, v19  }
0x48: {  	s19 =	simm.s32 $0x7;
	s2 =	simm.s32 $0x4;
	v25 =	vld [tilespmem:s1+$0xFFFFFFE0];
	v28 =	vsel vm13, v27, v19;
	v27 =	vsel vm9, s22, v0;
	v7 =	vsel vm10, s23, v0  }
0x49: {  	v32 =	vld [tilespmem:s1+$0x20];
	s18 =	simm.s32 $0x1;
	s22 =	simm.s32 $0x5;
	s23 =	simm.s32 $0x6;
	v30 =	vsel vm11, s2, v0;
	v20 =	vsel vm12, v23, v19;
	v19 =	vsel vm7, v29, v19  }
0x4a: {  	s31 =	simm.s32 $0x17;
	v33 =	vld [tilespmem:s1+$0x30];
	s3 =	simm.s32 $0x4140;
	v23 =	vsel vm8, s18, v0;
	s18 =	simm.s32 $0xF;
	v31 =	vsel vm12, s22, v0;
	v29 =	vsel vm13, s23, v0  }
.LBB2_5:
0x4b: {  	v24 =	vld [tilespmem:s3+$0xFFFFFFC0];
	p0 =	sne.s32 s31, $0x3FF;
	s1 =	sadd.s32 $0xFFFFFFF9, s18;
	vm9 =	vlt.f32 v22, v15;
	vm8 =	vlt.f32 v5, v11;
	v0 =	vsel vm7, s19, v0;
	s19 =	smov.u32 s18  }
0x4c: {  	s18 =	smov.u32 s31;
	v15 =	vsel vm9, v22, v15;
	v16 =	vsel vm9, s1, v16;
	v11 =	vsel vm8, v5, v11;
	v5 =	vld [tilespmem:s3+$0xFFFFFFD0]  }
0x4d: {  	vm10 =	vlt.f32 v12, v18;
	vm9 =	vlt.f32 v25, v17;
	vm11 =	vlt.f32 v21, v13;
	v26 =	vld [tilespmem:s3+$0xFFFFFFE0]  }
.Ltmp1:
0x4e: {  	v18 =	vsel vm10, v12, v18;
	v17 =	vsel vm9, v25, v17;
	v13 =	vsel vm11, v21, v13;
	v12 =	vld [tilespmem:s3+$0xFFFFFFF0];
	(pc) =	sbr.rel @p0 .LBB2_5-.Ltmp1, $4  }
0x4f: {  	vm12 =	vlt.f32 v14, v20;
	vm13 =	vlt.f32 v32, v28;
	v21 =	vld [tilespmem:s3+$0x0];
	vm7 =	vlt.f32 v33, v19  }
0x50: {  	s1 =	sadd.s32 $0xFFFFFFFA, s19;
	s2 =	sadd.s32 $0xFFFFFFFB, s19;
	s22 =	sadd.s32 $0xFFFFFFFC, s19;
	v20 =	vsel vm12, v14, v20;
	v28 =	vsel vm13, v32, v28;
	v14 =	vld [tilespmem:s3+$0x10];
	v19 =	vsel vm7, v33, v19;
	v22 =	vmovc v24  }
0x51: {  	v23 =	vsel vm8, s1, v23;
	v27 =	vsel vm9, s2, v27;
	v7 =	vsel vm10, s22, v7;
	s1 =	sadd.s32 $0xFFFFFFFD, s19;
	s2 =	sadd.s32 $0xFFFFFFFE, s19;
	s22 =	sadd.s32 $0xFFFFFFFF, s19;
	v32 =	vld [tilespmem:s3+$0x20]  }
0x52: {  	s31 =	sadd.s32 $0x8, s31;
	v30 =	vsel vm11, s1, v30;
	v31 =	vsel vm12, s2, v31;
	v29 =	vsel vm13, s22, v29;
	v33 =	vld [tilespmem:s3+$0x30];
	s3 =	sadd.s32 $0x80, s3;
	v25 =	vmovc v26  }
0x53: {  	_ =	swait.ge [sflag:s28], $0x4000  }
0x54: {  	s1 =	sadd.s32 s7, s10;
	[sflag:s28] =	ssyncset.done $0x0  }
0x55: {  	s2 =	simm.s32 $0x4000;
	s3 =	sadd.s32 $0xFFFFFFF9, s18;
	[sflag:s28] =	ssyncadd.s32 $0xFFFFC000  }
0x56: {  	vm8 =	vlt.f32 v22, v15;
	[tilespmem:s2], [sflag:$0x2] =	stream.strided.gather [hbm4b:s1+s20], $0x4000, s21, s20, $0x38;
	[tilespmem:$0x10100] =	vst v63  }
0x57: {  	v24 =	vsel vm8, v22, v15;
	v15 =	vsel vm8, s3, v16;
	s2 =	simm.s32 $0x8040  }
0x58: {  	vm9 =	vlt.f32 v5, v11;
	[tilespmem:$0x1FF00] =	vst v15;
	v15 =	vld [tilespmem:s2+$0xFFFFFFC0]  }
0x59: {  	v26 =	vsel vm9, v5, v11;
	v11 =	vld [tilespmem:s2+$0xFFFFFFD0]  }
0x5a: {  	v0 =	vsel vm7, s19, v0;
	vm7 =	vlt.f32 v25, v17;
	s22 =	sadd.s32 $0xFFFFFFFA, s18;
	vm10 =	vlt.f32 v21, v13;
	v36 =	vld [tilespmem:s2+$0xFFFFFFE0]  }
0x5b: {  	s3 =	sadd.s32 $0xFFFFFFFB, s18;
	v5 =	vsel vm9, s22, v23;
	v21 =	vsel vm10, v21, v13;
	vm11 =	vlt.f32 v14, v20;
	v13 =	vld [tilespmem:s2+$0xFFFFFFF0]  }
0x5c: {  	s23 =	sadd.s32 $0xFFFFFFFC, s18;
	vm8 =	vlt.f32 v12, v18;
	[tilespmem:$0x1FF10] =	vst v5;
	v5 =	vsel vm7, s3, v27;
	v20 =	vsel vm11, v14, v20;
	v14 =	vld [tilespmem:s2+$0x0]  }
0x5d: {  	v25 =	vsel vm7, v25, v17;
	v22 =	vsel vm8, v12, v18;
	s3 =	sadd.s32 $0xFFFFFFFD, s18;
	[tilespmem:$0x1FF20] =	vst v5;
	v5 =	vsel vm8, s23, v7;
	v27 =	vld [tilespmem:s2+$0x10]  }
0x5e: {  	s22 =	sadd.s32 $0xFFFFFFFE, s18;
	vm12 =	vlt.f32 v32, v28;
	vm13 =	vlt.f32 v33, v19;
	[tilespmem:$0x1FF30] =	vst v5;
	v5 =	vsel vm10, s3, v30;
	v7 =	vld [tilespmem:s2+$0x20]  }
0x5f: {  	s23 =	sadd.s32 $0xFFFFFFFF, s18;
	s1 =	simm.s32 $0x80C0;
	v18 =	vsel vm12, v32, v28;
	v28 =	vimm.f32 $+Inf;
	[tilespmem:$0x1FF40] =	vst v5;
	v5 =	vsel vm11, s22, v31  }
0x60: {  	v34 =	vld [tilespmem:s1+$0xFFFFFFC0];
	v17 =	vsel vm13, v33, v19;
	v0 =	vsel vm13, s18, v0;
	[tilespmem:$0x1FF50] =	vst v5;
	v5 =	vsel vm12, s23, v29  }
0x61: {  	[tilespmem:$0x1FF70] =	vst v0;
	v29 =	vld [tilespmem:s2+$0x30];
	v0 =	vimm.s32 $0x0;
	vm7 =	vlt.f32 v15, v28;
	vm8 =	vlt.f32 v11, v28  }
0x62: {  	v35 =	vld [tilespmem:s1+$0xFFFFFFE0];
	vm9 =	vlt.f32 v36, v28;
	vm10 =	vlt.f32 v13, v28;
	vm11 =	vlt.f32 v14, v28  }
0x63: {  	s3 =	simm.s32 $0x0;
	v12 =	vld [tilespmem:s1+$0xFFFFFFF0];
	vm12 =	vlt.f32 v27, v28;
	vm13 =	vlt.f32 v7, v28;
	v15 =	vsel vm7, v15, v28  }
0x64: {  	[tilespmem:$0x1FF60] =	vst v5;
	v5 =	vld [tilespmem:s1+$0xFFFFFFD0];
	v16 =	vsel vm7, s3, v0;
	v11 =	vsel vm8, v11, v28;
	v19 =	vsel vm9, v36, v28  }
0x65: {  	v32 =	vld [tilespmem:s1+$0x0];
	s23 =	simm.s32 $0x3;
	v23 =	vsel vm10, v13, v28;
	v13 =	vsel vm11, v14, v28;
	v30 =	vsel vm12, v27, v28  }
0x66: {  	s19 =	simm.s32 $0x7;
	v43 =	vld [tilespmem:s1+$0x30];
	s22 =	simm.s32 $0x2;
	s2 =	simm.s32 $0x4;
	v31 =	vsel vm13, v7, v28;
	v7 =	vsel vm10, s23, v0;
	vm7 =	vlt.f32 v29, v28  }
0x67: {  	s18 =	simm.s32 $0x1;
	v33 =	vld [tilespmem:s1+$0x20];
	s23 =	simm.s32 $0x6;
	v39 =	vsel vm11, s2, v0;
	v27 =	vsel vm7, v29, v28;
	v29 =	vsel vm9, s22, v0;
	s22 =	simm.s32 $0x5  }
0x68: {  	s31 =	simm.s32 $0x17;
	v14 =	vld [tilespmem:s1+$0x10];
	s3 =	simm.s32 $0x8140;
	v37 =	vsel vm13, s23, v0;
	v28 =	vsel vm8, s18, v0;
	s18 =	simm.s32 $0xF;
	v41 =	vsel vm12, s22, v0  }
.LBB2_7:
0x69: {  	v36 =	vld [tilespmem:s3+$0xFFFFFFC0];
	p0 =	sne.s32 s31, $0x3FF;
	s1 =	sadd.s32 $0xFFFFFFF9, s18;
	vm9 =	vlt.f32 v34, v15;
	vm8 =	vlt.f32 v5, v11;
	v0 =	vsel vm7, s19, v0;
	s19 =	smov.u32 s18  }
0x6a: {  	s18 =	smov.u32 s31;
	v15 =	vsel vm9, v34, v15;
	v16 =	vsel vm9, s1, v16;
	v11 =	vsel vm8, v5, v11;
	v5 =	vld [tilespmem:s3+$0xFFFFFFD0]  }
0x6b: {  	vm10 =	vlt.f32 v12, v23;
	vm9 =	vlt.f32 v35, v19;
	vm11 =	vlt.f32 v32, v13;
	v38 =	vld [tilespmem:s3+$0xFFFFFFE0]  }
.Ltmp2:
0x6c: {  	v23 =	vsel vm10, v12, v23;
	v19 =	vsel vm9, v35, v19;
	v13 =	vsel vm11, v32, v13;
	v12 =	vld [tilespmem:s3+$0xFFFFFFF0];
	(pc) =	sbr.rel @p0 .LBB2_7-.Ltmp2, $4  }
0x6d: {  	vm12 =	vlt.f32 v14, v30;
	vm13 =	vlt.f32 v33, v31;
	v32 =	vld [tilespmem:s3+$0x0];
	vm7 =	vlt.f32 v43, v27  }
0x6e: {  	s1 =	sadd.s32 $0xFFFFFFFA, s19;
	s2 =	sadd.s32 $0xFFFFFFFB, s19;
	s22 =	sadd.s32 $0xFFFFFFFC, s19;
	v30 =	vsel vm12, v14, v30;
	v31 =	vsel vm13, v33, v31;
	v14 =	vld [tilespmem:s3+$0x10];
	v27 =	vsel vm7, v43, v27;
	v34 =	vmovc v36  }
0x6f: {  	v28 =	vsel vm8, s1, v28;
	v29 =	vsel vm9, s2, v29;
	v7 =	vsel vm10, s22, v7;
	s1 =	sadd.s32 $0xFFFFFFFD, s19;
	s2 =	sadd.s32 $0xFFFFFFFE, s19;
	s22 =	sadd.s32 $0xFFFFFFFF, s19;
	v33 =	vld [tilespmem:s3+$0x20]  }
0x70: {  	s31 =	sadd.s32 $0x8, s31;
	v39 =	vsel vm11, s1, v39;
	v41 =	vsel vm12, s2, v41;
	v37 =	vsel vm13, s22, v37;
	v43 =	vld [tilespmem:s3+$0x30];
	s3 =	sadd.s32 $0x80, s3;
	v35 =	vmovc v38  }
0x71: {  	_ =	swait.ge [sflag:s29], $0x4000  }
0x72: {  	s1 =	sadd.s32 s7, s11;
	[sflag:s29] =	ssyncset.done $0x0  }
0x73: {  	s2 =	simm.s32 $0x8000;
	s3 =	sadd.s32 $0xFFFFFFF9, s18;
	[sflag:s29] =	ssyncadd.s32 $0xFFFFC000  }
0x74: {  	vm8 =	vlt.f32 v34, v15;
	[tilespmem:s2], [sflag:$0x3] =	stream.strided.gather [hbm4b:s1+s20], $0x4000, s21, s20, $0x38;
	[tilespmem:$0x10100] =	vst v63  }
0x75: {  	v42 =	vsel vm8, v34, v15;
	v15 =	vsel vm8, s3, v16;
	s2 =	simm.s32 $0xC040  }
0x76: {  	vm9 =	vlt.f32 v5, v11;
	[tilespmem:$0x1FE80] =	vst v15;
	v15 =	vld [tilespmem:s2+$0xFFFFFFC0]  }
0x77: {  	v0 =	vsel vm7, s19, v0;
	v44 =	vsel vm9, v5, v11;
	vm8 =	vlt.f32 v12, v23;
	v11 =	vld [tilespmem:s2+$0xFFFFFFD0]  }
0x78: {  	vm7 =	vlt.f32 v35, v19;
	s7 =	sadd.s32 $0xFFFFFFFA, s18;
	vm10 =	vlt.f32 v32, v13;
	v38 =	vsel vm8, v12, v23;
	v23 =	vld [tilespmem:s2+$0xFFFFFFE0]  }
0x79: {  	s3 =	sadd.s32 $0xFFFFFFFB, s18;
	v5 =	vsel vm9, s7, v28;
	v36 =	vsel vm10, v32, v13;
	vm11 =	vlt.f32 v14, v30;
	v13 =	vld [tilespmem:s2+$0xFFFFFFF0]  }
0x7a: {  	s19 =	sadd.s32 $0xFFFFFFFC, s18;
	v40 =	vsel vm7, v35, v19;
	[tilespmem:$0x1FE90] =	vst v5;
	v5 =	vsel vm7, s3, v29;
	v35 =	vsel vm11, v14, v30;
	v14 =	vld [tilespmem:s2+$0x0]  }
0x7b: {  	s22 =	sadd.s32 $0xFFFFFFFD, s18;
	[tilespmem:$0x1FEA0] =	vst v5;
	v5 =	vsel vm8, s19, v7;
	v28 =	vld [tilespmem:s2+$0x10]  }
0x7c: {  	s23 =	sadd.s32 $0xFFFFFFFE, s18;
	vm12 =	vlt.f32 v33, v31;
	v30 =	vimm.f32 $+Inf;
	[tilespmem:$0x1FEB0] =	vst v5;
	v5 =	vsel vm10, s22, v39;
	v29 =	vld [tilespmem:s2+$0x20]  }
0x7d: {  	s31 =	sadd.s32 $0xFFFFFFFF, s18;
	vm13 =	vlt.f32 v43, v27;
	v34 =	vsel vm12, v33, v31;
	[tilespmem:$0x1FEC0] =	vst v5;
	v5 =	vsel vm11, s23, v41  }
0x7e: {  	s1 =	simm.s32 $0xC0C0;
	v31 =	vld [tilespmem:s2+$0x30];
	v33 =	vsel vm13, v43, v27;
	v0 =	vsel vm13, s18, v0;
	[tilespmem:$0x1FED0] =	vst v5;
	v5 =	vsel vm12, s31, v37  }
0x7f: {  	v19 =	vld [tilespmem:s1+$0xFFFFFFC0];
	[tilespmem:$0x1FEF0] =	vst v0;
	v0 =	vimm.s32 $0x0;
	vm7 =	vlt.f32 v15, v30;
	vm8 =	vlt.f32 v11, v30  }
0x80: {  	v49 =	vld [tilespmem:s1+$0xFFFFFFE0];
	vm9 =	vlt.f32 v23, v30;
	vm10 =	vlt.f32 v13, v30;
	vm11 =	vlt.f32 v14, v30  }
0x81: {  	v12 =	vld [tilespmem:s1+$0xFFFFFFF0];
	s18 =	simm.s32 $0x0;
	vm12 =	vlt.f32 v28, v30;
	vm13 =	vlt.f32 v29, v30;
	v15 =	vsel vm7, v15, v30  }
0x82: {  	[tilespmem:$0x1FEE0] =	vst v5;
	v5 =	vld [tilespmem:s1+$0xFFFFFFD0];
	v16 =	vsel vm7, s18, v0;
	v7 =	vsel vm8, v11, v30;
	v23 =	vsel vm9, v23, v30  }
0x83: {  	s22 =	simm.s32 $0x2;
	v45 =	vld [tilespmem:s1+$0x20];
	v27 =	vsel vm10, v13, v30;
	v13 =	vsel vm11, v14, v30;
	vm7 =	vlt.f32 v31, v30  }
0x84: {  	s7 =	simm.s32 $0xF;
	v41 =	vld [tilespmem:s1+$0x0];
	s23 =	simm.s32 $0x3;
	s31 =	simm.s32 $0x4;
	v37 =	vsel vm12, v28, v30;
	v39 =	vsel vm13, v29, v30;
	v32 =	vsel vm9, s22, v0  }
0x85: {  	s19 =	simm.s32 $0x1;
	v47 =	vld [tilespmem:s1+$0x30];
	v11 =	vsel vm10, s23, v0;
	s22 =	simm.s32 $0x5;
	s23 =	simm.s32 $0x6;
	v46 =	vsel vm11, s31, v0;
	v29 =	vsel vm7, v31, v30  }
0x86: {  	s3 =	simm.s32 $0xC140;
	s18 =	simm.s32 $0x7;
	v14 =	vld [tilespmem:s1+$0x10];
	v31 =	vsel vm8, s19, v0;
	s19 =	simm.s32 $0x17;
	v48 =	vsel vm12, s22, v0;
	v43 =	vsel vm13, s23, v0  }
.LBB2_9:
0x87: {  	v28 =	vld [tilespmem:s3+$0xFFFFFFC0];
	p0 =	sne.s32 s19, $0x3FF;
	s1 =	sadd.s32 $0xFFFFFFF9, s7;
	vm9 =	vlt.f32 v19, v15;
	vm8 =	vlt.f32 v5, v7;
	v0 =	vsel vm7, s18, v0;
	s18 =	smov.u32 s7  }
0x88: {  	s7 =	smov.u32 s19;
	v15 =	vsel vm9, v19, v15;
	v16 =	vsel vm9, s1, v16;
	v7 =	vsel vm8, v5, v7;
	v5 =	vld [tilespmem:s3+$0xFFFFFFD0]  }
0x89: {  	vm10 =	vlt.f32 v12, v27;
	vm9 =	vlt.f32 v49, v23;
	vm11 =	vlt.f32 v41, v13;
	v30 =	vld [tilespmem:s3+$0xFFFFFFE0]  }
.Ltmp3:
0x8a: {  	v27 =	vsel vm10, v12, v27;
	v23 =	vsel vm9, v49, v23;
	v13 =	vsel vm11, v41, v13;
	v12 =	vld [tilespmem:s3+$0xFFFFFFF0];
	(pc) =	sbr.rel @p0 .LBB2_9-.Ltmp3, $4  }
0x8b: {  	vm12 =	vlt.f32 v14, v37;
	vm13 =	vlt.f32 v45, v39;
	v41 =	vld [tilespmem:s3+$0x0];
	vm7 =	vlt.f32 v47, v29  }
0x8c: {  	s1 =	sadd.s32 $0xFFFFFFFA, s18;
	s2 =	sadd.s32 $0xFFFFFFFB, s18;
	s22 =	sadd.s32 $0xFFFFFFFC, s18;
	v37 =	vsel vm12, v14, v37;
	v39 =	vsel vm13, v45, v39;
	v14 =	vld [tilespmem:s3+$0x10];
	v29 =	vsel vm7, v47, v29;
	v19 =	vmovc v28  }
0x8d: {  	v31 =	vsel vm8, s1, v31;
	v32 =	vsel vm9, s2, v32;
	v11 =	vsel vm10, s22, v11;
	s1 =	sadd.s32 $0xFFFFFFFD, s18;
	s2 =	sadd.s32 $0xFFFFFFFE, s18;
	s22 =	sadd.s32 $0xFFFFFFFF, s18;
	v45 =	vld [tilespmem:s3+$0x20]  }
0x8e: {  	s19 =	sadd.s32 $0x8, s19;
	v46 =	vsel vm11, s1, v46;
	v48 =	vsel vm12, s2, v48;
	v43 =	vsel vm13, s22, v43;
	v47 =	vld [tilespmem:s3+$0x30];
	s3 =	sadd.s32 $0x80, s3;
	v49 =	vmovc v30  }
0x8f: {  	_ =	swait.ge [sflag:s24], $0x4000  }
0x90: {  	s1 =	sadd.s32 s5, s12;
	[sflag:s24] =	ssyncset.done $0x0  }
0x91: {  	s5 =	sadd.s32 $0xFFFFFFF9, s7;
	s2 =	simm.s32 $0x40;
	[sflag:s24] =	ssyncadd.s32 $0xFFFFC000  }
0x92: {  	vm8 =	vlt.f32 v19, v15;
	[tilespmem:s25], [sflag:$0x4] =	stream.strided.gather [hbm4b:s1+s20], $0x4000, s21, s20, $0x38;
	[tilespmem:$0x10100] =	vst v63  }
0x93: {  	vm9 =	vlt.f32 v5, v7;
	v30 =	vsel vm8, s5, v16;
	v16 =	vld [tilespmem:s2+$0xFFFFFFC0]  }
0x94: {  	v19 =	vsel vm8, v19, v15;
	v28 =	vsel vm9, v5, v7;
	vm8 =	vlt.f32 v12, v27;
	v5 =	vld [tilespmem:s2+$0xFFFFFFD0]  }
0x95: {  	v50 =	vsel vm7, s18, v0;
	vm7 =	vlt.f32 v49, v23;
	v15 =	vsel vm8, v12, v27;
	v12 =	vld [tilespmem:s2+$0xFFFFFFE0]  }
0x96: {  	s18 =	sadd.s32 $0xFFFFFFFA, s7;
	vm10 =	vlt.f32 v41, v13;
	v0 =	vsel vm7, v49, v23;
	v27 =	vld [tilespmem:s2+$0xFFFFFFF0]  }
0x97: {  	s19 =	sadd.s32 $0xFFFFFFFC, s7;
	v49 =	vsel vm9, s18, v31;
	v7 =	vsel vm10, v41, v13;
	vm11 =	vlt.f32 v14, v37;
	v51 =	vld [tilespmem:s2+$0x0]  }
0x98: {  	s23 =	sadd.s32 $0xFFFFFFFE, s7;
	v41 =	vsel vm8, s19, v11;
	vm12 =	vlt.f32 v45, v39;
	v63 =	vsel vm11, v14, v37;
	v52 =	vld [tilespmem:s2+$0x10]  }
0x99: {  	s3 =	sadd.s32 $0xFFFFFFFB, s7;
	s22 =	sadd.s32 $0xFFFFFFFD, s7;
	s31 =	sadd.s32 $0xFFFFFFFF, s7;
	v23 =	vsel vm11, s23, v48;
	vm13 =	vlt.f32 v47, v29;
	v55 =	vsel vm12, v45, v39;
	v48 =	vld [tilespmem:s2+$0x20]  }
0x9a: {  	v45 =	vsel vm7, s3, v32;
	v32 =	vsel vm10, s22, v46;
	v11 =	vsel vm12, s31, v43  }
0x9b: {  	s1 =	simm.s32 $0xC0;
	v43 =	vimm.f32 $+Inf;
	v56 =	vld [tilespmem:s2+$0x30];
	v46 =	vimm.s32 $0x0;
	v47 =	vsel vm13, v47, v29  }
0x9c: {  	v60 =	vld [tilespmem:s1+$0xFFFFFFE0];
	[tilespmem:$0x1FE60] =	vst v11;
	v11 =	vsel vm13, s7, v50;
	vm7 =	vlt.f32 v16, v43;
	vm8 =	vlt.f32 v5, v43  }
0x9d: {  	v13 =	vld [tilespmem:s1+$0xFFFFFFF0];
	vm9 =	vlt.f32 v12, v43;
	vm10 =	vlt.f32 v27, v43;
	vm11 =	vlt.f32 v51, v43  }
0x9e: {  	s18 =	simm.s32 $0x0;
	v50 =	vld [tilespmem:s1+$0xFFFFFFC0];
	vm12 =	vlt.f32 v52, v43;
	vm13 =	vlt.f32 v48, v43;
	v39 =	vsel vm7, v16, v43  }
0x9f: {  	v29 =	vld [tilespmem:s1+$0xFFFFFFD0];
	v16 =	vsel vm7, s18, v46;
	v31 =	vsel vm8, v5, v43;
	v37 =	vsel vm9, v12, v43  }
0xa0: {  	v59 =	vld [tilespmem:s1+$0x0];
	s22 =	simm.s32 $0x2;
	v14 =	vsel vm10, v27, v43;
	v57 =	vsel vm11, v51, v43;
	vm7 =	vlt.f32 v56, v43  }
0xa1: {  	s5 =	simm.s32 $0xF;
	s19 =	simm.s32 $0x1;
	s23 =	simm.s32 $0x3;
	v53 =	vld [tilespmem:s1+$0x10];
	v54 =	vsel vm12, v52, v43;
	v51 =	vsel vm13, v48, v43;
	v27 =	vsel vm9, s22, v46  }
0xa2: {  	s31 =	simm.s32 $0x4;
	v58 =	vld [tilespmem:s1+$0x30];
	v12 =	vsel vm10, s23, v46;
	s22 =	simm.s32 $0x6;
	v48 =	vsel vm7, v56, v43;
	v43 =	vsel vm8, s19, v46;
	s19 =	simm.s32 $0x5  }
0xa3: {  	s3 =	simm.s32 $0x140;
	s7 =	simm.s32 $0x7;
	[tilespmem:$0x1FE70] =	vst v11;
	v52 =	vld [tilespmem:s1+$0x20];
	s18 =	simm.s32 $0x17;
	v5 =	vsel vm11, s31, v46;
	v56 =	vsel vm13, s22, v46;
	v62 =	vsel vm12, s19, v46  }
.LBB2_11:
0xa4: {  	v61 =	vld [tilespmem:s3+$0xFFFFFFC0];
	p0 =	sne.s32 s18, $0x3FF;
	s1 =	sadd.s32 $0xFFFFFFF9, s5;
	vm9 =	vlt.f32 v50, v39;
	vm8 =	vlt.f32 v29, v31;
	v46 =	vsel vm7, s7, v46;
	s7 =	smov.u32 s5  }
0xa5: {  	s5 =	smov.u32 s18;
	v39 =	vsel vm9, v50, v39;
	v16 =	vsel vm9, s1, v16;
	v31 =	vsel vm8, v29, v31;
	v29 =	vld [tilespmem:s3+$0xFFFFFFD0]  }
0xa6: {  	vm10 =	vlt.f32 v13, v14;
	vm9 =	vlt.f32 v60, v37;
	vm11 =	vlt.f32 v59, v57;
	v11 =	vld [tilespmem:s3+$0xFFFFFFE0]  }
.Ltmp4:
0xa7: {  	v14 =	vsel vm10, v13, v14;
	v37 =	vsel vm9, v60, v37;
	v57 =	vsel vm11, v59, v57;
	v13 =	vld [tilespmem:s3+$0xFFFFFFF0];
	(pc) =	sbr.rel @p0 .LBB2_11-.Ltmp4, $4  }
0xa8: {  	vm12 =	vlt.f32 v53, v54;
	vm13 =	vlt.f32 v52, v51;
	v59 =	vld [tilespmem:s3+$0x0];
	vm7 =	vlt.f32 v58, v48  }
0xa9: {  	s1 =	sadd.s32 $0xFFFFFFFA, s7;
	s2 =	sadd.s32 $0xFFFFFFFB, s7;
	s19 =	sadd.s32 $0xFFFFFFFC, s7;
	v54 =	vsel vm12, v53, v54;
	v51 =	vsel vm13, v52, v51;
	v53 =	vld [tilespmem:s3+$0x10];
	v48 =	vsel vm7, v58, v48;
	v50 =	vmovc v61  }
0xaa: {  	v43 =	vsel vm8, s1, v43;
	v27 =	vsel vm9, s2, v27;
	v12 =	vsel vm10, s19, v12;
	s1 =	sadd.s32 $0xFFFFFFFD, s7;
	s2 =	sadd.s32 $0xFFFFFFFE, s7;
	s19 =	sadd.s32 $0xFFFFFFFF, s7;
	v52 =	vld [tilespmem:s3+$0x20]  }
0xab: {  	s18 =	sadd.s32 $0x8, s18;
	v5 =	vsel vm11, s1, v5;
	v62 =	vsel vm12, s2, v62;
	v56 =	vsel vm13, s19, v56;
	v58 =	vld [tilespmem:s3+$0x30];
	s3 =	sadd.s32 $0x80, s3;
	v60 =	vmovc v11  }
0xac: {  	v11 =	vld [tilespmem:$0x1FF80]  }
0xad: {  	v61 =	vld [tilespmem:$0x1FF90];
	_ =	sdelay $0x4  }
0xae: {  	v11 =	vshll.u32 v11, $0x4;
	v61 =	vshll.u32 v61, $0x4  }
0xaf: {  	vm8 =	veq.f32 v10, v8;
	vm9 =	vlt.s32 v61, v11  }
0xb0: {  	vm15 =	vlt.f32 v10, v8;
	vm8 =	vmand vm8, vm9  }
0xb1: {  	vm8 =	vmor vm15, vm8  }
0xb2: {  	v8 =	vsel vm8, v10, v8;
	v10 =	vsel vm8, v61, v11;
	v11 =	vld [tilespmem:$0x1FFA0];
	_ =	sdelay $0x4  }
0xb3: {  	v11 =	vshll.u32 v11, $0x4  }
0xb4: {  	vm8 =	veq.f32 v9, v8;
	vm12 =	vlt.s32 v11, v10  }
0xb5: {  	vm13 =	vlt.f32 v9, v8;
	vm8 =	vmand vm8, vm12  }
0xb6: {  	vm8 =	vmor vm13, vm8  }
0xb7: {  	v8 =	vsel vm8, v9, v8;
	v9 =	vsel vm8, v11, v10;
	v10 =	vld [tilespmem:$0x1FFB0];
	_ =	sdelay $0x4  }
0xb8: {  	v10 =	vshll.u32 v10, $0x4  }
0xb9: {  	vm8 =	veq.f32 v6, v8;
	vm14 =	vlt.s32 v10, v9  }
0xba: {  	vm15 =	vlt.f32 v6, v8;
	vm8 =	vmand vm8, vm14  }
0xbb: {  	vm8 =	vmor vm15, vm8  }
0xbc: {  	v6 =	vsel vm8, v6, v8;
	v8 =	vsel vm8, v10, v9;
	v9 =	vld [tilespmem:$0x1FFC0];
	_ =	sdelay $0x4  }
0xbd: {  	v9 =	vshll.u32 v9, $0x4  }
0xbe: {  	vm8 =	veq.f32 v4, v6;
	vm12 =	vlt.s32 v9, v8  }
0xbf: {  	vm13 =	vlt.f32 v4, v6;
	vm8 =	vmand vm8, vm12  }
0xc0: {  	vm8 =	vmor vm13, vm8  }
0xc1: {  	v4 =	vsel vm8, v4, v6;
	v6 =	vsel vm8, v9, v8;
	v8 =	vld [tilespmem:$0x1FFD0];
	_ =	sdelay $0x4  }
0xc2: {  	v8 =	vshll.u32 v8, $0x4  }
0xc3: {  	vm8 =	veq.f32 v3, v4;
	vm14 =	vlt.s32 v8, v6  }
0xc4: {  	vm15 =	vlt.f32 v3, v4;
	vm8 =	vmand vm8, vm14  }
0xc5: {  	vm8 =	vmor vm15, vm8  }
0xc6: {  	v3 =	vsel vm8, v3, v4;
	v4 =	vsel vm8, v8, v6;
	v6 =	vld [tilespmem:$0x1FFE0];
	_ =	sdelay $0x4  }
0xc7: {  	v6 =	vshll.u32 v6, $0x4  }
0xc8: {  	vm8 =	veq.f32 v2, v3;
	vm12 =	vlt.s32 v6, v4  }
0xc9: {  	vm13 =	vlt.f32 v2, v3;
	vm8 =	vmand vm8, vm12  }
0xca: {  	v8 =	vld [tilespmem:$0x1FF10];
	vm8 =	vmor vm13, vm8  }
0xcb: {  	v2 =	vsel vm8, v2, v3;
	v3 =	vsel vm8, v6, v4;
	v4 =	vld [tilespmem:$0x1FFF0]  }
0xcc: {  	v6 =	vld [tilespmem:$0x1FF00];
	_ =	sdelay $0x3  }
0xcd: {  	vm15 =	veq.f32 v26, v24;
	v8 =	vshll.u32 v8, $0x4;
	v4 =	vshll.u32 v4, $0x4  }
0xce: {  	vm14 =	veq.f32 v1, v2;
	v6 =	vshll.u32 v6, $0x4;
	vm10 =	vlt.s32 v4, v3  }
0xcf: {  	vm8 =	vlt.f32 v1, v2;
	vm12 =	vlt.s32 v8, v6;
	vm9 =	vmand vm14, vm10  }
0xd0: {  	vm13 =	vlt.f32 v26, v24;
	vm8 =	vmor vm8, vm9;
	vm9 =	vmand vm15, vm12  }
0xd1: {  	vm9 =	vmor vm13, vm9  }
0xd2: {  	v6 =	vsel vm9, v8, v6;
	v8 =	vld [tilespmem:$0x1FF20];
	_ =	sdelay $0x4  }
0xd3: {  	v1 =	vsel vm8, v1, v2;
	v2 =	vsel vm9, v26, v24;
	v8 =	vshll.u32 v8, $0x4  }
0xd4: {  	vm14 =	veq.f32 v25, v2;
	vm15 =	vlt.s32 v8, v6  }
0xd5: {  	vm12 =	vlt.f32 v25, v2;
	vm9 =	vmand vm14, vm15  }
0xd6: {  	vm9 =	vmor vm12, vm9  }
0xd7: {  	v6 =	vsel vm9, v8, v6;
	v8 =	vld [tilespmem:$0x1FF30];
	_ =	sdelay $0x4  }
0xd8: {  	v2 =	vsel vm9, v25, v2;
	v8 =	vshll.u32 v8, $0x4  }
0xd9: {  	vm13 =	veq.f32 v22, v2;
	vm14 =	vlt.s32 v8, v6  }
0xda: {  	vm15 =	vlt.f32 v22, v2;
	vm9 =	vmand vm13, vm14  }
0xdb: {  	vm9 =	vmor vm15, vm9  }
0xdc: {  	(xrf1) =	vsort.ascd.msk.f32 $0xffff, v1, v1;
	v6 =	vsel vm9, v8, v6;
	v8 =	vld [tilespmem:$0x1FF40];
	_ =	sdelay $0x4  }
0xdd: {  	v2 =	vsel vm9, v22, v2;
	v8 =	vshll.u32 v8, $0x4  }
0xde: {  	vm12 =	veq.f32 v21, v2;
	vm13 =	vlt.s32 v8, v6  }
0xdf: {  	vm14 =	vlt.f32 v21, v2;
	vm9 =	vmand vm12, vm13  }
0xe0: {  	vm9 =	vmor vm14, vm9  }
0xe1: {  	v6 =	vsel vm9, v8, v6;
	v8 =	vld [tilespmem:$0x1FF50];
	_ =	sdelay $0x4  }
0xe2: {  	v9, _, _ =	vpop (xrf1);
	v2 =	vsel vm9, v21, v2;
	v8 =	vshll.u32 v8, $0x4  }
0xe3: {  	v9 =	vbroadcast v9, $0x0;
	vm15 =	veq.f32 v20, v2;
	vm12 =	vlt.s32 v8, v6  }
0xe4: {  	vm13 =	vlt.f32 v20, v2;
	vm9 =	vmand vm15, vm12  }
0xe5: {  	vm10 =	veq.f32 v1, v9;
	v9 =	vld [tilespmem:$0x1FE90];
	vm9 =	vmor vm13, vm9  }
0xe6: {  	v1 =	vsel vm9, v20, v2;
	v2 =	vsel vm9, v8, v6;
	v6 =	vld [tilespmem:$0x1FF60]  }
0xe7: {  	v8 =	vld [tilespmem:$0x1FE80];
	_ =	sdelay $0x3  }
0xe8: {  	v9 =	vshll.u32 v9, $0x4;
	vm9 =	vlt.f32 v18, v1;
	v6 =	vshll.u32 v6, $0x4  }
0xe9: {  	vm11 =	veq.f32 v18, v1;
	v8 =	vshll.u32 v8, $0x4;
	vm12 =	vlt.s32 v6, v2  }
0xea: {  	vm13 =	vlt.s32 v9, v8;
	vm11 =	vmand vm11, vm12;
	vm12 =	veq.f32 v44, v42  }
0xeb: {  	vm9 =	vmor vm9, vm11;
	vm11 =	vmand vm12, vm13;
	vm12 =	vlt.f32 v44, v42  }
0xec: {  	v3 =	vsel vm8, v4, v3;
	vm8 =	vmor vm12, vm11  }
0xed: {  	v4 =	vsel vm8, v44, v42;
	v42 =	vlaneseq.u32  }
0xee: {  	v3 =	vor.u32 v42, v3  }
0xef: {  	v2 =	vsel vm9, v6, v2;
	v6 =	vld [tilespmem:$0x1FF70];
	v3 =	vnsel vm10, $0x4000, v3  }
0xf0: {  	(xrf1) =	vsort.ascd.msk.u32 $0xffff, v3, v3;
	v3 =	vsel vm8, v9, v8;
	v8 =	vld [tilespmem:$0x1FEA0];
	_ =	sdelay $0x2  }
0xf1: {  	v1 =	vsel vm9, v18, v1  }
0xf2: {  	vm14 =	veq.f32 v17, v1;
	v6 =	vshll.u32 v6, $0x4  }
0xf3: {  	vm12 =	vlt.f32 v17, v1;
	vm15 =	vlt.s32 v6, v2;
	v8 =	vshll.u32 v8, $0x4  }
0xf4: {  	vm13 =	veq.f32 v40, v4;
	vm9 =	vmand vm14, vm15;
	vm14 =	vlt.s32 v8, v3  }
0xf5: {  	vm15 =	vlt.f32 v40, v4;
	vm8 =	vmor vm12, vm9;
	vm9 =	vmand vm13, vm14  }
0xf6: {  	vm9 =	vmor vm15, vm9  }
0xf7: {  	v9 =	vsel vm8, v17, v1;
	v1 =	vsel vm9, v40, v4;
	v4 =	vld [tilespmem:$0x1FEB0];
	_ =	sdelay $0x4  }
0xf8: {  	v3 =	vsel vm9, v8, v3;
	v4 =	vshll.u32 v4, $0x4  }
0xf9: {  	vm12 =	veq.f32 v38, v1;
	vm13 =	vlt.s32 v4, v3  }
0xfa: {  	vm14 =	vlt.f32 v38, v1;
	vm9 =	vmand vm12, vm13  }
0xfb: {  	vm9 =	vmor vm14, vm9  }
0xfc: {  	v3 =	vsel vm9, v4, v3;
	v4 =	vld [tilespmem:$0x1FEC0];
	_ =	sdelay $0x4  }
0xfd: {  	(xrf1) =	vsort.ascd.msk.f32 $0xffff, v9, v9;
	v1 =	vsel vm9, v38, v1;
	v4 =	vshll.u32 v4, $0x4  }
0xfe: {  	vm15 =	veq.f32 v36, v1;
	vm12 =	vlt.s32 v4, v3  }
0xff: {  	vm13 =	vlt.f32 v36, v1;
	vm9 =	vmand vm15, vm12  }
0x100: {  	vm9 =	vmor vm13, vm9  }
0x101: {  	v8 =	vsel vm9, v36, v1;
	v1 =	vld [tilespmem:$0x1FED0];
	_ =	sdelay $0x3  }
0x102: {  	v10 =	vld [tilespmem:$0x1FEE0]  }
0x103: {  	v3 =	vsel vm9, v4, v3;
	v4 =	vshll.u32 v1, $0x4  }
0x104: {  	vm14 =	veq.f32 v35, v8;
	vm15 =	vlt.s32 v4, v3  }
0x105: {  	vm12 =	vlt.f32 v35, v8;
	vm9 =	vmand vm14, vm15  }
0x106: {  	vm9 =	vmor vm12, vm9  }
0x107: {  	v10 =	vshll.u32 v10, $0x4;
	v1, _, _ =	vpop (xrf1);
	v8 =	vsel vm9, v35, v8;
	v3 =	vsel vm9, v4, v3  }
0x108: {  	v4, _, _ =	vpop (xrf1);
	vm13 =	veq.f32 v34, v8;
	vm14 =	vlt.s32 v10, v3  }
0x109: {  	v4 =	vbroadcast v4, $0x0;
	vm15 =	vlt.f32 v34, v8;
	vm9 =	vmand vm13, vm14  }
0x10a: {  	vm9 =	vmor vm15, vm9  }
0x10b: {  	vm12 =	veq.f32 v9, v4;
	v4 =	vsel vm9, v34, v8;
	v8 =	vld [tilespmem:$0x1FEF0];
	_ =	sdelay $0x4  }
0x10c: {  	v3 =	vsel vm9, v10, v3;
	v8 =	vshll.u32 v8, $0x4  }
0x10d: {  	v2 =	vsel vm8, v6, v2;
	vm8 =	veq.f32 v33, v4;
	vm9 =	vlt.s32 v8, v3  }
0x10e: {  	v2 =	vor.u32 v42, v2;
	vm13 =	vlt.f32 v33, v4;
	vm8 =	vmand vm8, vm9  }
0x10f: {  	v2 =	vnsel vm12, $0x4000, v2;
	vm8 =	vmor vm13, vm8  }
0x110: {  	(xrf1) =	vsort.ascd.msk.u32 $0xffff, v2, v2;
	v2 =	vsel vm8, v33, v4  }
0x111: {  	v6 =	vshll.u32 v49, $0x4;
	v4 =	vshll.u32 v30, $0x4;
	(xrf1) =	vsort.ascd.msk.f32 $0xffff, v2, v2  }
0x112: {  	vm14 =	veq.f32 v28, v19;
	vm15 =	vlt.s32 v6, v4  }
0x113: {  	vm12 =	vlt.f32 v28, v19;
	vm9 =	vmand vm14, vm15  }
0x114: {  	vm9 =	vmor vm12, vm9  }
0x115: {  	v9 =	vsel vm9, v28, v19;
	v4 =	vsel vm9, v6, v4;
	v6 =	vshll.u32 v45, $0x4  }
0x116: {  	vm13 =	veq.f32 v0, v9;
	vm14 =	vlt.s32 v6, v4  }
0x117: {  	vm15 =	vlt.f32 v0, v9;
	vm9 =	vmand vm13, vm14  }
0x118: {  	vm9 =	vmor vm15, vm9  }
0x119: {  	v0 =	vsel vm9, v0, v9;
	v4 =	vsel vm9, v6, v4;
	v6 =	vshll.u32 v41, $0x4  }
0x11a: {  	v11 =	vld [tilespmem:$0x1FE60];
	vm12 =	veq.f32 v15, v0;
	vm13 =	vlt.s32 v6, v4  }
0x11b: {  	vm14 =	vlt.f32 v15, v0;
	vm9 =	vmand vm12, vm13  }
0x11c: {  	vm9 =	vmor vm14, vm9  }
0x11d: {  	v9 =	vsel vm9, v15, v0;
	v4 =	vsel vm9, v6, v4;
	v6 =	vshll.u32 v32, $0x4  }
0x11e: {  	v0, _, _ =	vpop (xrf1);
	vm15 =	veq.f32 v7, v9;
	vm12 =	vlt.s32 v6, v4  }
0x11f: {  	v11 =	vshll.u32 v11, $0x4;
	vm13 =	vlt.f32 v7, v9;
	vm9 =	vmand vm15, vm12;
	v10, _, _ =	vpop (xrf1)  }
0x120: {  	v3 =	vsel vm8, v8, v3;
	vm10 =	vmor vm13, vm9;
	v10 =	vbroadcast v10, $0x0  }
0x121: {  	s31 =	sadd.s32 $0xFFFFFFFA, s5;
	vm13 =	vlt.f32 v29, v31;
	v4 =	vsel vm10, v6, v4;
	v6 =	vshll.u32 v23, $0x4  }
0x122: {  	v8 =	vsel vm13, s31, v43;
	vm9 =	veq.f32 v2, v10;
	v2 =	vsel vm10, v7, v9  }
0x123: {  	vm12 =	vlt.s32 v6, v4;
	v8 =	vshll.u32 v8, $0x4;
	vm11 =	veq.f32 v63, v2  }
0x124: {  	vm10 =	vlt.f32 v50, v39;
	vm11 =	vmand vm11, vm12;
	vm12 =	vlt.f32 v63, v2  }
0x125: {  	s1 =	sadd.s32 $0xFFFFFFF9, s5;
	v9 =	vsel vm13, v29, v31;
	v7 =	vsel vm10, v50, v39;
	vm11 =	vmor vm12, vm11  }
0x126: {  	v2 =	vsel vm11, v63, v2;
	v4 =	vsel vm11, v6, v4;
	v6 =	vsel vm10, s1, v16  }
0x127: {  	vm8 =	veq.f32 v55, v2;
	vm11 =	vlt.s32 v11, v4;
	v6 =	vshll.u32 v6, $0x4  }
0x128: {  	vm8 =	vmand vm8, vm11;
	vm11 =	veq.f32 v9, v7;
	vm13 =	vlt.s32 v8, v6  }
0x129: {  	vm11 =	vmand vm11, vm13;
	vm13 =	vlt.f32 v9, v7  }
0x12a: {  	vm11 =	vmor vm13, vm11  }
0x12b: {  	v3 =	vor.u32 v42, v3;
	v7 =	vsel vm11, v9, v7;
	v9 =	vld [tilespmem:$0x1FE70]  }
0x12c: {  	v3 =	vnsel vm9, $0x4000, v3  }
0x12d: {  	vm12 =	vlt.f32 v60, v37;
	vm10 =	vlt.f32 v13, v14;
	vm14 =	vlt.f32 v55, v2  }
0x12e: {  	v10 =	vsel vm12, v60, v37;
	v13 =	vsel vm10, v13, v14;
	vm8 =	vmor vm14, vm8  }
0x12f: {  	s2 =	sadd.s32 $0xFFFFFFFB, s5;
	v2 =	vsel vm8, v55, v2;
	v4 =	vsel vm8, v11, v4;
	v6 =	vsel vm11, v8, v6  }
0x130: {  	v8 =	vsel vm12, s2, v27;
	vm8 =	vlt.f32 v47, v2;
	v9 =	vshll.u32 v9, $0x4  }
0x131: {  	vm14 =	veq.f32 v47, v2;
	v8 =	vshll.u32 v8, $0x4;
	vm15 =	vlt.s32 v9, v4  }
0x132: {  	vm11 =	veq.f32 v10, v7;
	vm12 =	vlt.s32 v8, v6;
	vm9 =	vmand vm14, vm15  }
0x133: {  	s3 =	sadd.s32 $0xFFFFFFFC, s5;
	vm13 =	vlt.f32 v10, v7;
	vm12 =	vmand vm11, vm12;
	vm8 =	vmor vm8, vm9  }
0x134: {  	(xrf1) =	vsort.ascd.msk.u32 $0xffff, v3, v3;
	v11 =	vsel vm10, s3, v12;
	vm9 =	vmor vm13, vm12;
	v2 =	vsel vm8, v47, v2  }
0x135: {  	v3 =	vsel vm9, v10, v7;
	v6 =	vsel vm9, v8, v6;
	v7 =	vshll.u32 v11, $0x4;
	(xrf1) =	vsort.ascd.msk.f32 $0xffff, v2, v2  }
0x136: {  	vm14 =	veq.f32 v13, v3;
	vm15 =	vlt.s32 v7, v6  }
0x137: {  	s18 =	sadd.s32 $0xFFFFFFFD, s5;
	vm12 =	vlt.f32 v59, v57;
	vm13 =	vlt.f32 v13, v3;
	vm9 =	vmand vm14, vm15  }
0x138: {  	v8 =	vsel vm12, v59, v57;
	v5 =	vsel vm12, s18, v5;
	vm9 =	vmor vm13, vm9  }
0x139: {  	v5 =	vshll.u32 v5, $0x4;
	v3 =	vsel vm9, v13, v3;
	v6 =	vsel vm9, v7, v6  }
0x13a: {  	v7 =	vsel vm7, s7, v46;
	vm7 =	veq.f32 v8, v3;
	vm9 =	vlt.s32 v5, v6  }
0x13b: {  	s19 =	sadd.s32 $0xFFFFFFFE, s5;
	vm14 =	vlt.f32 v53, v54;
	vm15 =	vlt.f32 v8, v3;
	vm7 =	vmand vm7, vm9  }
0x13c: {  	v10 =	vsel vm14, v53, v54;
	v11 =	vsel vm14, s19, v62;
	vm7 =	vmor vm15, vm7  }
0x13d: {  	v3 =	vsel vm7, v8, v3;
	v5 =	vsel vm7, v5, v6;
	v6 =	vshll.u32 v11, $0x4  }
0x13e: {  	s22 =	sadd.s32 $0xFFFFFFFF, s5;
	vm7 =	vlt.f32 v52, v51;
	vm9 =	veq.f32 v10, v3;
	vm10 =	vlt.s32 v6, v5  }
0x13f: {  	vm12 =	vlt.f32 v10, v3;
	v11 =	vsel vm7, s22, v56;
	vm9 =	vmand vm9, vm10  }
0x140: {  	vm11 =	vlt.f32 v58, v48;
	v8 =	vsel vm7, v52, v51;
	vm7 =	vmor vm12, vm9  }
0x141: {  	v3 =	vsel vm7, v10, v3;
	v5 =	vsel vm7, v6, v5;
	v6 =	vshll.u32 v11, $0x4  }
0x142: {  	v4 =	vsel vm8, v9, v4;
	v11, _, _ =	vpop (xrf1);
	vm7 =	veq.f32 v8, v3;
	vm12 =	vlt.s32 v6, v5  }
0x143: {  	v7 =	vsel vm11, s5, v7;
	vm13 =	vlt.f32 v8, v3;
	vm7 =	vmand vm7, vm12;
	v12, _, _ =	vpop (xrf1)  }
0x144: {  	v10 =	vsel vm11, v58, v48;
	vm7 =	vmor vm13, vm7;
	v9 =	vbroadcast v12, $0x0  }
0x145: {  	v3 =	vsel vm7, v8, v3;
	v5 =	vsel vm7, v6, v5;
	v6 =	vshll.u32 v7, $0x4  }
0x146: {  	v4 =	vor.u32 v42, v4;
	vm7 =	veq.f32 v10, v3;
	vm8 =	vlt.s32 v6, v5  }
0x147: {  	vm15 =	vlt.f32 v10, v3;
	vm14 =	veq.f32 v2, v9;
	vm7 =	vmand vm7, vm8  }
0x148: {  	v2 =	vnsel vm14, $0x4000, v4;
	vm7 =	vmor vm15, vm7  }
0x149: {  	(xrf1) =	vsort.ascd.msk.u32 $0xffff, v2, v2;
	v2 =	vsel vm7, v10, v3  }
0x14a: {  	(xrf1) =	vsort.ascd.msk.f32 $0xffff, v2, v2;
	_ =	sdelay $0xc  }
0x14b: {  	v3, _, _ =	vpop (xrf1)  }
0x14c: {  	v4, _, _ =	vpop (xrf1)  }
0x14d: {  	v4 =	vbroadcast v4, $0x0  }
0x14e: {  	v5 =	vsel vm7, v6, v5  }
0x14f: {  	v5 =	vor.u32 v42, v5;
	vm7 =	veq.f32 v2, v4  }
0x150: {  	v2 =	vnsel vm7, $0x4000, v5  }
0x151: {  	(xrf1) =	vsort.ascd.msk.u32 $0xffff, v2, v2;
	_ =	sdelay $0xa  }
0x152: {  	(v2sf) =	vpush v1, $0x0  }
0x153: {  	(v2sf) =	vpush v0, $0x0  }
0x154: {  	(v2sf) =	vpush v11, $0x0  }
0x155: {  	(v2sf) =	vpush v3, $0x0;
	v0, _, _ =	vpop (xrf1)  }
0x156: {  	(v2sf) =	vpush v0, $0x0;
	_ =	sdelay $0xa  }
0x157: {  	s1 =	spop (v2sf)  }
0x158: {  	s2 =	spop (v2sf)  }
0x159: {  	s3 =	spop (v2sf)  }
0x15a: {  	p0 =	seq.s32 s0, $0xA;
	s19 =	scvt.s32.f32 s1;
	s5 =	spop (v2sf)  }
0x15b: {  	s23 =	simm.s32 @!p0 $0x400;
	s18 =	sadd.s32 @!p0 s30, s13;
	s7 =	spop (v2sf)  }
0x15c: {  	s18 =	sshll.u32 @!p0 s18, $0xB;
	s19 =	smul.f32 $7.812500000e-03, s19;
	_ =	swait.ge [sflag:s26], $0x4000  }
0x15d: {  	s31 =	simm.s32 @!p0 $0x0;
	s18 =	sadd.s32 @!p0 s18, s14;
	[sflag:s26] =	ssyncset.done $0x0  }
0x15e: {  	s22 =	simm.s32 @!p0 $0x80;
	v0 =	vmov s19;
	s19 =	simm.s32 $0x4040;
	[sflag:s26] =	ssyncadd.s32 $0xFFFFC000  }
0x15f: {  	[tilespmem:s31], [sflag:$0x1] =	stream.strided.gather @!p0 [hbm4b:s18+s22], $0x4000, s23, s22, $0x38;
	[tilespmem:$0x10100] =	vst v63  }
0x160: {  	v2 =	vld [tilespmem:s19+$0xFFFFFFC0]  }
0x161: {  	v3 =	vld [tilespmem:s19+$0xFFFFFFD0]  }
0x162: {  	s1 =	sand.u32 $0x7F, s1;
	s23 =	scvt.s32.f32 s2;
	v4 =	vld [tilespmem:s19+$0xFFFFFFE0]  }
0x163: {  	s1 =	scvt.s32.f32 s1;
	s2 =	sand.u32 $0x7F, s2;
	s31 =	scvt.s32.f32 s3;
	v5 =	vld [tilespmem:s19+$0xFFFFFFF0]  }
0x164: {  	s2 =	scvt.s32.f32 s2;
	v6 =	vld [tilespmem:s19+$0x0];
	s18 =	smul.f32 $7.812500000e-03, s23  }
0x165: {  	v0 =	vsel vm0, s1, v0;
	v7 =	vld [tilespmem:s19+$0x10];
	s1 =	smul.f32 $7.812500000e-03, s31;
	s31 =	scvt.s32.f32 s7  }
0x166: {  	v9 =	vld [tilespmem:s19+$0x20];
	v0 =	vsel vm1, s18, v0  }
0x167: {  	s22 =	smul.f32 $7.812500000e-03, s31;
	v0 =	vsel vm2, s2, v0  }
0x168: {  	v13 =	vimm.f32 $+Inf;
	s3 =	sand.u32 $0x7F, s3;
	v0 =	vsel vm3, s1, v0  }
0x169: {  	s3 =	scvt.s32.f32 s3;
	s23 =	scvt.s32.f32 s5;
	s7 =	sand.u32 $0x7F, s7;
	v1 =	vmov s22;
	vm7 =	vlt.f32 v2, v13;
	vm8 =	vlt.f32 v3, v13  }
0x16a: {  	v16 =	vld [tilespmem:s19+$0x30];
	s31 =	scvt.s32.f32 s7;
	s1 =	simm.s32 $0x40C0;
	vm9 =	vlt.f32 v4, v13;
	vm10 =	vlt.f32 v5, v13;
	vm11 =	vlt.f32 v6, v13  }
0x16b: {  	s5 =	sand.u32 $0x7F, s5;
	s18 =	smul.f32 $7.812500000e-03, s23;
	vm12 =	vlt.f32 v7, v13;
	vm13 =	vlt.f32 v9, v13;
	v0 =	vsel vm4, s3, v0;
	v23 =	vld [tilespmem:s1+$0xFFFFFFC0]  }
0x16c: {  	s23 =	scvt.s32.f32 s5;
	v1 =	vsel vm0, s31, v1;
	v15 =	vld [tilespmem:s1+$0xFFFFFFD0];
	v18 =	vsel vm7, v2, v13;
	v17 =	vsel vm8, v3, v13  }
0x16d: {  	v24 =	vld [tilespmem:s1+$0xFFFFFFE0];
	v14 =	vsel vm9, v4, v13;
	v12 =	vsel vm10, v5, v13;
	v0 =	vsel vm5, s18, v0  }
0x16e: {  	v11 =	vld [tilespmem:s1+$0xFFFFFFF0];
	v8 =	vsel vm11, v6, v13;
	v7 =	vsel vm12, v7, v13;
	v0 =	vsel vm6, s23, v0  }
0x16f: {  	s5 =	simm.s32 $0x0;
	s7 =	simm.s32 $0x1;
	v10 =	vld [tilespmem:s1+$0x0];
	v3 =	vsel vm13, v9, v13;
	v0 =	vcombine.low v0, v1;
	v1 =	vimm.s32 $0x0  }
0x170: {  	s19 =	simm.s32 $0x3;
	v5 =	vld [tilespmem:s1+$0x10];
	s31 =	simm.s32 $0x6;
	s18 =	simm.s32 $0x2;
	v19 =	vsel vm7, s5, v1;
	vm7 =	vlt.f32 v16, v13;
	v22 =	vsel vm8, s7, v1  }
0x171: {  	s22 =	simm.s32 $0x4;
	v4 =	vld [tilespmem:s1+$0x20];
	s3 =	simm.s32 $0x4140;
	s23 =	simm.s32 $0x5;
	v21 =	vsel vm9, s18, v1;
	v20 =	vsel vm10, s19, v1;
	v9 =	vsel vm13, s31, v1  }
0x172: {  	v6 =	vld [tilespmem:s1+$0x30];
	s5 =	simm.s32 $0x7;
	s7 =	simm.s32 $0xF;
	s18 =	simm.s32 $0x17;
	v2 =	vsel vm7, v16, v13;
	v16 =	vsel vm11, s22, v1;
	v13 =	vsel vm12, s23, v1  }
.LBB2_13:
0x173: {  	v25 =	vld [tilespmem:s3+$0xFFFFFFC0];
	p1 =	sne.s32 s18, $0x3FF;
	s1 =	sadd.s32 $0xFFFFFFF9, s7;
	vm9 =	vlt.f32 v23, v18;
	vm8 =	vlt.f32 v15, v17;
	v1 =	vsel vm7, s5, v1;
	s5 =	smov.u32 s7  }
0x174: {  	s7 =	smov.u32 s18;
	v18 =	vsel vm9, v23, v18;
	v19 =	vsel vm9, s1, v19;
	v17 =	vsel vm8, v15, v17;
	v15 =	vld [tilespmem:s3+$0xFFFFFFD0]  }
0x175: {  	vm10 =	vlt.f32 v11, v12;
	vm9 =	vlt.f32 v24, v14;
	vm11 =	vlt.f32 v10, v8;
	v26 =	vld [tilespmem:s3+$0xFFFFFFE0]  }
.Ltmp5:
0x176: {  	v12 =	vsel vm10, v11, v12;
	v14 =	vsel vm9, v24, v14;
	v8 =	vsel vm11, v10, v8;
	v11 =	vld [tilespmem:s3+$0xFFFFFFF0];
	(pc) =	sbr.rel @p1 .LBB2_13-.Ltmp5, $4  }
0x177: {  	vm12 =	vlt.f32 v5, v7;
	vm13 =	vlt.f32 v4, v3;
	v10 =	vld [tilespmem:s3+$0x0];
	vm7 =	vlt.f32 v6, v2  }
0x178: {  	s1 =	sadd.s32 $0xFFFFFFFA, s5;
	s2 =	sadd.s32 $0xFFFFFFFB, s5;
	s19 =	sadd.s32 $0xFFFFFFFC, s5;
	v7 =	vsel vm12, v5, v7;
	v3 =	vsel vm13, v4, v3;
	v5 =	vld [tilespmem:s3+$0x10];
	v2 =	vsel vm7, v6, v2;
	v23 =	vmovc v25  }
0x179: {  	v22 =	vsel vm8, s1, v22;
	v21 =	vsel vm9, s2, v21;
	v20 =	vsel vm10, s19, v20;
	s1 =	sadd.s32 $0xFFFFFFFD, s5;
	s2 =	sadd.s32 $0xFFFFFFFE, s5;
	s19 =	sadd.s32 $0xFFFFFFFF, s5;
	v4 =	vld [tilespmem:s3+$0x20]  }
0x17a: {  	s18 =	sadd.s32 $0x8, s18;
	v16 =	vsel vm11, s1, v16;
	v13 =	vsel vm12, s2, v13;
	v9 =	vsel vm13, s19, v9;
	v6 =	vld [tilespmem:s3+$0x30];
	s3 =	sadd.s32 $0x80, s3;
	v24 =	vmovc v26  }
0x17b: {  	s1 =	sadd.s32 $0xFFFFFFF9, s7;
	vm8 =	vlt.f32 v23, v18;
	vm9 =	vlt.f32 v15, v17;
	s2 =	sadd.s32 $0xFFFFFFFA, s7  }
0x17c: {  	v18 =	vsel vm8, v23, v18;
	v19 =	vsel vm8, s1, v19;
	v22 =	vsel vm9, s2, v22  }
0x17d: {  	v15 =	vsel vm9, v15, v17;
	v17 =	vshll.u32 v19, $0x4;
	v19 =	vshll.u32 v22, $0x4  }
0x17e: {  	vm8 =	veq.f32 v15, v18;
	vm12 =	vlt.s32 v19, v17  }
0x17f: {  	vm10 =	vlt.f32 v24, v14;
	s3 =	sadd.s32 $0xFFFFFFFB, s7;
	vm11 =	vlt.f32 v15, v18;
	vm8 =	vmand vm8, vm12  }
0x180: {  	v14 =	vsel vm10, v24, v14;
	v21 =	vsel vm10, s3, v21;
	vm8 =	vmor vm11, vm8  }
0x181: {  	v15 =	vsel vm8, v15, v18;
	v17 =	vsel vm8, v19, v17;
	v18 =	vshll.u32 v21, $0x4  }
0x182: {  	vm8 =	veq.f32 v14, v15;
	vm13 =	vlt.s32 v18, v17  }
0x183: {  	vm14 =	vlt.f32 v11, v12;
	s18 =	sadd.s32 $0xFFFFFFFC, s7;
	vm15 =	vlt.f32 v14, v15;
	vm8 =	vmand vm8, vm13  }
0x184: {  	v11 =	vsel vm14, v11, v12;
	v12 =	vsel vm14, s18, v20;
	vm8 =	vmor vm15, vm8  }
0x185: {  	v12 =	vshll.u32 v12, $0x4;
	v14 =	vsel vm8, v14, v15;
	v15 =	vsel vm8, v18, v17  }
0x186: {  	vm8 =	veq.f32 v11, v14;
	vm12 =	vlt.s32 v12, v15  }
0x187: {  	s19 =	sadd.s32 $0xFFFFFFFD, s7;
	vm13 =	vlt.f32 v10, v8;
	vm14 =	vlt.f32 v11, v14;
	vm8 =	vmand vm8, vm12  }
0x188: {  	v8 =	vsel vm13, v10, v8;
	v10 =	vsel vm13, s19, v16;
	vm8 =	vmor vm14, vm8  }
0x189: {  	v10 =	vshll.u32 v10, $0x4;
	v11 =	vsel vm8, v11, v14;
	v12 =	vsel vm8, v12, v15  }
0x18a: {  	vm8 =	veq.f32 v8, v11;
	vm15 =	vlt.s32 v10, v12  }
0x18b: {  	s22 =	sadd.s32 $0xFFFFFFFE, s7;
	vm12 =	vlt.f32 v5, v7;
	vm13 =	vlt.f32 v8, v11;
	vm8 =	vmand vm8, vm15  }
0x18c: {  	v5 =	vsel vm12, v5, v7;
	v7 =	vsel vm12, s22, v13;
	vm8 =	vmor vm13, vm8  }
0x18d: {  	v7 =	vshll.u32 v7, $0x4;
	v8 =	vsel vm8, v8, v11;
	v10 =	vsel vm8, v10, v12  }
0x18e: {  	vm8 =	veq.f32 v5, v8;
	vm14 =	vlt.s32 v7, v10  }
0x18f: {  	s23 =	sadd.s32 $0xFFFFFFFF, s7;
	vm15 =	vlt.f32 v4, v3;
	vm12 =	vlt.f32 v5, v8;
	vm8 =	vmand vm8, vm14  }
0x190: {  	v3 =	vsel vm15, v4, v3;
	v4 =	vsel vm15, s23, v9;
	vm8 =	vmor vm12, vm8  }
0x191: {  	v4 =	vshll.u32 v4, $0x4;
	v5 =	vsel vm8, v5, v8;
	v7 =	vsel vm8, v7, v10  }
0x192: {  	v1 =	vsel vm7, s5, v1;
	vm7 =	veq.f32 v3, v5;
	vm8 =	vlt.s32 v4, v7  }
0x193: {  	vm13 =	vlt.f32 v6, v2;
	vm14 =	vlt.f32 v3, v5;
	vm7 =	vmand vm7, vm8  }
0x194: {  	v2 =	vsel vm13, v6, v2;
	v1 =	vsel vm13, s7, v1;
	vm7 =	vmor vm14, vm7  }
0x195: {  	v1 =	vshll.u32 v1, $0x4;
	v3 =	vsel vm7, v3, v5;
	v4 =	vsel vm7, v4, v7  }
0x196: {  	vm7 =	veq.f32 v2, v3;
	vm8 =	vlt.s32 v1, v4  }
0x197: {  	vm15 =	vlt.f32 v2, v3;
	vm7 =	vmand vm7, vm8  }
0x198: {  	vm7 =	vmor vm15, vm7  }
0x199: {  	v2 =	vsel vm7, v2, v3  }
0x19a: {  	(xrf1) =	vsort.ascd.msk.f32 $0xffff, v2, v2;
	_ =	sdelay $0xd  }
0x19b: {  	v3, _, _ =	vpop (xrf1)  }
0x19c: {  	v3 =	vbroadcast v3, $0x0  }
0x19d: {  	v1 =	vsel vm7, v1, v4  }
0x19e: {  	v1 =	vor.u32 v42, v1;
	vm7 =	veq.f32 v2, v3  }
0x19f: {  	v1 =	vnsel vm7, $0x4000, v1  }
0x1a0: {  	(xrf1) =	vsort.ascd.msk.u32 $0xffff, v1, v1;
	_ =	sdelay $0xd  }
0x1a1: {  	v1, _, _ =	vpop (xrf1)  }
0x1a2: {  	(v2sf) =	vpush v1, $0x0;
	_ =	sdelay $0xe  }
0x1a3: {  	s31 =	spop (v2sf)  }
0x1a4: {  	s5 =	simm.s32 @!p0 $0x400;
	s2 =	sadd.s32 @!p0 s30, s15;
	_ =	swait.ge [sflag:s28], $0x4000  }
0x1a5: {  	s3 =	simm.s32 @!p0 $0x80;
	s2 =	sshll.u32 @!p0 s2, $0xB;
	[sflag:s28] =	ssyncset.done $0x0  }
0x1a6: {  	s2 =	sadd.s32 @!p0 s2, s16;
	s7 =	simm.s32 @!p0 $0x4000;
	[sflag:s28] =	ssyncadd.s32 $0xFFFFC000  }
0x1a7: {  	[tilespmem:s7], [sflag:$0x2] =	stream.strided.gather @!p0 [hbm4b:s2+s3], $0x4000, s5, s3, $0x38;
	[tilespmem:$0x10100] =	vst v63  }
0x1a8: {  	s5 =	simm.s32 $0x8040  }
0x1a9: {  	v2 =	vld [tilespmem:s5+$0xFFFFFFC0]  }
0x1aa: {  	v3 =	vld [tilespmem:s5+$0xFFFFFFD0]  }
0x1ab: {  	v4 =	vld [tilespmem:s5+$0xFFFFFFE0]  }
0x1ac: {  	s7 =	scvt.s32.f32 s31;
	v5 =	vld [tilespmem:s5+$0xFFFFFFF0]  }
0x1ad: {  	v6 =	vld [tilespmem:s5+$0x0]  }
0x1ae: {  	s1 =	sand.u32 $0x7F, s31;
	v7 =	vld [tilespmem:s5+$0x10];
	s3 =	smul.f32 $7.812500000e-03, s7  }
0x1af: {  	vm7 =	veq.s32 v42, $0xA;
	s1 =	scvt.s32.f32 s1;
	v9 =	vld [tilespmem:s5+$0x20]  }
0x1b0: {  	v0 =	vsel vm7, s3, v0;
	vm7 =	veq.s32 v42, $0xB  }
0x1b1: {  	v13 =	vimm.f32 $+Inf;
	v16 =	vld [tilespmem:s5+$0x30];
	v0 =	vsel vm7, s1, v0;
	s1 =	simm.s32 $0x80C0  }
0x1b2: {  	v1 =	vimm.s32 $0x0;
	v23 =	vld [tilespmem:s1+$0xFFFFFFC0];
	vm7 =	vlt.f32 v2, v13;
	vm8 =	vlt.f32 v3, v13  }
0x1b3: {  	v15 =	vld [tilespmem:s1+$0xFFFFFFD0];
	vm9 =	vlt.f32 v4, v13;
	vm10 =	vlt.f32 v5, v13;
	vm11 =	vlt.f32 v6, v13  }
0x1b4: {  	s18 =	simm.s32 $0x0;
	v24 =	vld [tilespmem:s1+$0xFFFFFFE0];
	vm12 =	vlt.f32 v7, v13;
	vm13 =	vlt.f32 v9, v13;
	v18 =	vsel vm7, v2, v13  }
0x1b5: {  	v11 =	vld [tilespmem:s1+$0xFFFFFFF0];
	v19 =	vsel vm7, s18, v1;
	v17 =	vsel vm8, v3, v13;
	v14 =	vsel vm9, v4, v13  }
0x1b6: {  	s19 =	simm.s32 $0x1;
	v10 =	vld [tilespmem:s1+$0x0];
	v12 =	vsel vm10, v5, v13;
	v8 =	vsel vm11, v6, v13;
	vm7 =	vlt.f32 v16, v13  }
0x1b7: {  	s22 =	simm.s32 $0x2;
	s23 =	simm.s32 $0x3;
	s31 =	simm.s32 $0x4;
	v5 =	vld [tilespmem:s1+$0x10];
	v7 =	vsel vm12, v7, v13;
	v3 =	vsel vm13, v9, v13;
	v22 =	vsel vm8, s19, v1  }
0x1b8: {  	s5 =	simm.s32 $0x7;
	v4 =	vld [tilespmem:s1+$0x20];
	v21 =	vsel vm9, s22, v1;
	v20 =	vsel vm10, s23, v1;
	s19 =	simm.s32 $0x5;
	s22 =	simm.s32 $0x6;
	v2 =	vsel vm7, v16, v13  }
0x1b9: {  	s7 =	simm.s32 $0xF;
	s3 =	simm.s32 $0x8140;
	v6 =	vld [tilespmem:s1+$0x30];
	s18 =	simm.s32 $0x17;
	v16 =	vsel vm11, s31, v1;
	v13 =	vsel vm12, s19, v1;
	v9 =	vsel vm13, s22, v1  }
.LBB2_15:
0x1ba: {  	v25 =	vld [tilespmem:s3+$0xFFFFFFC0];
	p1 =	sne.s32 s18, $0x3FF;
	s1 =	sadd.s32 $0xFFFFFFF9, s7;
	vm9 =	vlt.f32 v23, v18;
	vm8 =	vlt.f32 v15, v17;
	v1 =	vsel vm7, s5, v1;
	s5 =	smov.u32 s7  }
0x1bb: {  	s7 =	smov.u32 s18;
	v18 =	vsel vm9, v23, v18;
	v19 =	vsel vm9, s1, v19;
	v17 =	vsel vm8, v15, v17;
	v15 =	vld [tilespmem:s3+$0xFFFFFFD0]  }
0x1bc: {  	vm10 =	vlt.f32 v11, v12;
	vm9 =	vlt.f32 v24, v14;
	vm11 =	vlt.f32 v10, v8;
	v26 =	vld [tilespmem:s3+$0xFFFFFFE0]  }
.Ltmp6:
0x1bd: {  	v12 =	vsel vm10, v11, v12;
	v14 =	vsel vm9, v24, v14;
	v8 =	vsel vm11, v10, v8;
	v11 =	vld [tilespmem:s3+$0xFFFFFFF0];
	(pc) =	sbr.rel @p1 .LBB2_15-.Ltmp6, $4  }
0x1be: {  	vm12 =	vlt.f32 v5, v7;
	vm13 =	vlt.f32 v4, v3;
	v10 =	vld [tilespmem:s3+$0x0];
	vm7 =	vlt.f32 v6, v2  }
0x1bf: {  	s1 =	sadd.s32 $0xFFFFFFFA, s5;
	s2 =	sadd.s32 $0xFFFFFFFB, s5;
	s19 =	sadd.s32 $0xFFFFFFFC, s5;
	v7 =	vsel vm12, v5, v7;
	v3 =	vsel vm13, v4, v3;
	v5 =	vld [tilespmem:s3+$0x10];
	v2 =	vsel vm7, v6, v2;
	v23 =	vmovc v25  }
0x1c0: {  	v22 =	vsel vm8, s1, v22;
	v21 =	vsel vm9, s2, v21;
	v20 =	vsel vm10, s19, v20;
	s1 =	sadd.s32 $0xFFFFFFFD, s5;
	s2 =	sadd.s32 $0xFFFFFFFE, s5;
	s19 =	sadd.s32 $0xFFFFFFFF, s5;
	v4 =	vld [tilespmem:s3+$0x20]  }
0x1c1: {  	s18 =	sadd.s32 $0x8, s18;
	v16 =	vsel vm11, s1, v16;
	v13 =	vsel vm12, s2, v13;
	v9 =	vsel vm13, s19, v9;
	v6 =	vld [tilespmem:s3+$0x30];
	s3 =	sadd.s32 $0x80, s3;
	v24 =	vmovc v26  }
0x1c2: {  	s1 =	sadd.s32 $0xFFFFFFF9, s7;
	vm8 =	vlt.f32 v23, v18;
	vm9 =	vlt.f32 v15, v17;
	s2 =	sadd.s32 $0xFFFFFFFA, s7  }
0x1c3: {  	v18 =	vsel vm8, v23, v18;
	v19 =	vsel vm8, s1, v19;
	v22 =	vsel vm9, s2, v22  }
0x1c4: {  	v15 =	vsel vm9, v15, v17;
	v17 =	vshll.u32 v19, $0x4;
	v19 =	vshll.u32 v22, $0x4  }
0x1c5: {  	vm8 =	veq.f32 v15, v18;
	vm12 =	vlt.s32 v19, v17  }
0x1c6: {  	vm10 =	vlt.f32 v24, v14;
	s3 =	sadd.s32 $0xFFFFFFFB, s7;
	vm11 =	vlt.f32 v15, v18;
	vm8 =	vmand vm8, vm12  }
0x1c7: {  	v14 =	vsel vm10, v24, v14;
	v21 =	vsel vm10, s3, v21;
	vm8 =	vmor vm11, vm8  }
0x1c8: {  	v15 =	vsel vm8, v15, v18;
	v17 =	vsel vm8, v19, v17;
	v18 =	vshll.u32 v21, $0x4  }
0x1c9: {  	vm8 =	veq.f32 v14, v15;
	vm13 =	vlt.s32 v18, v17  }
0x1ca: {  	vm14 =	vlt.f32 v11, v12;
	s18 =	sadd.s32 $0xFFFFFFFC, s7;
	vm15 =	vlt.f32 v14, v15;
	vm8 =	vmand vm8, vm13  }
0x1cb: {  	v11 =	vsel vm14, v11, v12;
	v12 =	vsel vm14, s18, v20;
	vm8 =	vmor vm15, vm8  }
0x1cc: {  	v12 =	vshll.u32 v12, $0x4;
	v14 =	vsel vm8, v14, v15;
	v15 =	vsel vm8, v18, v17  }
0x1cd: {  	vm8 =	veq.f32 v11, v14;
	vm12 =	vlt.s32 v12, v15  }
0x1ce: {  	s19 =	sadd.s32 $0xFFFFFFFD, s7;
	vm13 =	vlt.f32 v10, v8;
	vm14 =	vlt.f32 v11, v14;
	vm8 =	vmand vm8, vm12  }
0x1cf: {  	v8 =	vsel vm13, v10, v8;
	v10 =	vsel vm13, s19, v16;
	vm8 =	vmor vm14, vm8  }
0x1d0: {  	v10 =	vshll.u32 v10, $0x4;
	v11 =	vsel vm8, v11, v14;
	v12 =	vsel vm8, v12, v15  }
0x1d1: {  	vm8 =	veq.f32 v8, v11;
	vm15 =	vlt.s32 v10, v12  }
0x1d2: {  	s22 =	sadd.s32 $0xFFFFFFFE, s7;
	vm12 =	vlt.f32 v5, v7;
	vm13 =	vlt.f32 v8, v11;
	vm8 =	vmand vm8, vm15  }
0x1d3: {  	v5 =	vsel vm12, v5, v7;
	v7 =	vsel vm12, s22, v13;
	vm8 =	vmor vm13, vm8  }
0x1d4: {  	v7 =	vshll.u32 v7, $0x4;
	v8 =	vsel vm8, v8, v11;
	v10 =	vsel vm8, v10, v12  }
0x1d5: {  	vm8 =	veq.f32 v5, v8;
	vm14 =	vlt.s32 v7, v10  }
0x1d6: {  	s23 =	sadd.s32 $0xFFFFFFFF, s7;
	vm15 =	vlt.f32 v4, v3;
	vm12 =	vlt.f32 v5, v8;
	vm8 =	vmand vm8, vm14  }
0x1d7: {  	v3 =	vsel vm15, v4, v3;
	v4 =	vsel vm15, s23, v9;
	vm8 =	vmor vm12, vm8  }
0x1d8: {  	v4 =	vshll.u32 v4, $0x4;
	v5 =	vsel vm8, v5, v8;
	v7 =	vsel vm8, v7, v10  }
0x1d9: {  	v1 =	vsel vm7, s5, v1;
	vm7 =	veq.f32 v3, v5;
	vm8 =	vlt.s32 v4, v7  }
0x1da: {  	vm13 =	vlt.f32 v6, v2;
	vm14 =	vlt.f32 v3, v5;
	vm7 =	vmand vm7, vm8  }
0x1db: {  	v2 =	vsel vm13, v6, v2;
	v1 =	vsel vm13, s7, v1;
	vm7 =	vmor vm14, vm7  }
0x1dc: {  	v1 =	vshll.u32 v1, $0x4;
	v3 =	vsel vm7, v3, v5;
	v4 =	vsel vm7, v4, v7  }
0x1dd: {  	vm7 =	veq.f32 v2, v3;
	vm8 =	vlt.s32 v1, v4  }
0x1de: {  	vm15 =	vlt.f32 v2, v3;
	vm7 =	vmand vm7, vm8  }
0x1df: {  	vm7 =	vmor vm15, vm7  }
0x1e0: {  	v2 =	vsel vm7, v2, v3  }
0x1e1: {  	(xrf1) =	vsort.ascd.msk.f32 $0xffff, v2, v2;
	_ =	sdelay $0xd  }
0x1e2: {  	v3, _, _ =	vpop (xrf1)  }
0x1e3: {  	v3 =	vbroadcast v3, $0x0  }
0x1e4: {  	v1 =	vsel vm7, v1, v4  }
0x1e5: {  	v1 =	vor.u32 v42, v1;
	vm7 =	veq.f32 v2, v3  }
0x1e6: {  	v1 =	vnsel vm7, $0x4000, v1  }
0x1e7: {  	(xrf1) =	vsort.ascd.msk.u32 $0xffff, v1, v1;
	_ =	sdelay $0xd  }
0x1e8: {  	v1, _, _ =	vpop (xrf1)  }
0x1e9: {  	(v2sf) =	vpush v1, $0x0;
	_ =	sdelay $0xd  }
0x1ea: {  	s1 =	sadd.s32 @!p0 s30, s17  }
0x1eb: {  	s1 =	sshll.u32 @!p0 s1, $0xB;
	s31 =	spop (v2sf)  }
0x1ec: {  	s5 =	simm.s32 @!p0 $0x400;
	s1 =	sadd.s32 @!p0 $0x1800, s1;
	_ =	swait.ge [sflag:s29], $0x4000  }
0x1ed: {  	s3 =	simm.s32 @!p0 $0x80;
	s1 =	sand.u32 @!p0 $0x1FFFC000, s1;
	[sflag:s29] =	ssyncset.done $0x0  }
0x1ee: {  	s1 =	sadd.s32 @!p0 s1, s6;
	s7 =	simm.s32 @!p0 $0x8000;
	[sflag:s29] =	ssyncadd.s32 $0xFFFFC000  }
0x1ef: {  	[tilespmem:s7], [sflag:$0x3] =	stream.strided.gather @!p0 [hbm4b:s1+s3], $0x4000, s5, s3, $0x38;
	[tilespmem:$0x10100] =	vst v63  }
0x1f0: {  	s5 =	simm.s32 $0xC040  }
0x1f1: {  	v2 =	vld [tilespmem:s5+$0xFFFFFFC0]  }
0x1f2: {  	v3 =	vld [tilespmem:s5+$0xFFFFFFD0]  }
0x1f3: {  	v4 =	vld [tilespmem:s5+$0xFFFFFFE0]  }
0x1f4: {  	v5 =	vld [tilespmem:s5+$0xFFFFFFF0]  }
0x1f5: {  	s7 =	scvt.s32.f32 s31;
	v6 =	vld [tilespmem:s5+$0x0]  }
0x1f6: {  	v7 =	vld [tilespmem:s5+$0x10]  }
0x1f7: {  	s2 =	sand.u32 $0x7F, s31;
	v9 =	vld [tilespmem:s5+$0x20];
	s3 =	smul.f32 $7.812500000e-03, s7  }
0x1f8: {  	v13 =	vimm.f32 $+Inf;
	vm7 =	veq.s32 v42, $0xC;
	s2 =	scvt.s32.f32 s2  }
0x1f9: {  	s18 =	simm.s32 $0xC0C0;
	v1 =	vimm.s32 $0x0;
	v16 =	vld [tilespmem:s5+$0x30];
	v0 =	vsel vm7, s3, v0;
	vm7 =	veq.s32 v42, $0xD  }
0x1fa: {  	v23 =	vld [tilespmem:s18+$0xFFFFFFC0];
	v0 =	vsel vm7, s2, v0;
	vm7 =	vlt.f32 v2, v13;
	vm8 =	vlt.f32 v3, v13  }
0x1fb: {  	v15 =	vld [tilespmem:s18+$0xFFFFFFD0];
	vm9 =	vlt.f32 v4, v13;
	vm10 =	vlt.f32 v5, v13;
	vm11 =	vlt.f32 v6, v13  }
0x1fc: {  	s19 =	simm.s32 $0x0;
	v24 =	vld [tilespmem:s18+$0xFFFFFFE0];
	vm12 =	vlt.f32 v7, v13;
	vm13 =	vlt.f32 v9, v13;
	v18 =	vsel vm7, v2, v13  }
0x1fd: {  	v11 =	vld [tilespmem:s18+$0xFFFFFFF0];
	v19 =	vsel vm7, s19, v1;
	v17 =	vsel vm8, v3, v13;
	v14 =	vsel vm9, v4, v13  }
0x1fe: {  	s22 =	simm.s32 $0x1;
	v10 =	vld [tilespmem:s18+$0x0];
	v12 =	vsel vm10, v5, v13;
	v8 =	vsel vm11, v6, v13;
	vm7 =	vlt.f32 v16, v13  }
0x1ff: {  	s30 =	simm.s32 $0x3;
	s23 =	simm.s32 $0x2;
	s31 =	simm.s32 $0x4;
	v5 =	vld [tilespmem:s18+$0x10];
	v7 =	vsel vm12, v7, v13;
	v3 =	vsel vm13, v9, v13;
	v22 =	vsel vm8, s22, v1  }
0x200: {  	s5 =	simm.s32 $0x7;
	v4 =	vld [tilespmem:s18+$0x20];
	v21 =	vsel vm9, s23, v1;
	v20 =	vsel vm10, s30, v1;
	s19 =	simm.s32 $0x5;
	s22 =	simm.s32 $0x6;
	v2 =	vsel vm7, v16, v13  }
0x201: {  	s7 =	simm.s32 $0xF;
	s3 =	simm.s32 $0xC140;
	v6 =	vld [tilespmem:s18+$0x30];
	s18 =	simm.s32 $0x17;
	v16 =	vsel vm11, s31, v1;
	v13 =	vsel vm12, s19, v1;
	v9 =	vsel vm13, s22, v1  }
.LBB2_17:
0x202: {  	v25 =	vld [tilespmem:s3+$0xFFFFFFC0];
	p0 =	sne.s32 s18, $0x3FF;
	s1 =	sadd.s32 $0xFFFFFFF9, s7;
	vm9 =	vlt.f32 v23, v18;
	vm8 =	vlt.f32 v15, v17;
	v1 =	vsel vm7, s5, v1;
	s5 =	smov.u32 s7  }
0x203: {  	s7 =	smov.u32 s18;
	v18 =	vsel vm9, v23, v18;
	v19 =	vsel vm9, s1, v19;
	v17 =	vsel vm8, v15, v17;
	v15 =	vld [tilespmem:s3+$0xFFFFFFD0]  }
0x204: {  	vm10 =	vlt.f32 v11, v12;
	vm9 =	vlt.f32 v24, v14;
	vm11 =	vlt.f32 v10, v8;
	v26 =	vld [tilespmem:s3+$0xFFFFFFE0]  }
.Ltmp7:
0x205: {  	v12 =	vsel vm10, v11, v12;
	v14 =	vsel vm9, v24, v14;
	v8 =	vsel vm11, v10, v8;
	v11 =	vld [tilespmem:s3+$0xFFFFFFF0];
	(pc) =	sbr.rel @p0 .LBB2_17-.Ltmp7, $4  }
0x206: {  	vm12 =	vlt.f32 v5, v7;
	vm13 =	vlt.f32 v4, v3;
	v10 =	vld [tilespmem:s3+$0x0];
	vm7 =	vlt.f32 v6, v2  }
0x207: {  	s1 =	sadd.s32 $0xFFFFFFFA, s5;
	s2 =	sadd.s32 $0xFFFFFFFB, s5;
	s19 =	sadd.s32 $0xFFFFFFFC, s5;
	v7 =	vsel vm12, v5, v7;
	v3 =	vsel vm13, v4, v3;
	v5 =	vld [tilespmem:s3+$0x10];
	v2 =	vsel vm7, v6, v2;
	v23 =	vmovc v25  }
0x208: {  	v22 =	vsel vm8, s1, v22;
	v21 =	vsel vm9, s2, v21;
	v20 =	vsel vm10, s19, v20;
	s1 =	sadd.s32 $0xFFFFFFFD, s5;
	s2 =	sadd.s32 $0xFFFFFFFE, s5;
	s19 =	sadd.s32 $0xFFFFFFFF, s5;
	v4 =	vld [tilespmem:s3+$0x20]  }
0x209: {  	s18 =	sadd.s32 $0x8, s18;
	v16 =	vsel vm11, s1, v16;
	v13 =	vsel vm12, s2, v13;
	v9 =	vsel vm13, s19, v9;
	v6 =	vld [tilespmem:s3+$0x30];
	s3 =	sadd.s32 $0x80, s3;
	v24 =	vmovc v26  }
0x20a: {  	s1 =	sadd.s32 $0xFFFFFFF9, s7;
	vm8 =	vlt.f32 v23, v18;
	vm9 =	vlt.f32 v15, v17;
	s2 =	sadd.s32 $0xFFFFFFFA, s7  }
0x20b: {  	v18 =	vsel vm8, v23, v18;
	v19 =	vsel vm8, s1, v19;
	v22 =	vsel vm9, s2, v22  }
0x20c: {  	v15 =	vsel vm9, v15, v17;
	v55 =	vshll.u32 v19, $0x4;
	v56 =	vshll.u32 v22, $0x4  }
0x20d: {  	vm8 =	veq.f32 v15, v18;
	vm12 =	vlt.s32 v56, v55  }
0x20e: {  	vm10 =	vlt.f32 v24, v14;
	s2 =	sadd.s32 $0xFFFFFFFB, s7;
	vm11 =	vlt.f32 v15, v18;
	vm8 =	vmand vm8, vm12  }
0x20f: {  	v14 =	vsel vm10, v24, v14;
	v21 =	vsel vm10, s2, v21;
	vm8 =	vmor vm11, vm8  }
0x210: {  	v57 =	vshll.u32 v21, $0x4;
	v15 =	vsel vm8, v15, v18;
	v17 =	vsel vm8, v56, v55  }
0x211: {  	vm8 =	veq.f32 v14, v15;
	vm13 =	vlt.s32 v57, v17  }
0x212: {  	vm14 =	vlt.f32 v11, v12;
	s3 =	sadd.s32 $0xFFFFFFFC, s7;
	vm15 =	vlt.f32 v14, v15;
	vm8 =	vmand vm8, vm13  }
0x213: {  	v11 =	vsel vm14, v11, v12;
	v58 =	vsel vm14, s3, v20;
	vm8 =	vmor vm15, vm8  }
0x214: {  	v12 =	vshll.u32 v58, $0x4;
	v14 =	vsel vm8, v14, v15;
	v59 =	vsel vm8, v57, v17  }
0x215: {  	vm8 =	veq.f32 v11, v14;
	vm12 =	vlt.s32 v12, v59  }
0x216: {  	s18 =	sadd.s32 $0xFFFFFFFD, s7;
	vm13 =	vlt.f32 v10, v8;
	vm14 =	vlt.f32 v11, v14;
	vm8 =	vmand vm8, vm12  }
0x217: {  	v8 =	vsel vm13, v10, v8;
	v60 =	vsel vm13, s18, v16;
	vm8 =	vmor vm14, vm8  }
0x218: {  	v10 =	vshll.u32 v60, $0x4;
	v11 =	vsel vm8, v11, v14;
	v12 =	vsel vm8, v12, v59  }
0x219: {  	vm8 =	veq.f32 v8, v11;
	vm15 =	vlt.s32 v10, v12  }
0x21a: {  	s19 =	sadd.s32 $0xFFFFFFFE, s7;
	vm12 =	vlt.f32 v5, v7;
	vm13 =	vlt.f32 v8, v11;
	vm8 =	vmand vm8, vm15  }
0x21b: {  	v5 =	vsel vm12, v5, v7;
	v61 =	vsel vm12, s19, v13;
	vm8 =	vmor vm13, vm8  }
0x21c: {  	v7 =	vshll.u32 v61, $0x4;
	v8 =	vsel vm8, v8, v11;
	v10 =	vsel vm8, v10, v12  }
0x21d: {  	vm8 =	veq.f32 v5, v8;
	vm14 =	vlt.s32 v7, v10  }
0x21e: {  	s22 =	sadd.s32 $0xFFFFFFFF, s7;
	vm15 =	vlt.f32 v4, v3;
	vm12 =	vlt.f32 v5, v8;
	vm8 =	vmand vm8, vm14  }
0x21f: {  	v3 =	vsel vm15, v4, v3;
	v62 =	vsel vm15, s22, v9;
	vm8 =	vmor vm12, vm8  }
0x220: {  	v4 =	vshll.u32 v62, $0x4;
	v5 =	vsel vm8, v5, v8;
	v7 =	vsel vm8, v7, v10  }
0x221: {  	v1 =	vsel vm7, s5, v1;
	vm7 =	veq.f32 v3, v5;
	vm8 =	vlt.s32 v4, v7  }
0x222: {  	vm13 =	vlt.f32 v6, v2;
	vm14 =	vlt.f32 v3, v5;
	vm7 =	vmand vm7, vm8  }
0x223: {  	v2 =	vsel vm13, v6, v2;
	v1 =	vsel vm13, s7, v1;
	vm7 =	vmor vm14, vm7  }
0x224: {  	v1 =	vshll.u32 v1, $0x4;
	v3 =	vsel vm7, v3, v5;
	v4 =	vsel vm7, v4, v7  }
0x225: {  	vm7 =	veq.f32 v2, v3;
	vm8 =	vlt.s32 v1, v4  }
0x226: {  	vm15 =	vlt.f32 v2, v3;
	vm7 =	vmand vm7, vm8  }
0x227: {  	vm7 =	vmor vm15, vm7  }
0x228: {  	v2 =	vsel vm7, v2, v3  }
0x229: {  	(xrf1) =	vsort.ascd.msk.f32 $0xffff, v2, v2;
	_ =	sdelay $0xd  }
0x22a: {  	v63, _, _ =	vpop (xrf1)  }
0x22b: {  	v3 =	vbroadcast v63, $0x0  }
0x22c: {  	v1 =	vsel vm7, v1, v4  }
0x22d: {  	v1 =	vor.u32 v42, v1;
	vm7 =	veq.f32 v2, v3  }
0x22e: {  	v1 =	vnsel vm7, $0x4000, v1  }
0x22f: {  	(xrf1) =	vsort.ascd.msk.u32 $0xffff, v1, v1;
	_ =	sdelay $0xd  }
0x230: {  	v1, _, _ =	vpop (xrf1)  }
0x231: {  	(v2sf) =	vpush v1, $0x0;
	_ =	sdelay $0xe  }
0x232: {  	s23 =	spop (v2sf)  }
0x233: {  	s30 =	scvt.s32.f32 s23  }
0x234: {  	s3 =	sshll.u32 s0, $0x4;
	s0 =	sadd.s32 $0x1, s0  }
0x235: {  	p0 =	sne.s32 s0, $0xB;
	s2 =	smul.f32 $7.812500000e-03, s30  }
.Ltmp8:
0x236: {  	s1 =	sand.u32 $0x7F, s23;
	(pc) =	sbr.rel @p0 .LBB2_2-.Ltmp8, $4  }
0x237: {  	vm7 =	veq.s32 v42, $0xE;
	s1 =	scvt.s32.f32 s1  }
0x238: {  	v0 =	vsel vm7, s2, v0;
	vm7 =	veq.s32 v42, $0xF  }
0x239: {  	s31 =	sand.u32 $0x3FFFFFF0, s3;
	v0 =	vsel vm7, s1, v0  }
0x23a: {  	[tilespmem:s31+$0x10000] =	vst v0  }
0x23b: {  	s0 =	rddreg [dreg:$0x6];
	s1 =	simm.s32 $0x10000;
	s30 =	simm.s32 $0x5  }
0x23c: {  	[hbm4b:s0+s20] =	stream.strided.scatter [tilespmem:s1], [sflag:$0x5], $0x100, s21, s20, $0x38;
	[tilespmem:$0x10100] =	vst v63  }
0x23d: {  	_ =	swait.ge [sflag:s30], $0x100  }
0x23e: {  	s2 =	rddreg [dreg:$0x8]  }
0x23f: {  	s31 =	rddreg [dreg:$0x7];
	s2 =	sadd.s32 $0x1, s2  }
0x240: {  	p0 =	sne.s32 s2, s31  }
.Ltmp9:
0x241: {  	_ = 	snop;
	(pc) =	sbr.rel @p0 .LBB2_1-.Ltmp9, $3  }
0x242: {  	_ =	sdelay $0x1  }
0x243: {  	[sflag:s30] =	ssyncset.done $0x0  }
0x244: {  	[sflag:s30] =	ssyncadd.s32 $0xFFFFFF00  }
0x245: {  	_ =	sfence.sel $0x180000  }
0x246: {  	[bflag:$0x0] =	sbarrier.arrive $0xFFFF  }
0x247: {  	_ =	strace $0x90000047  }
0x248: {  	s0 =	stileid.u32;
	[bflag:$0x2] =	sbarrier.arrive $0xFFFF  }
0x249: {  	p0 =	sne.s32 s0, $0x0;
	s0 =	rddreg [dreg:$0x2]  }
0x24a: {  	s0 =	sadd.s32 @!p0 $0x100000, s0  }
0x24b: {  	[sflag:s0] =	ssyncadd.tile.s32 @!p0 $0x1;
	_ =	shalt  }
.Lfunc_end2:
_tile_overlayer_lowered:
.L_overlay_start_2:
0x24c: {  	(tag) =	ssettag $0x2  }
0x24d: {  	s0 =	rddreg [dreg:$0x0];
	s2 =	stileid.u32  }
0x24e: {  	s1 =	rddreg [dreg:$0x1];
	p0 =	sne.s32 s2, $0x0  }
0x24f: {  	s3 =	rddreg [dreg:$0x2];
	[bflag:$0x3] =	sbarrier.arrive $0xFFFF;
	s2 =	simm.s32 @!p0 $0x1C05  }
0x250: {  	[timem:s3], [sflag:s2] =	dma.local @!p0 [hbm:s0], s1  }
0x251: {  	s0 =	simm.s32 @!p0 $0x5  }
0x252: {  	_ =	swait.ge @!p0 [sflag:s0], s1  }
0x253: {  	s1 =	ssub.s32 @!p0 $0x0, s1;
	[sflag:s0] =	ssyncset.done @!p0 $0x0  }
0x254: {  	[sflag:s0] =	ssyncadd.s32 @!p0 s1  }
0x255: {  	[bflag:$0x3] =	sbarrier.arrive $0xFFFF  }
0x256: {  	_ =	shalt  }

</sc_bundles>
